<compile_context>
chip_gen: v7x
topology: tpu7x:2x2x1
jax: 0.10.2.dev20260603
libtpu: 0.0.44.dev20260713+nightly
codegen_flags: <defaults>
</compile_context>

<pallas_src>
import jax
import jax.numpy as jnp
from jax import lax
from jax.experimental import pallas as pl
from jax.experimental.pallas import tpu as pltpu
from jax.experimental.pallas import tpu_sc as plsc

H = 512
W = 512
HW = H * W
NC = 2
NS = 16
L = 16
NW = NC * NS
PIX = HW // NW
CH = 3
TILE = 128
TPW = PIX // TILE


def _body(img_hbm, coords_hbm, colors_hbm, co_v, px_v, sem_in, sem_out,
          sem_col):
    wid = lax.axis_index("s") * NC + lax.axis_index("c")
    base = wid * PIX
    rows = PIX // W

    half = rows // 2
    in_cps = []
    for c in range(CH):
        for h in range(2):
            in_cps.append(pltpu.async_copy(
                img_hbm.at[0, c, pl.ds(wid * rows + h * half, half), :],
                px_v.at[c, pl.ds(h * half, half), :], sem_in))

    lanes = lax.iota(jnp.int32, L)
    ramps = [j * L + lanes for j in range(TILE // L)]

    def tilegen(tt, carry):
        t = wid * TPW + tt
        y = t >> 2
        x0 = (t & 3) * TILE
        o = tt * (2 * TILE)
        for j in range(TILE // L):
            co_v[pl.ds(o + j * L, L)] = jnp.broadcast_to(y, (L,))
            co_v[pl.ds(o + TILE + j * L, L)] = x0 + ramps[j]
        return carry

    lax.fori_loop(0, TPW, tilegen, 0)

    out_cp = pltpu.async_copy(co_v, coords_hbm.at[pl.ds(base * 2, PIX * 2)],
                              sem_out)
    col_cps = []
    for c in range(CH):
        for h in range(2):
            in_cps[c * 2 + h].wait()
            for r in range(h * half, (h + 1) * half):
                col_cps.append(pltpu.async_copy(
                    px_v.at[c, r],
                    colors_hbm.at[pl.ds(c * HW + base + r * W, W)], sem_col))
    for cp in col_cps:
        cp.wait()
    out_cp.wait()


@jax.jit
def kernel(image):
    mesh = plsc.VectorSubcoreMesh(
        core_axis_name="c", subcore_axis_name="s", num_cores=NC, num_subcores=NS)
    coords_flat, colors_flat = pl.kernel(
        _body,
        out_type=(
            jax.ShapeDtypeStruct((2 * HW,), jnp.int32),
            jax.ShapeDtypeStruct((CH * HW,), jnp.float32),
        ),
        mesh=mesh,
        scratch_types=[
            pltpu.VMEM((2 * PIX,), jnp.int32),
            pltpu.VMEM((CH, HW // W // NW, W), jnp.float32),
            pltpu.SemaphoreType.DMA,
            pltpu.SemaphoreType.DMA,
            pltpu.SemaphoreType.DMA,
        ],
        compiler_params=pltpu.CompilerParams(needs_layout_passes=False),
    )(image)
    coords = coords_flat.reshape(HW // TILE, 2, TILE).transpose(0, 2, 1)
    colors = colors_flat.reshape(CH, 1, HW).transpose(1, 2, 0)
    return coords.reshape(HW, 2), colors

# --- scband reference (transcript-rebuilt; emitter-appended) ---
"""Pipeline reference for scband-all-pixel-sampler-60404420051279 (READ-ONLY COPY).

The authoritative reference and input builder live on the scoring server;
editing this copy changes nothing except your own understanding.
"""

import jax, jax.numpy as jnp
import numpy as np

H, W = 512, 512

def setup_inputs(seed: int = 0) -> dict:
    key = jax.random.key(seed)
    image = jax.random.normal(key, (1, 3, H, W), dtype=jnp.float32)
    return {"image": image}

def reference(image):
    # torch.meshgrid default is 'ij' indexing
    ys_g, xs_g = jnp.meshgrid(jnp.arange(H, dtype=jnp.float32), jnp.arange(W, dtype=jnp.float32), indexing='ij')
    coords = jnp.stack([ys_g, xs_g], axis=-1).reshape(-1, 2)
    sample_coordinates = coords.astype(jnp.int32)
    ys = sample_coordinates[..., 0]
    xs = sample_coordinates[..., 1]
    # gather: image[:, :, ys, xs] -> (1, 3, H*W)
    sample_colors = image[:, :, ys, xs]
    sample_colors = jnp.transpose(sample_colors, (0, 2, 1))  # (1, H*W, 3)
    return (sample_coordinates, sample_colors)

if __name__ == "__main__":
    import jax
    _d = setup_inputs()
    print(jax.jit(kernel)(*tuple(_d.values())))

</pallas_src>

<mosaic_0001>
#map = affine_map<(d0, d1) -> (0, 0, 0, 0)>
#map1 = affine_map<(d0, d1) -> (0)>
module attributes {stable_mosaic.version = 14 : i64} {
  func.func @_body(%arg0: i32, %arg1: i32, %arg2: memref<1x3x512x512xf32, #tpu.memory_space<hbm>>, %arg3: memref<524288xi32, #tpu.memory_space<hbm>>, %arg4: memref<786432xf32, #tpu.memory_space<hbm>>, %arg5: memref<16384xi32, #tpu.memory_space<vmem>>, %arg6: memref<3x16x512xf32, #tpu.memory_space<vmem>>, %arg7: memref<!tpu.dma_semaphore, #tpu.memory_space<semaphore_mem>>, %arg8: memref<!tpu.dma_semaphore, #tpu.memory_space<semaphore_mem>>, %arg9: memref<!tpu.dma_semaphore, #tpu.memory_space<semaphore_mem>>) attributes {dimension_semantics = [#tpu.dimension_semantics<core_parallel>, #tpu.dimension_semantics<subcore_parallel>], iteration_bounds = array<i64: 2, 16>, scalar_prefetch = 0 : i64, scratch_operands = 5 : i64, tpu.core_type = #tpu.core_type<sc_vector_subcore>, window_params = [{transform_indices = #map}, {transform_indices = #map1}, {transform_indices = #map1}]} {
    %mul3A = arith.constant 2 : i32
    %mul3A_0 = arith.muli %arg1, %mul3A : i32
    %add3A = arith.addi %mul3A_0, %arg0 : i32
    %mul3A_1 = arith.constant 8192 : i32
    %mul3A_2 = arith.muli %add3A, %mul3A_1 : i32
    %mul3A_3 = arith.constant 16 : i32
    %mul3A_4 = arith.muli %add3A, %mul3A_3 : i32
    %add3A_5 = arith.constant 0 : i32
    %add3A_6 = arith.addi %mul3A_4, %add3A_5 : i32
    %dma_start3A = arith.constant 0 : i32
    %dma_start3A_7 = arith.constant 0 : i32
    %dma_start3A_8 = arith.constant 0 : i32
    %dma_start3A_9 = arith.constant 0 : i32
    %dma_start3A_10 = arith.constant 0 : i32
    %dma_start3A_11 = tpu.memref_slice %arg6[%dma_start3A_8, %dma_start3A_9, %dma_start3A_10] : memref<3x16x512xf32, #tpu.memory_space<vmem>> -> memref<1x8x512xf32, #tpu.memory_space<vmem>>
    %dma_start3A_12 = tpu.memref_squeeze %dma_start3A_11 : memref<1x8x512xf32, #tpu.memory_space<vmem>> -> memref<8x512xf32, #tpu.memory_space<vmem>>
    %dma_start3A_13 = arith.constant 0 : i32
    %dma_start3A_14 = tpu.memref_slice %arg2[%dma_start3A, %dma_start3A_7, %add3A_6, %dma_start3A_13] : memref<1x3x512x512xf32, #tpu.memory_space<hbm>> -> memref<1x1x8x512xf32, #tpu.memory_space<hbm>>
    %dma_start3A_15 = tpu.memref_squeeze %dma_start3A_14 : memref<1x1x8x512xf32, #tpu.memory_space<hbm>> -> memref<8x512xf32, #tpu.memory_space<hbm>>
    %dma_start3A_16 = arith.constant 0 : i32
    %dma_start3A_17 = arith.constant 0 : i32
    %dma_start3A_18 = tpu.memref_slice %arg6[%dma_start3A_8, %dma_start3A_16, %dma_start3A_17] : memref<3x16x512xf32, #tpu.memory_space<vmem>> -> memref<1x8x512xf32, #tpu.memory_space<vmem>>
    %dma_start3A_19 = tpu.memref_squeeze %dma_start3A_18 : memref<1x8x512xf32, #tpu.memory_space<vmem>> -> memref<8x512xf32, #tpu.memory_space<vmem>>
    %dma_start3A_20 = arith.constant 0 : i32
    %dma_start3A_21 = tpu.memref_slice %arg2[%dma_start3A, %dma_start3A_7, %add3A_6, %dma_start3A_20] : memref<1x3x512x512xf32, #tpu.memory_space<hbm>> -> memref<1x1x8x512xf32, #tpu.memory_space<hbm>>
    %dma_start3A_22 = tpu.memref_squeeze %dma_start3A_21 : memref<1x1x8x512xf32, #tpu.memory_space<hbm>> -> memref<8x512xf32, #tpu.memory_space<hbm>>
    tpu.enqueue_dma source(%dma_start3A_22 : memref<8x512xf32, #tpu.memory_space<hbm>>) target(%dma_start3A_19 : memref<8x512xf32, #tpu.memory_space<vmem>>) target_semaphore(%arg7 : memref<!tpu.dma_semaphore, #tpu.memory_space<semaphore_mem>>)
    %mul3A_23 = arith.constant 16 : i32
    %mul3A_24 = arith.muli %add3A, %mul3A_23 : i32
    %add3A_25 = arith.constant 8 : i32
    %add3A_26 = arith.addi %mul3A_24, %add3A_25 : i32
    %dma_start3A_27 = arith.constant 0 : i32
    %dma_start3A_28 = arith.constant 0 : i32
    %dma_start3A_29 = arith.constant 0 : i32
    %dma_start3A_30 = arith.constant 8 : i32
    %dma_start3A_31 = arith.constant 0 : i32
    %dma_start3A_32 = tpu.memref_slice %arg6[%dma_start3A_29, %dma_start3A_30, %dma_start3A_31] : memref<3x16x512xf32, #tpu.memory_space<vmem>> -> memref<1x8x512xf32, #tpu.memory_space<vmem>>
    %dma_start3A_33 = tpu.memref_squeeze %dma_start3A_32 : memref<1x8x512xf32, #tpu.memory_space<vmem>> -> memref<8x512xf32, #tpu.memory_space<vmem>>
    %dma_start3A_34 = arith.constant 0 : i32
    %dma_start3A_35 = tpu.memref_slice %arg2[%dma_start3A_27, %dma_start3A_28, %add3A_26, %dma_start3A_34] : memref<1x3x512x512xf32, #tpu.memory_space<hbm>> -> memref<1x1x8x512xf32, #tpu.memory_space<hbm>>
    %dma_start3A_36 = tpu.memref_squeeze %dma_start3A_35 : memref<1x1x8x512xf32, #tpu.memory_space<hbm>> -> memref<8x512xf32, #tpu.memory_space<hbm>>
    %dma_start3A_37 = arith.constant 8 : i32
    %dma_start3A_38 = arith.constant 0 : i32
    %dma_start3A_39 = tpu.memref_slice %arg6[%dma_start3A_29, %dma_start3A_37, %dma_start3A_38] : memref<3x16x512xf32, #tpu.memory_space<vmem>> -> memref<1x8x512xf32, #tpu.memory_space<vmem>>
    %dma_start3A_40 = tpu.memref_squeeze %dma_start3A_39 : memref<1x8x512xf32, #tpu.memory_space<vmem>> -> memref<8x512xf32, #tpu.memory_space<vmem>>
    %dma_start3A_41 = arith.constant 0 : i32
    %dma_start3A_42 = tpu.memref_slice %arg2[%dma_start3A_27, %dma_start3A_28, %add3A_26, %dma_start3A_41] : memref<1x3x512x512xf32, #tpu.memory_space<hbm>> -> memref<1x1x8x512xf32, #tpu.memory_space<hbm>>
    %dma_start3A_43 = tpu.memref_squeeze %dma_start3A_42 : memref<1x1x8x512xf32, #tpu.memory_space<hbm>> -> memref<8x512xf32, #tpu.memory_space<hbm>>
    tpu.enqueue_dma source(%dma_start3A_43 : memref<8x512xf32, #tpu.memory_space<hbm>>) target(%dma_start3A_40 : memref<8x512xf32, #tpu.memory_space<vmem>>) target_semaphore(%arg7 : memref<!tpu.dma_semaphore, #tpu.memory_space<semaphore_mem>>)
    %mul3A_44 = arith.constant 16 : i32
    %mul3A_45 = arith.muli %add3A, %mul3A_44 : i32
    %add3A_46 = arith.constant 0 : i32
    %add3A_47 = arith.addi %mul3A_45, %add3A_46 : i32
    %dma_start3A_48 = arith.constant 0 : i32
    %dma_start3A_49 = arith.constant 1 : i32
    %dma_start3A_50 = arith.constant 1 : i32
    %dma_start3A_51 = arith.constant 0 : i32
    %dma_start3A_52 = arith.constant 0 : i32
    %dma_start3A_53 = tpu.memref_slice %arg6[%dma_start3A_50, %dma_start3A_51, %dma_start3A_52] : memref<3x16x512xf32, #tpu.memory_space<vmem>> -> memref<1x8x512xf32, #tpu.memory_space<vmem>>
    %dma_start3A_54 = tpu.memref_squeeze %dma_start3A_53 : memref<1x8x512xf32, #tpu.memory_space<vmem>> -> memref<8x512xf32, #tpu.memory_space<vmem>>
    %dma_start3A_55 = arith.constant 0 : i32
    %dma_start3A_56 = tpu.memref_slice %arg2[%dma_start3A_48, %dma_start3A_49, %add3A_47, %dma_start3A_55] : memref<1x3x512x512xf32, #tpu.memory_space<hbm>> -> memref<1x1x8x512xf32, #tpu.memory_space<hbm>>
    %dma_start3A_57 = tpu.memref_squeeze %dma_start3A_56 : memref<1x1x8x512xf32, #tpu.memory_space<hbm>> -> memref<8x512xf32, #tpu.memory_space<hbm>>
    %dma_start3A_58 = arith.constant 0 : i32
    %dma_start3A_59 = arith.constant 0 : i32
    %dma_start3A_60 = tpu.memref_slice %arg6[%dma_start3A_50, %dma_start3A_58, %dma_start3A_59] : memref<3x16x512xf32, #tpu.memory_space<vmem>> -> memref<1x8x512xf32, #tpu.memory_space<vmem>>
    %dma_start3A_61 = tpu.memref_squeeze %dma_start3A_60 : memref<1x8x512xf32, #tpu.memory_space<vmem>> -> memref<8x512xf32, #tpu.memory_space<vmem>>
    %dma_start3A_62 = arith.constant 0 : i32
    %dma_start3A_63 = tpu.memref_slice %arg2[%dma_start3A_48, %dma_start3A_49, %add3A_47, %dma_start3A_62] : memref<1x3x512x512xf32, #tpu.memory_space<hbm>> -> memref<1x1x8x512xf32, #tpu.memory_space<hbm>>
    %dma_start3A_64 = tpu.memref_squeeze %dma_start3A_63 : memref<1x1x8x512xf32, #tpu.memory_space<hbm>> -> memref<8x512xf32, #tpu.memory_space<hbm>>
    tpu.enqueue_dma source(%dma_start3A_64 : memref<8x512xf32, #tpu.memory_space<hbm>>) target(%dma_start3A_61 : memref<8x512xf32, #tpu.memory_space<vmem>>) target_semaphore(%arg7 : memref<!tpu.dma_semaphore, #tpu.memory_space<semaphore_mem>>)
    %mul3A_65 = arith.constant 16 : i32
    %mul3A_66 = arith.muli %add3A, %mul3A_65 : i32
    %add3A_67 = arith.constant 8 : i32
    %add3A_68 = arith.addi %mul3A_66, %add3A_67 : i32
    %dma_start3A_69 = arith.constant 0 : i32
    %dma_start3A_70 = arith.constant 1 : i32
    %dma_start3A_71 = arith.constant 1 : i32
    %dma_start3A_72 = arith.constant 8 : i32
    %dma_start3A_73 = arith.constant 0 : i32
    %dma_start3A_74 = tpu.memref_slice %arg6[%dma_start3A_71, %dma_start3A_72, %dma_start3A_73] : memref<3x16x512xf32, #tpu.memory_space<vmem>> -> memref<1x8x512xf32, #tpu.memory_space<vmem>>
    %dma_start3A_75 = tpu.memref_squeeze %dma_start3A_74 : memref<1x8x512xf32, #tpu.memory_space<vmem>> -> memref<8x512xf32, #tpu.memory_space<vmem>>
    %dma_start3A_76 = arith.constant 0 : i32
    %dma_start3A_77 = tpu.memref_slice %arg2[%dma_start3A_69, %dma_start3A_70, %add3A_68, %dma_start3A_76] : memref<1x3x512x512xf32, #tpu.memory_space<hbm>> -> memref<1x1x8x512xf32, #tpu.memory_space<hbm>>
    %dma_start3A_78 = tpu.memref_squeeze %dma_start3A_77 : memref<1x1x8x512xf32, #tpu.memory_space<hbm>> -> memref<8x512xf32, #tpu.memory_space<hbm>>
    %dma_start3A_79 = arith.constant 8 : i32
    %dma_start3A_80 = arith.constant 0 : i32
    %dma_start3A_81 = tpu.memref_slice %arg6[%dma_start3A_71, %dma_start3A_79, %dma_start3A_80] : memref<3x16x512xf32, #tpu.memory_space<vmem>> -> memref<1x8x512xf32, #tpu.memory_space<vmem>>
    %dma_start3A_82 = tpu.memref_squeeze %dma_start3A_81 : memref<1x8x512xf32, #tpu.memory_space<vmem>> -> memref<8x512xf32, #tpu.memory_space<vmem>>
    %dma_start3A_83 = arith.constant 0 : i32
    %dma_start3A_84 = tpu.memref_slice %arg2[%dma_start3A_69, %dma_start3A_70, %add3A_68, %dma_start3A_83] : memref<1x3x512x512xf32, #tpu.memory_space<hbm>> -> memref<1x1x8x512xf32, #tpu.memory_space<hbm>>
    %dma_start3A_85 = tpu.memref_squeeze %dma_start3A_84 : memref<1x1x8x512xf32, #tpu.memory_space<hbm>> -> memref<8x512xf32, #tpu.memory_space<hbm>>
    tpu.enqueue_dma source(%dma_start3A_85 : memref<8x512xf32, #tpu.memory_space<hbm>>) target(%dma_start3A_82 : memref<8x512xf32, #tpu.memory_space<vmem>>) target_semaphore(%arg7 : memref<!tpu.dma_semaphore, #tpu.memory_space<semaphore_mem>>)
    %mul3A_86 = arith.constant 16 : i32
    %mul3A_87 = arith.muli %add3A, %mul3A_86 : i32
    %add3A_88 = arith.constant 0 : i32
    %add3A_89 = arith.addi %mul3A_87, %add3A_88 : i32
    %dma_start3A_90 = arith.constant 0 : i32
    %dma_start3A_91 = arith.constant 2 : i32
    %dma_start3A_92 = arith.constant 2 : i32
    %dma_start3A_93 = arith.constant 0 : i32
    %dma_start3A_94 = arith.constant 0 : i32
    %dma_start3A_95 = tpu.memref_slice %arg6[%dma_start3A_92, %dma_start3A_93, %dma_start3A_94] : memref<3x16x512xf32, #tpu.memory_space<vmem>> -> memref<1x8x512xf32, #tpu.memory_space<vmem>>
    %dma_start3A_96 = tpu.memref_squeeze %dma_start3A_95 : memref<1x8x512xf32, #tpu.memory_space<vmem>> -> memref<8x512xf32, #tpu.memory_space<vmem>>
    %dma_start3A_97 = arith.constant 0 : i32
    %dma_start3A_98 = tpu.memref_slice %arg2[%dma_start3A_90, %dma_start3A_91, %add3A_89, %dma_start3A_97] : memref<1x3x512x512xf32, #tpu.memory_space<hbm>> -> memref<1x1x8x512xf32, #tpu.memory_space<hbm>>
    %dma_start3A_99 = tpu.memref_squeeze %dma_start3A_98 : memref<1x1x8x512xf32, #tpu.memory_space<hbm>> -> memref<8x512xf32, #tpu.memory_space<hbm>>
    %dma_start3A_100 = arith.constant 0 : i32
    %dma_start3A_101 = arith.constant 0 : i32
    %dma_start3A_102 = tpu.memref_slice %arg6[%dma_start3A_92, %dma_start3A_100, %dma_start3A_101] : memref<3x16x512xf32, #tpu.memory_space<vmem>> -> memref<1x8x512xf32, #tpu.memory_space<vmem>>
    %dma_start3A_103 = tpu.memref_squeeze %dma_start3A_102 : memref<1x8x512xf32, #tpu.memory_space<vmem>> -> memref<8x512xf32, #tpu.memory_space<vmem>>
    %dma_start3A_104 = arith.constant 0 : i32
    %dma_start3A_105 = tpu.memref_slice %arg2[%dma_start3A_90, %dma_start3A_91, %add3A_89, %dma_start3A_104] : memref<1x3x512x512xf32, #tpu.memory_space<hbm>> -> memref<1x1x8x512xf32, #tpu.memory_space<hbm>>
    %dma_start3A_106 = tpu.memref_squeeze %dma_start3A_105 : memref<1x1x8x512xf32, #tpu.memory_space<hbm>> -> memref<8x512xf32, #tpu.memory_space<hbm>>
    tpu.enqueue_dma source(%dma_start3A_106 : memref<8x512xf32, #tpu.memory_space<hbm>>) target(%dma_start3A_103 : memref<8x512xf32, #tpu.memory_space<vmem>>) target_semaphore(%arg7 : memref<!tpu.dma_semaphore, #tpu.memory_space<semaphore_mem>>)
    %mul3A_107 = arith.constant 16 : i32
    %mul3A_108 = arith.muli %add3A, %mul3A_107 : i32
    %add3A_109 = arith.constant 8 : i32
    %add3A_110 = arith.addi %mul3A_108, %add3A_109 : i32
    %dma_start3A_111 = arith.constant 0 : i32
    %dma_start3A_112 = arith.constant 2 : i32
    %dma_start3A_113 = arith.constant 2 : i32
    %dma_start3A_114 = arith.constant 8 : i32
    %dma_start3A_115 = arith.constant 0 : i32
    %dma_start3A_116 = tpu.memref_slice %arg6[%dma_start3A_113, %dma_start3A_114, %dma_start3A_115] : memref<3x16x512xf32, #tpu.memory_space<vmem>> -> memref<1x8x512xf32, #tpu.memory_space<vmem>>
    %dma_start3A_117 = tpu.memref_squeeze %dma_start3A_116 : memref<1x8x512xf32, #tpu.memory_space<vmem>> -> memref<8x512xf32, #tpu.memory_space<vmem>>
    %dma_start3A_118 = arith.constant 0 : i32
    %dma_start3A_119 = tpu.memref_slice %arg2[%dma_start3A_111, %dma_start3A_112, %add3A_110, %dma_start3A_118] : memref<1x3x512x512xf32, #tpu.memory_space<hbm>> -> memref<1x1x8x512xf32, #tpu.memory_space<hbm>>
    %dma_start3A_120 = tpu.memref_squeeze %dma_start3A_119 : memref<1x1x8x512xf32, #tpu.memory_space<hbm>> -> memref<8x512xf32, #tpu.memory_space<hbm>>
    %dma_start3A_121 = arith.constant 8 : i32
    %dma_start3A_122 = arith.constant 0 : i32
    %dma_start3A_123 = tpu.memref_slice %arg6[%dma_start3A_113, %dma_start3A_121, %dma_start3A_122] : memref<3x16x512xf32, #tpu.memory_space<vmem>> -> memref<1x8x512xf32, #tpu.memory_space<vmem>>
    %dma_start3A_124 = tpu.memref_squeeze %dma_start3A_123 : memref<1x8x512xf32, #tpu.memory_space<vmem>> -> memref<8x512xf32, #tpu.memory_space<vmem>>
    %dma_start3A_125 = arith.constant 0 : i32
    %dma_start3A_126 = tpu.memref_slice %arg2[%dma_start3A_111, %dma_start3A_112, %add3A_110, %dma_start3A_125] : memref<1x3x512x512xf32, #tpu.memory_space<hbm>> -> memref<1x1x8x512xf32, #tpu.memory_space<hbm>>
    %dma_start3A_127 = tpu.memref_squeeze %dma_start3A_126 : memref<1x1x8x512xf32, #tpu.memory_space<hbm>> -> memref<8x512xf32, #tpu.memory_space<hbm>>
    tpu.enqueue_dma source(%dma_start3A_127 : memref<8x512xf32, #tpu.memory_space<hbm>>) target(%dma_start3A_124 : memref<8x512xf32, #tpu.memory_space<vmem>>) target_semaphore(%arg7 : memref<!tpu.dma_semaphore, #tpu.memory_space<semaphore_mem>>)
    %iota3A = tpu.iota {dimensions = array<i32: 0>} : vector<16xi32>
    %add3A_128 = arith.constant 0 : i32
    %add3A_129 = vector.broadcast %add3A_128 : i32 to vector<16xi32>
    %add3A_130 = arith.addi %add3A_129, %iota3A : vector<16xi32>
    %add3A_131 = arith.constant 16 : i32
    %add3A_132 = vector.broadcast %add3A_131 : i32 to vector<16xi32>
    %add3A_133 = arith.addi %add3A_132, %iota3A : vector<16xi32>
    %add3A_134 = arith.constant 32 : i32
    %add3A_135 = vector.broadcast %add3A_134 : i32 to vector<16xi32>
    %add3A_136 = arith.addi %add3A_135, %iota3A : vector<16xi32>
    %add3A_137 = arith.constant 48 : i32
    %add3A_138 = vector.broadcast %add3A_137 : i32 to vector<16xi32>
    %add3A_139 = arith.addi %add3A_138, %iota3A : vector<16xi32>
    %add3A_140 = arith.constant 64 : i32
    %add3A_141 = vector.broadcast %add3A_140 : i32 to vector<16xi32>
    %add3A_142 = arith.addi %add3A_141, %iota3A : vector<16xi32>
    %add3A_143 = arith.constant 80 : i32
    %add3A_144 = vector.broadcast %add3A_143 : i32 to vector<16xi32>
    %add3A_145 = arith.addi %add3A_144, %iota3A : vector<16xi32>
    %add3A_146 = arith.constant 96 : i32
    %add3A_147 = vector.broadcast %add3A_146 : i32 to vector<16xi32>
    %add3A_148 = arith.addi %add3A_147, %iota3A : vector<16xi32>
    %add3A_149 = arith.constant 112 : i32
    %add3A_150 = vector.broadcast %add3A_149 : i32 to vector<16xi32>
    %add3A_151 = arith.addi %add3A_150, %iota3A : vector<16xi32>
    %scan3A = arith.constant 0 : i32
    %scan3A_152 = arith.constant 0 : i32
    %scan3A_153 = arith.constant 64 : i32
    %scan3A_154 = arith.addi %scan3A_152, %scan3A_153 : i32
    %scan3A_155 = arith.constant 1 : i32
    scf.for %scan3A_1416 = %scan3A_152 to %scan3A_154 step %scan3A_155  : i32 {
      %mul3A_1417 = arith.constant 64 : i32
      %mul3A_1418 = arith.muli %add3A, %mul3A_1417 : i32
      %add3A_1419 = arith.addi %mul3A_1418, %scan3A_1416 : i32
      %shift_right_arithmetic3A = arith.constant 2 : i32
      %shift_right_arithmetic3A_1420 = arith.shrsi %add3A_1419, %shift_right_arithmetic3A : i32
      %and3A = arith.constant 3 : i32
      %and3A_1421 = arith.andi %add3A_1419, %and3A : i32
      %mul3A_1422 = arith.constant 128 : i32
      %mul3A_1423 = arith.muli %and3A_1421, %mul3A_1422 : i32
      %mul3A_1424 = arith.constant 256 : i32
      %mul3A_1425 = arith.muli %scan3A_1416, %mul3A_1424 : i32
      %broadcast_in_dim3A = vector.broadcast %shift_right_arithmetic3A_1420 : i32 to vector<16xi32>
      %add3A_1426 = arith.constant 0 : i32
      %add3A_1427 = arith.addi %mul3A_1425, %add3A_1426 : i32
      %swap3A = arith.index_cast %add3A_1427 : i32 to index
      %swap3A_1428 = tpu.vector_load %arg5[%swap3A] {strides = array<i32>} : memref<16384xi32, #tpu.memory_space<vmem>>, vector<16xi32>,
      tpu.vector_store %arg5[%swap3A], %broadcast_in_dim3A {strides = array<i32>} : memref<16384xi32, #tpu.memory_space<vmem>>, vector<16xi32>,
      %add3A_1429 = vector.broadcast %mul3A_1423 : i32 to vector<16xi32>
      %add3A_1430 = arith.addi %add3A_1429, %add3A_130 : vector<16xi32>
      %add3A_1431 = arith.constant 128 : i32
      %add3A_1432 = arith.addi %mul3A_1425, %add3A_1431 : i32
      %add3A_1433 = arith.constant 0 : i32
      %add3A_1434 = arith.addi %add3A_1432, %add3A_1433 : i32
      %swap3A_1435 = arith.index_cast %add3A_1434 : i32 to index
      %swap3A_1436 = tpu.vector_load %arg5[%swap3A_1435] {strides = array<i32>} : memref<16384xi32, #tpu.memory_space<vmem>>, vector<16xi32>,
      tpu.vector_store %arg5[%swap3A_1435], %add3A_1430 {strides = array<i32>} : memref<16384xi32, #tpu.memory_space<vmem>>, vector<16xi32>,
      %broadcast_in_dim3A_1437 = vector.broadcast %shift_right_arithmetic3A_1420 : i32 to vector<16xi32>
      %add3A_1438 = arith.constant 16 : i32
      %add3A_1439 = arith.addi %mul3A_1425, %add3A_1438 : i32
      %swap3A_1440 = arith.index_cast %add3A_1439 : i32 to index
      %swap3A_1441 = tpu.vector_load %arg5[%swap3A_1440] {strides = array<i32>} : memref<16384xi32, #tpu.memory_space<vmem>>, vector<16xi32>,
      tpu.vector_store %arg5[%swap3A_1440], %broadcast_in_dim3A_1437 {strides = array<i32>} : memref<16384xi32, #tpu.memory_space<vmem>>, vector<16xi32>,
      %add3A_1442 = vector.broadcast %mul3A_1423 : i32 to vector<16xi32>
      %add3A_1443 = arith.addi %add3A_1442, %add3A_133 : vector<16xi32>
      %add3A_1444 = arith.constant 128 : i32
      %add3A_1445 = arith.addi %mul3A_1425, %add3A_1444 : i32
      %add3A_1446 = arith.constant 16 : i32
      %add3A_1447 = arith.addi %add3A_1445, %add3A_1446 : i32
      %swap3A_1448 = arith.index_cast %add3A_1447 : i32 to index
      %swap3A_1449 = tpu.vector_load %arg5[%swap3A_1448] {strides = array<i32>} : memref<16384xi32, #tpu.memory_space<vmem>>, vector<16xi32>,
      tpu.vector_store %arg5[%swap3A_1448], %add3A_1443 {strides = array<i32>} : memref<16384xi32, #tpu.memory_space<vmem>>, vector<16xi32>,
      %broadcast_in_dim3A_1450 = vector.broadcast %shift_right_arithmetic3A_1420 : i32 to vector<16xi32>
      %add3A_1451 = arith.constant 32 : i32
      %add3A_1452 = arith.addi %mul3A_1425, %add3A_1451 : i32
      %swap3A_1453 = arith.index_cast %add3A_1452 : i32 to index
      %swap3A_1454 = tpu.vector_load %arg5[%swap3A_1453] {strides = array<i32>} : memref<16384xi32, #tpu.memory_space<vmem>>, vector<16xi32>,
      tpu.vector_store %arg5[%swap3A_1453], %broadcast_in_dim3A_1450 {strides = array<i32>} : memref<16384xi32, #tpu.memory_space<vmem>>, vector<16xi32>,
      %add3A_1455 = vector.broadcast %mul3A_1423 : i32 to vector<16xi32>
      %add3A_1456 = arith.addi %add3A_1455, %add3A_136 : vector<16xi32>
      %add3A_1457 = arith.constant 128 : i32
      %add3A_1458 = arith.addi %mul3A_1425, %add3A_1457 : i32
      %add3A_1459 = arith.constant 32 : i32
      %add3A_1460 = arith.addi %add3A_1458, %add3A_1459 : i32
      %swap3A_1461 = arith.index_cast %add3A_1460 : i32 to index
      %swap3A_1462 = tpu.vector_load %arg5[%swap3A_1461] {strides = array<i32>} : memref<16384xi32, #tpu.memory_space<vmem>>, vector<16xi32>,
      tpu.vector_store %arg5[%swap3A_1461], %add3A_1456 {strides = array<i32>} : memref<16384xi32, #tpu.memory_space<vmem>>, vector<16xi32>,
      %broadcast_in_dim3A_1463 = vector.broadcast %shift_right_arithmetic3A_1420 : i32 to vector<16xi32>
      %add3A_1464 = arith.constant 48 : i32
      %add3A_1465 = arith.addi %mul3A_1425, %add3A_1464 : i32
      %swap3A_1466 = arith.index_cast %add3A_1465 : i32 to index
      %swap3A_1467 = tpu.vector_load %arg5[%swap3A_1466] {strides = array<i32>} : memref<16384xi32, #tpu.memory_space<vmem>>, vector<16xi32>,
      tpu.vector_store %arg5[%swap3A_1466], %broadcast_in_dim3A_1463 {strides = array<i32>} : memref<16384xi32, #tpu.memory_space<vmem>>, vector<16xi32>,
      %add3A_1468 = vector.broadcast %mul3A_1423 : i32 to vector<16xi32>
      %add3A_1469 = arith.addi %add3A_1468, %add3A_139 : vector<16xi32>
      %add3A_1470 = arith.constant 128 : i32
      %add3A_1471 = arith.addi %mul3A_1425, %add3A_1470 : i32
      %add3A_1472 = arith.constant 48 : i32
      %add3A_1473 = arith.addi %add3A_1471, %add3A_1472 : i32
      %swap3A_1474 = arith.index_cast %add3A_1473 : i32 to index
      %swap3A_1475 = tpu.vector_load %arg5[%swap3A_1474] {strides = array<i32>} : memref<16384xi32, #tpu.memory_space<vmem>>, vector<16xi32>,
      tpu.vector_store %arg5[%swap3A_1474], %add3A_1469 {strides = array<i32>} : memref<16384xi32, #tpu.memory_space<vmem>>, vector<16xi32>,
      %broadcast_in_dim3A_1476 = vector.broadcast %shift_right_arithmetic3A_1420 : i32 to vector<16xi32>
      %add3A_1477 = arith.constant 64 : i32
      %add3A_1478 = arith.addi %mul3A_1425, %add3A_1477 : i32
      %swap3A_1479 = arith.index_cast %add3A_1478 : i32 to index
      %swap3A_1480 = tpu.vector_load %arg5[%swap3A_1479] {strides = array<i32>} : memref<16384xi32, #tpu.memory_space<vmem>>, vector<16xi32>,
      tpu.vector_store %arg5[%swap3A_1479], %broadcast_in_dim3A_1476 {strides = array<i32>} : memref<16384xi32, #tpu.memory_space<vmem>>, vector<16xi32>,
      %add3A_1481 = vector.broadcast %mul3A_1423 : i32 to vector<16xi32>
      %add3A_1482 = arith.addi %add3A_1481, %add3A_142 : vector<16xi32>
      %add3A_1483 = arith.constant 128 : i32
      %add3A_1484 = arith.addi %mul3A_1425, %add3A_1483 : i32
      %add3A_1485 = arith.constant 64 : i32
      %add3A_1486 = arith.addi %add3A_1484, %add3A_1485 : i32
      %swap3A_1487 = arith.index_cast %add3A_1486 : i32 to index
      %swap3A_1488 = tpu.vector_load %arg5[%swap3A_1487] {strides = array<i32>} : memref<16384xi32, #tpu.memory_space<vmem>>, vector<16xi32>,
      tpu.vector_store %arg5[%swap3A_1487], %add3A_1482 {strides = array<i32>} : memref<16384xi32, #tpu.memory_space<vmem>>, vector<16xi32>,
      %broadcast_in_dim3A_1489 = vector.broadcast %shift_right_arithmetic3A_1420 : i32 to vector<16xi32>
      %add3A_1490 = arith.constant 80 : i32
      %add3A_1491 = arith.addi %mul3A_1425, %add3A_1490 : i32
      %swap3A_1492 = arith.index_cast %add3A_1491 : i32 to index
      %swap3A_1493 = tpu.vector_load %arg5[%swap3A_1492] {strides = array<i32>} : memref<16384xi32, #tpu.memory_space<vmem>>, vector<16xi32>,
      tpu.vector_store %arg5[%swap3A_1492], %broadcast_in_dim3A_1489 {strides = array<i32>} : memref<16384xi32, #tpu.memory_space<vmem>>, vector<16xi32>,
      %add3A_1494 = vector.broadcast %mul3A_1423 : i32 to vector<16xi32>
      %add3A_1495 = arith.addi %add3A_1494, %add3A_145 : vector<16xi32>
      %add3A_1496 = arith.constant 128 : i32
      %add3A_1497 = arith.addi %mul3A_1425, %add3A_1496 : i32
      %add3A_1498 = arith.constant 80 : i32
      %add3A_1499 = arith.addi %add3A_1497, %add3A_1498 : i32
      %swap3A_1500 = arith.index_cast %add3A_1499 : i32 to index
      %swap3A_1501 = tpu.vector_load %arg5[%swap3A_1500] {strides = array<i32>} : memref<16384xi32, #tpu.memory_space<vmem>>, vector<16xi32>,
      tpu.vector_store %arg5[%swap3A_1500], %add3A_1495 {strides = array<i32>} : memref<16384xi32, #tpu.memory_space<vmem>>, vector<16xi32>,
      %broadcast_in_dim3A_1502 = vector.broadcast %shift_right_arithmetic3A_1420 : i32 to vector<16xi32>
      %add3A_1503 = arith.constant 96 : i32
      %add3A_1504 = arith.addi %mul3A_1425, %add3A_1503 : i32
      %swap3A_1505 = arith.index_cast %add3A_1504 : i32 to index
      %swap3A_1506 = tpu.vector_load %arg5[%swap3A_1505] {strides = array<i32>} : memref<16384xi32, #tpu.memory_space<vmem>>, vector<16xi32>,
      tpu.vector_store %arg5[%swap3A_1505], %broadcast_in_dim3A_1502 {strides = array<i32>} : memref<16384xi32, #tpu.memory_space<vmem>>, vector<16xi32>,
      %add3A_1507 = vector.broadcast %mul3A_1423 : i32 to vector<16xi32>
      %add3A_1508 = arith.addi %add3A_1507, %add3A_148 : vector<16xi32>
      %add3A_1509 = arith.constant 128 : i32
      %add3A_1510 = arith.addi %mul3A_1425, %add3A_1509 : i32
      %add3A_1511 = arith.constant 96 : i32
      %add3A_1512 = arith.addi %add3A_1510, %add3A_1511 : i32
      %swap3A_1513 = arith.index_cast %add3A_1512 : i32 to index
      %swap3A_1514 = tpu.vector_load %arg5[%swap3A_1513] {strides = array<i32>} : memref<16384xi32, #tpu.memory_space<vmem>>, vector<16xi32>,
      tpu.vector_store %arg5[%swap3A_1513], %add3A_1508 {strides = array<i32>} : memref<16384xi32, #tpu.memory_space<vmem>>, vector<16xi32>,
      %broadcast_in_dim3A_1515 = vector.broadcast %shift_right_arithmetic3A_1420 : i32 to vector<16xi32>
      %add3A_1516 = arith.constant 112 : i32
      %add3A_1517 = arith.addi %mul3A_1425, %add3A_1516 : i32
      %swap3A_1518 = arith.index_cast %add3A_1517 : i32 to index
      %swap3A_1519 = tpu.vector_load %arg5[%swap3A_1518] {strides = array<i32>} : memref<16384xi32, #tpu.memory_space<vmem>>, vector<16xi32>,
      tpu.vector_store %arg5[%swap3A_1518], %broadcast_in_dim3A_1515 {strides = array<i32>} : memref<16384xi32, #tpu.memory_space<vmem>>, vector<16xi32>,
      %add3A_1520 = vector.broadcast %mul3A_1423 : i32 to vector<16xi32>
      %add3A_1521 = arith.addi %add3A_1520, %add3A_151 : vector<16xi32>
      %add3A_1522 = arith.constant 128 : i32
      %add3A_1523 = arith.addi %mul3A_1425, %add3A_1522 : i32
      %add3A_1524 = arith.constant 112 : i32
      %add3A_1525 = arith.addi %add3A_1523, %add3A_1524 : i32
      %swap3A_1526 = arith.index_cast %add3A_1525 : i32 to index
      %swap3A_1527 = tpu.vector_load %arg5[%swap3A_1526] {strides = array<i32>} : memref<16384xi32, #tpu.memory_space<vmem>>, vector<16xi32>,
      tpu.vector_store %arg5[%swap3A_1526], %add3A_1521 {strides = array<i32>} : memref<16384xi32, #tpu.memory_space<vmem>>, vector<16xi32>,
    }
    %scan3A_156 = arith.constant 64 : i32
    %mul3A_157 = arith.constant 2 : i32
    %mul3A_158 = arith.muli %mul3A_2, %mul3A_157 : i32
    %dma_start3A_159 = tpu.memref_slice %arg3[%mul3A_158] : memref<524288xi32, #tpu.memory_space<hbm>> -> memref<16384xi32, #tpu.memory_space<hbm>>
    %dma_start3A_160 = tpu.memref_slice %arg3[%mul3A_158] : memref<524288xi32, #tpu.memory_space<hbm>> -> memref<16384xi32, #tpu.memory_space<hbm>>
    tpu.enqueue_dma source(%arg5 : memref<16384xi32, #tpu.memory_space<vmem>>) target(%dma_start3A_160 : memref<16384xi32, #tpu.memory_space<hbm>>) target_semaphore(%arg8 : memref<!tpu.dma_semaphore, #tpu.memory_space<semaphore_mem>>)
    %dma_wait3A = arith.constant 0 : i32
    %dma_wait3A_161 = arith.constant 0 : i32
    %dma_wait3A_162 = arith.constant 0 : i32
    %dma_wait3A_163 = arith.constant 0 : i32
    %dma_wait3A_164 = arith.constant 0 : i32
    %dma_wait3A_165 = tpu.memref_slice %arg6[%dma_wait3A_162, %dma_wait3A_163, %dma_wait3A_164] : memref<3x16x512xf32, #tpu.memory_space<vmem>> -> memref<1x8x512xf32, #tpu.memory_space<vmem>>
    %dma_wait3A_166 = tpu.memref_squeeze %dma_wait3A_165 : memref<1x8x512xf32, #tpu.memory_space<vmem>> -> memref<8x512xf32, #tpu.memory_space<vmem>>
    %dma_wait3A_167 = arith.constant 0 : i32
    %dma_wait3A_168 = tpu.memref_slice %arg2[%dma_wait3A, %dma_wait3A_161, %add3A_6, %dma_wait3A_167] : memref<1x3x512x512xf32, #tpu.memory_space<hbm>> -> memref<1x1x8x512xf32, #tpu.memory_space<hbm>>
    %dma_wait3A_169 = tpu.memref_squeeze %dma_wait3A_168 : memref<1x1x8x512xf32, #tpu.memory_space<hbm>> -> memref<8x512xf32, #tpu.memory_space<hbm>>
    %dma_wait3A_170 = arith.constant 0 : i32
    %dma_wait3A_171 = arith.constant 0 : i32
    %dma_wait3A_172 = tpu.memref_slice %arg6[%dma_wait3A_162, %dma_wait3A_170, %dma_wait3A_171] : memref<3x16x512xf32, #tpu.memory_space<vmem>> -> memref<1x8x512xf32, #tpu.memory_space<vmem>>
    %dma_wait3A_173 = tpu.memref_squeeze %dma_wait3A_172 : memref<1x8x512xf32, #tpu.memory_space<vmem>> -> memref<8x512xf32, #tpu.memory_space<vmem>>
    %dma_wait3A_174 = arith.constant 0 : i32
    %dma_wait3A_175 = tpu.memref_slice %arg2[%dma_wait3A, %dma_wait3A_161, %add3A_6, %dma_wait3A_174] : memref<1x3x512x512xf32, #tpu.memory_space<hbm>> -> memref<1x1x8x512xf32, #tpu.memory_space<hbm>>
    %dma_wait3A_176 = tpu.memref_squeeze %dma_wait3A_175 : memref<1x1x8x512xf32, #tpu.memory_space<hbm>> -> memref<8x512xf32, #tpu.memory_space<hbm>>
    tpu.wait_dma2 semaphore(%arg7 : memref<!tpu.dma_semaphore, #tpu.memory_space<semaphore_mem>>) src(%dma_wait3A_176 : memref<8x512xf32, #tpu.memory_space<hbm>>) dst(%dma_wait3A_173 : memref<8x512xf32, #tpu.memory_space<vmem>>)
    %add3A_177 = arith.constant 0 : i32
    %add3A_178 = arith.addi %add3A_177, %mul3A_2 : i32
    %add3A_179 = arith.constant 0 : i32
    %add3A_180 = arith.addi %add3A_178, %add3A_179 : i32
    %dma_start3A_181 = arith.constant 0 : i32
    %dma_start3A_182 = arith.constant 0 : i32
    %dma_start3A_183 = arith.constant 0 : i32
    %dma_start3A_184 = tpu.memref_slice %arg6[%dma_start3A_181, %dma_start3A_182, %dma_start3A_183] : memref<3x16x512xf32, #tpu.memory_space<vmem>> -> memref<1x1x512xf32, #tpu.memory_space<vmem>>
    %dma_start3A_185 = tpu.memref_squeeze %dma_start3A_184 : memref<1x1x512xf32, #tpu.memory_space<vmem>> -> memref<512xf32, #tpu.memory_space<vmem>>
    %dma_start3A_186 = tpu.memref_slice %arg4[%add3A_180] : memref<786432xf32, #tpu.memory_space<hbm>> -> memref<512xf32, #tpu.memory_space<hbm>>
    %dma_start3A_187 = tpu.memref_slice %arg4[%add3A_180] : memref<786432xf32, #tpu.memory_space<hbm>> -> memref<512xf32, #tpu.memory_space<hbm>>
    %dma_start3A_188 = arith.constant 0 : i32
    %dma_start3A_189 = tpu.memref_slice %arg6[%dma_start3A_181, %dma_start3A_182, %dma_start3A_188] : memref<3x16x512xf32, #tpu.memory_space<vmem>> -> memref<1x1x512xf32, #tpu.memory_space<vmem>>
    %dma_start3A_190 = tpu.memref_squeeze %dma_start3A_189 : memref<1x1x512xf32, #tpu.memory_space<vmem>> -> memref<512xf32, #tpu.memory_space<vmem>>
    tpu.enqueue_dma source(%dma_start3A_190 : memref<512xf32, #tpu.memory_space<vmem>>) target(%dma_start3A_187 : memref<512xf32, #tpu.memory_space<hbm>>) target_semaphore(%arg9 : memref<!tpu.dma_semaphore, #tpu.memory_space<semaphore_mem>>)
    %add3A_191 = arith.constant 0 : i32
    %add3A_192 = arith.addi %add3A_191, %mul3A_2 : i32
    %add3A_193 = arith.constant 512 : i32
    %add3A_194 = arith.addi %add3A_192, %add3A_193 : i32
    %dma_start3A_195 = arith.constant 0 : i32
    %dma_start3A_196 = arith.constant 1 : i32
    %dma_start3A_197 = arith.constant 0 : i32
    %dma_start3A_198 = tpu.memref_slice %arg6[%dma_start3A_195, %dma_start3A_196, %dma_start3A_197] : memref<3x16x512xf32, #tpu.memory_space<vmem>> -> memref<1x1x512xf32, #tpu.memory_space<vmem>>
    %dma_start3A_199 = tpu.memref_squeeze %dma_start3A_198 : memref<1x1x512xf32, #tpu.memory_space<vmem>> -> memref<512xf32, #tpu.memory_space<vmem>>
    %dma_start3A_200 = tpu.memref_slice %arg4[%add3A_194] : memref<786432xf32, #tpu.memory_space<hbm>> -> memref<512xf32, #tpu.memory_space<hbm>>
    %dma_start3A_201 = tpu.memref_slice %arg4[%add3A_194] : memref<786432xf32, #tpu.memory_space<hbm>> -> memref<512xf32, #tpu.memory_space<hbm>>
    %dma_start3A_202 = arith.constant 0 : i32
    %dma_start3A_203 = tpu.memref_slice %arg6[%dma_start3A_195, %dma_start3A_196, %dma_start3A_202] : memref<3x16x512xf32, #tpu.memory_space<vmem>> -> memref<1x1x512xf32, #tpu.memory_space<vmem>>
    %dma_start3A_204 = tpu.memref_squeeze %dma_start3A_203 : memref<1x1x512xf32, #tpu.memory_space<vmem>> -> memref<512xf32, #tpu.memory_space<vmem>>
    tpu.enqueue_dma source(%dma_start3A_204 : memref<512xf32, #tpu.memory_space<vmem>>) target(%dma_start3A_201 : memref<512xf32, #tpu.memory_space<hbm>>) target_semaphore(%arg9 : memref<!tpu.dma_semaphore, #tpu.memory_space<semaphore_mem>>)
    %add3A_205 = arith.constant 0 : i32
    %add3A_206 = arith.addi %add3A_205, %mul3A_2 : i32
    %add3A_207 = arith.constant 1024 : i32
    %add3A_208 = arith.addi %add3A_206, %add3A_207 : i32
    %dma_start3A_209 = arith.constant 0 : i32
    %dma_start3A_210 = arith.constant 2 : i32
    %dma_start3A_211 = arith.constant 0 : i32
    %dma_start3A_212 = tpu.memref_slice %arg6[%dma_start3A_209, %dma_start3A_210, %dma_start3A_211] : memref<3x16x512xf32, #tpu.memory_space<vmem>> -> memref<1x1x512xf32, #tpu.memory_space<vmem>>
    %dma_start3A_213 = tpu.memref_squeeze %dma_start3A_212 : memref<1x1x512xf32, #tpu.memory_space<vmem>> -> memref<512xf32, #tpu.memory_space<vmem>>
    %dma_start3A_214 = tpu.memref_slice %arg4[%add3A_208] : memref<786432xf32, #tpu.memory_space<hbm>> -> memref<512xf32, #tpu.memory_space<hbm>>
    %dma_start3A_215 = tpu.memref_slice %arg4[%add3A_208] : memref<786432xf32, #tpu.memory_space<hbm>> -> memref<512xf32, #tpu.memory_space<hbm>>
    %dma_start3A_216 = arith.constant 0 : i32
    %dma_start3A_217 = tpu.memref_slice %arg6[%dma_start3A_209, %dma_start3A_210, %dma_start3A_216] : memref<3x16x512xf32, #tpu.memory_space<vmem>> -> memref<1x1x512xf32, #tpu.memory_space<vmem>>
    %dma_start3A_218 = tpu.memref_squeeze %dma_start3A_217 : memref<1x1x512xf32, #tpu.memory_space<vmem>> -> memref<512xf32, #tpu.memory_space<vmem>>
    tpu.enqueue_dma source(%dma_start3A_218 : memref<512xf32, #tpu.memory_space<vmem>>) target(%dma_start3A_215 : memref<512xf32, #tpu.memory_space<hbm>>) target_semaphore(%arg9 : memref<!tpu.dma_semaphore, #tpu.memory_space<semaphore_mem>>)
    %add3A_219 = arith.constant 0 : i32
    %add3A_220 = arith.addi %add3A_219, %mul3A_2 : i32
    %add3A_221 = arith.constant 1536 : i32
    %add3A_222 = arith.addi %add3A_220, %add3A_221 : i32
    %dma_start3A_223 = arith.constant 0 : i32
    %dma_start3A_224 = arith.constant 3 : i32
    %dma_start3A_225 = arith.constant 0 : i32
    %dma_start3A_226 = tpu.memref_slice %arg6[%dma_start3A_223, %dma_start3A_224, %dma_start3A_225] : memref<3x16x512xf32, #tpu.memory_space<vmem>> -> memref<1x1x512xf32, #tpu.memory_space<vmem>>
    %dma_start3A_227 = tpu.memref_squeeze %dma_start3A_226 : memref<1x1x512xf32, #tpu.memory_space<vmem>> -> memref<512xf32, #tpu.memory_space<vmem>>
    %dma_start3A_228 = tpu.memref_slice %arg4[%add3A_222] : memref<786432xf32, #tpu.memory_space<hbm>> -> memref<512xf32, #tpu.memory_space<hbm>>
    %dma_start3A_229 = tpu.memref_slice %arg4[%add3A_222] : memref<786432xf32, #tpu.memory_space<hbm>> -> memref<512xf32, #tpu.memory_space<hbm>>
    %dma_start3A_230 = arith.constant 0 : i32
    %dma_start3A_231 = tpu.memref_slice %arg6[%dma_start3A_223, %dma_start3A_224, %dma_start3A_230] : memref<3x16x512xf32, #tpu.memory_space<vmem>> -> memref<1x1x512xf32, #tpu.memory_space<vmem>>
    %dma_start3A_232 = tpu.memref_squeeze %dma_start3A_231 : memref<1x1x512xf32, #tpu.memory_space<vmem>> -> memref<512xf32, #tpu.memory_space<vmem>>
    tpu.enqueue_dma source(%dma_start3A_232 : memref<512xf32, #tpu.memory_space<vmem>>) target(%dma_start3A_229 : memref<512xf32, #tpu.memory_space<hbm>>) target_semaphore(%arg9 : memref<!tpu.dma_semaphore, #tpu.memory_space<semaphore_mem>>)
    %add3A_233 = arith.constant 0 : i32
    %add3A_234 = arith.addi %add3A_233, %mul3A_2 : i32
    %add3A_235 = arith.constant 2048 : i32
    %add3A_236 = arith.addi %add3A_234, %add3A_235 : i32
    %dma_start3A_237 = arith.constant 0 : i32
    %dma_start3A_238 = arith.constant 4 : i32
    %dma_start3A_239 = arith.constant 0 : i32
    %dma_start3A_240 = tpu.memref_slice %arg6[%dma_start3A_237, %dma_start3A_238, %dma_start3A_239] : memref<3x16x512xf32, #tpu.memory_space<vmem>> -> memref<1x1x512xf32, #tpu.memory_space<vmem>>
    %dma_start3A_241 = tpu.memref_squeeze %dma_start3A_240 : memref<1x1x512xf32, #tpu.memory_space<vmem>> -> memref<512xf32, #tpu.memory_space<vmem>>
    %dma_start3A_242 = tpu.memref_slice %arg4[%add3A_236] : memref<786432xf32, #tpu.memory_space<hbm>> -> memref<512xf32, #tpu.memory_space<hbm>>
    %dma_start3A_243 = tpu.memref_slice %arg4[%add3A_236] : memref<786432xf32, #tpu.memory_space<hbm>> -> memref<512xf32, #tpu.memory_space<hbm>>
    %dma_start3A_244 = arith.constant 0 : i32
    %dma_start3A_245 = tpu.memref_slice %arg6[%dma_start3A_237, %dma_start3A_238, %dma_start3A_244] : memref<3x16x512xf32, #tpu.memory_space<vmem>> -> memref<1x1x512xf32, #tpu.memory_space<vmem>>
    %dma_start3A_246 = tpu.memref_squeeze %dma_start3A_245 : memref<1x1x512xf32, #tpu.memory_space<vmem>> -> memref<512xf32, #tpu.memory_space<vmem>>
    tpu.enqueue_dma source(%dma_start3A_246 : memref<512xf32, #tpu.memory_space<vmem>>) target(%dma_start3A_243 : memref<512xf32, #tpu.memory_space<hbm>>) target_semaphore(%arg9 : memref<!tpu.dma_semaphore, #tpu.memory_space<semaphore_mem>>)
    %add3A_247 = arith.constant 0 : i32
    %add3A_248 = arith.addi %add3A_247, %mul3A_2 : i32
    %add3A_249 = arith.constant 2560 : i32
    %add3A_250 = arith.addi %add3A_248, %add3A_249 : i32
    %dma_start3A_251 = arith.constant 0 : i32
    %dma_start3A_252 = arith.constant 5 : i32
    %dma_start3A_253 = arith.constant 0 : i32
    %dma_start3A_254 = tpu.memref_slice %arg6[%dma_start3A_251, %dma_start3A_252, %dma_start3A_253] : memref<3x16x512xf32, #tpu.memory_space<vmem>> -> memref<1x1x512xf32, #tpu.memory_space<vmem>>
    %dma_start3A_255 = tpu.memref_squeeze %dma_start3A_254 : memref<1x1x512xf32, #tpu.memory_space<vmem>> -> memref<512xf32, #tpu.memory_space<vmem>>
    %dma_start3A_256 = tpu.memref_slice %arg4[%add3A_250] : memref<786432xf32, #tpu.memory_space<hbm>> -> memref<512xf32, #tpu.memory_space<hbm>>
    %dma_start3A_257 = tpu.memref_slice %arg4[%add3A_250] : memref<786432xf32, #tpu.memory_space<hbm>> -> memref<512xf32, #tpu.memory_space<hbm>>
    %dma_start3A_258 = arith.constant 0 : i32
    %dma_start3A_259 = tpu.memref_slice %arg6[%dma_start3A_251, %dma_start3A_252, %dma_start3A_258] : memref<3x16x512xf32, #tpu.memory_space<vmem>> -> memref<1x1x512xf32, #tpu.memory_space<vmem>>
    %dma_start3A_260 = tpu.memref_squeeze %dma_start3A_259 : memref<1x1x512xf32, #tpu.memory_space<vmem>> -> memref<512xf32, #tpu.memory_space<vmem>>
    tpu.enqueue_dma source(%dma_start3A_260 : memref<512xf32, #tpu.memory_space<vmem>>) target(%dma_start3A_257 : memref<512xf32, #tpu.memory_space<hbm>>) target_semaphore(%arg9 : memref<!tpu.dma_semaphore, #tpu.memory_space<semaphore_mem>>)
    %add3A_261 = arith.constant 0 : i32
    %add3A_262 = arith.addi %add3A_261, %mul3A_2 : i32
    %add3A_263 = arith.constant 3072 : i32
    %add3A_264 = arith.addi %add3A_262, %add3A_263 : i32
    %dma_start3A_265 = arith.constant 0 : i32
    %dma_start3A_266 = arith.constant 6 : i32
    %dma_start3A_267 = arith.constant 0 : i32
    %dma_start3A_268 = tpu.memref_slice %arg6[%dma_start3A_265, %dma_start3A_266, %dma_start3A_267] : memref<3x16x512xf32, #tpu.memory_space<vmem>> -> memref<1x1x512xf32, #tpu.memory_space<vmem>>
    %dma_start3A_269 = tpu.memref_squeeze %dma_start3A_268 : memref<1x1x512xf32, #tpu.memory_space<vmem>> -> memref<512xf32, #tpu.memory_space<vmem>>
    %dma_start3A_270 = tpu.memref_slice %arg4[%add3A_264] : memref<786432xf32, #tpu.memory_space<hbm>> -> memref<512xf32, #tpu.memory_space<hbm>>
    %dma_start3A_271 = tpu.memref_slice %arg4[%add3A_264] : memref<786432xf32, #tpu.memory_space<hbm>> -> memref<512xf32, #tpu.memory_space<hbm>>
    %dma_start3A_272 = arith.constant 0 : i32
    %dma_start3A_273 = tpu.memref_slice %arg6[%dma_start3A_265, %dma_start3A_266, %dma_start3A_272] : memref<3x16x512xf32, #tpu.memory_space<vmem>> -> memref<1x1x512xf32, #tpu.memory_space<vmem>>
    %dma_start3A_274 = tpu.memref_squeeze %dma_start3A_273 : memref<1x1x512xf32, #tpu.memory_space<vmem>> -> memref<512xf32, #tpu.memory_space<vmem>>
    tpu.enqueue_dma source(%dma_start3A_274 : memref<512xf32, #tpu.memory_space<vmem>>) target(%dma_start3A_271 : memref<512xf32, #tpu.memory_space<hbm>>) target_semaphore(%arg9 : memref<!tpu.dma_semaphore, #tpu.memory_space<semaphore_mem>>)
    %add3A_275 = arith.constant 0 : i32
    %add3A_276 = arith.addi %add3A_275, %mul3A_2 : i32
    %add3A_277 = arith.constant 3584 : i32
    %add3A_278 = arith.addi %add3A_276, %add3A_277 : i32
    %dma_start3A_279 = arith.constant 0 : i32
    %dma_start3A_280 = arith.constant 7 : i32
    %dma_start3A_281 = arith.constant 0 : i32
    %dma_start3A_282 = tpu.memref_slice %arg6[%dma_start3A_279, %dma_start3A_280, %dma_start3A_281] : memref<3x16x512xf32, #tpu.memory_space<vmem>> -> memref<1x1x512xf32, #tpu.memory_space<vmem>>
    %dma_start3A_283 = tpu.memref_squeeze %dma_start3A_282 : memref<1x1x512xf32, #tpu.memory_space<vmem>> -> memref<512xf32, #tpu.memory_space<vmem>>
    %dma_start3A_284 = tpu.memref_slice %arg4[%add3A_278] : memref<786432xf32, #tpu.memory_space<hbm>> -> memref<512xf32, #tpu.memory_space<hbm>>
    %dma_start3A_285 = tpu.memref_slice %arg4[%add3A_278] : memref<786432xf32, #tpu.memory_space<hbm>> -> memref<512xf32, #tpu.memory_space<hbm>>
    %dma_start3A_286 = arith.constant 0 : i32
    %dma_start3A_287 = tpu.memref_slice %arg6[%dma_start3A_279, %dma_start3A_280, %dma_start3A_286] : memref<3x16x512xf32, #tpu.memory_space<vmem>> -> memref<1x1x512xf32, #tpu.memory_space<vmem>>
    %dma_start3A_288 = tpu.memref_squeeze %dma_start3A_287 : memref<1x1x512xf32, #tpu.memory_space<vmem>> -> memref<512xf32, #tpu.memory_space<vmem>>
    tpu.enqueue_dma source(%dma_start3A_288 : memref<512xf32, #tpu.memory_space<vmem>>) target(%dma_start3A_285 : memref<512xf32, #tpu.memory_space<hbm>>) target_semaphore(%arg9 : memref<!tpu.dma_semaphore, #tpu.memory_space<semaphore_mem>>)
    %dma_wait3A_289 = arith.constant 0 : i32
    %dma_wait3A_290 = arith.constant 0 : i32
    %dma_wait3A_291 = arith.constant 0 : i32
    %dma_wait3A_292 = arith.constant 8 : i32
    %dma_wait3A_293 = arith.constant 0 : i32
    %dma_wait3A_294 = tpu.memref_slice %arg6[%dma_wait3A_291, %dma_wait3A_292, %dma_wait3A_293] : memref<3x16x512xf32, #tpu.memory_space<vmem>> -> memref<1x8x512xf32, #tpu.memory_space<vmem>>
    %dma_wait3A_295 = tpu.memref_squeeze %dma_wait3A_294 : memref<1x8x512xf32, #tpu.memory_space<vmem>> -> memref<8x512xf32, #tpu.memory_space<vmem>>
    %dma_wait3A_296 = arith.constant 0 : i32
    %dma_wait3A_297 = tpu.memref_slice %arg2[%dma_wait3A_289, %dma_wait3A_290, %add3A_26, %dma_wait3A_296] : memref<1x3x512x512xf32, #tpu.memory_space<hbm>> -> memref<1x1x8x512xf32, #tpu.memory_space<hbm>>
    %dma_wait3A_298 = tpu.memref_squeeze %dma_wait3A_297 : memref<1x1x8x512xf32, #tpu.memory_space<hbm>> -> memref<8x512xf32, #tpu.memory_space<hbm>>
    %dma_wait3A_299 = arith.constant 8 : i32
    %dma_wait3A_300 = arith.constant 0 : i32
    %dma_wait3A_301 = tpu.memref_slice %arg6[%dma_wait3A_291, %dma_wait3A_299, %dma_wait3A_300] : memref<3x16x512xf32, #tpu.memory_space<vmem>> -> memref<1x8x512xf32, #tpu.memory_space<vmem>>
    %dma_wait3A_302 = tpu.memref_squeeze %dma_wait3A_301 : memref<1x8x512xf32, #tpu.memory_space<vmem>> -> memref<8x512xf32, #tpu.memory_space<vmem>>
    %dma_wait3A_303 = arith.constant 0 : i32
    %dma_wait3A_304 = tpu.memref_slice %arg2[%dma_wait3A_289, %dma_wait3A_290, %add3A_26, %dma_wait3A_303] : memref<1x3x512x512xf32, #tpu.memory_space<hbm>> -> memref<1x1x8x512xf32, #tpu.memory_space<hbm>>
    %dma_wait3A_305 = tpu.memref_squeeze %dma_wait3A_304 : memref<1x1x8x512xf32, #tpu.memory_space<hbm>> -> memref<8x512xf32, #tpu.memory_space<hbm>>
    tpu.wait_dma2 semaphore(%arg7 : memref<!tpu.dma_semaphore, #tpu.memory_space<semaphore_mem>>) src(%dma_wait3A_305 : memref<8x512xf32, #tpu.memory_space<hbm>>) dst(%dma_wait3A_302 : memref<8x512xf32, #tpu.memory_space<vmem>>)
    %add3A_306 = arith.constant 0 : i32
    %add3A_307 = arith.addi %add3A_306, %mul3A_2 : i32
    %add3A_308 = arith.constant 4096 : i32
    %add3A_309 = arith.addi %add3A_307, %add3A_308 : i32
    %dma_start3A_310 = arith.constant 0 : i32
    %dma_start3A_311 = arith.constant 8 : i32
    %dma_start3A_312 = arith.constant 0 : i32
    %dma_start3A_313 = tpu.memref_slice %arg6[%dma_start3A_310, %dma_start3A_311, %dma_start3A_312] : memref<3x16x512xf32, #tpu.memory_space<vmem>> -> memref<1x1x512xf32, #tpu.memory_space<vmem>>
    %dma_start3A_314 = tpu.memref_squeeze %dma_start3A_313 : memref<1x1x512xf32, #tpu.memory_space<vmem>> -> memref<512xf32, #tpu.memory_space<vmem>>
    %dma_start3A_315 = tpu.memref_slice %arg4[%add3A_309] : memref<786432xf32, #tpu.memory_space<hbm>> -> memref<512xf32, #tpu.memory_space<hbm>>
    %dma_start3A_316 = tpu.memref_slice %arg4[%add3A_309] : memref<786432xf32, #tpu.memory_space<hbm>> -> memref<512xf32, #tpu.memory_space<hbm>>
    %dma_start3A_317 = arith.constant 0 : i32
    %dma_start3A_318 = tpu.memref_slice %arg6[%dma_start3A_310, %dma_start3A_311, %dma_start3A_317] : memref<3x16x512xf32, #tpu.memory_space<vmem>> -> memref<1x1x512xf32, #tpu.memory_space<vmem>>
    %dma_start3A_319 = tpu.memref_squeeze %dma_start3A_318 : memref<1x1x512xf32, #tpu.memory_space<vmem>> -> memref<512xf32, #tpu.memory_space<vmem>>
    tpu.enqueue_dma source(%dma_start3A_319 : memref<512xf32, #tpu.memory_space<vmem>>) target(%dma_start3A_316 : memref<512xf32, #tpu.memory_space<hbm>>) target_semaphore(%arg9 : memref<!tpu.dma_semaphore, #tpu.memory_space<semaphore_mem>>)
    %add3A_320 = arith.constant 0 : i32
    %add3A_321 = arith.addi %add3A_320, %mul3A_2 : i32
    %add3A_322 = arith.constant 4608 : i32
    %add3A_323 = arith.addi %add3A_321, %add3A_322 : i32
    %dma_start3A_324 = arith.constant 0 : i32
    %dma_start3A_325 = arith.constant 9 : i32
    %dma_start3A_326 = arith.constant 0 : i32
    %dma_start3A_327 = tpu.memref_slice %arg6[%dma_start3A_324, %dma_start3A_325, %dma_start3A_326] : memref<3x16x512xf32, #tpu.memory_space<vmem>> -> memref<1x1x512xf32, #tpu.memory_space<vmem>>
    %dma_start3A_328 = tpu.memref_squeeze %dma_start3A_327 : memref<1x1x512xf32, #tpu.memory_space<vmem>> -> memref<512xf32, #tpu.memory_space<vmem>>
    %dma_start3A_329 = tpu.memref_slice %arg4[%add3A_323] : memref<786432xf32, #tpu.memory_space<hbm>> -> memref<512xf32, #tpu.memory_space<hbm>>
    %dma_start3A_330 = tpu.memref_slice %arg4[%add3A_323] : memref<786432xf32, #tpu.memory_space<hbm>> -> memref<512xf32, #tpu.memory_space<hbm>>
    %dma_start3A_331 = arith.constant 0 : i32
    %dma_start3A_332 = tpu.memref_slice %arg6[%dma_start3A_324, %dma_start3A_325, %dma_start3A_331] : memref<3x16x512xf32, #tpu.memory_space<vmem>> -> memref<1x1x512xf32, #tpu.memory_space<vmem>>
    %dma_start3A_333 = tpu.memref_squeeze %dma_start3A_332 : memref<1x1x512xf32, #tpu.memory_space<vmem>> -> memref<512xf32, #tpu.memory_space<vmem>>
    tpu.enqueue_dma source(%dma_start3A_333 : memref<512xf32, #tpu.memory_space<vmem>>) target(%dma_start3A_330 : memref<512xf32, #tpu.memory_space<hbm>>) target_semaphore(%arg9 : memref<!tpu.dma_semaphore, #tpu.memory_space<semaphore_mem>>)
    %add3A_334 = arith.constant 0 : i32
    %add3A_335 = arith.addi %add3A_334, %mul3A_2 : i32
    %add3A_336 = arith.constant 5120 : i32
    %add3A_337 = arith.addi %add3A_335, %add3A_336 : i32
    %dma_start3A_338 = arith.constant 0 : i32
    %dma_start3A_339 = arith.constant 10 : i32
    %dma_start3A_340 = arith.constant 0 : i32
    %dma_start3A_341 = tpu.memref_slice %arg6[%dma_start3A_338, %dma_start3A_339, %dma_start3A_340] : memref<3x16x512xf32, #tpu.memory_space<vmem>> -> memref<1x1x512xf32, #tpu.memory_space<vmem>>
    %dma_start3A_342 = tpu.memref_squeeze %dma_start3A_341 : memref<1x1x512xf32, #tpu.memory_space<vmem>> -> memref<512xf32, #tpu.memory_space<vmem>>
    %dma_start3A_343 = tpu.memref_slice %arg4[%add3A_337] : memref<786432xf32, #tpu.memory_space<hbm>> -> memref<512xf32, #tpu.memory_space<hbm>>
    %dma_start3A_344 = tpu.memref_slice %arg4[%add3A_337] : memref<786432xf32, #tpu.memory_space<hbm>> -> memref<512xf32, #tpu.memory_space<hbm>>
    %dma_start3A_345 = arith.constant 0 : i32
    %dma_start3A_346 = tpu.memref_slice %arg6[%dma_start3A_338, %dma_start3A_339, %dma_start3A_345] : memref<3x16x512xf32, #tpu.memory_space<vmem>> -> memref<1x1x512xf32, #tpu.memory_space<vmem>>
    %dma_start3A_347 = tpu.memref_squeeze %dma_start3A_346 : memref<1x1x512xf32, #tpu.memory_space<vmem>> -> memref<512xf32, #tpu.memory_space<vmem>>
    tpu.enqueue_dma source(%dma_start3A_347 : memref<512xf32, #tpu.memory_space<vmem>>) target(%dma_start3A_344 : memref<512xf32, #tpu.memory_space<hbm>>) target_semaphore(%arg9 : memref<!tpu.dma_semaphore, #tpu.memory_space<semaphore_mem>>)
    %add3A_348 = arith.constant 0 : i32
    %add3A_349 = arith.addi %add3A_348, %mul3A_2 : i32
    %add3A_350 = arith.constant 5632 : i32
    %add3A_351 = arith.addi %add3A_349, %add3A_350 : i32
    %dma_start3A_352 = arith.constant 0 : i32
    %dma_start3A_353 = arith.constant 11 : i32
    %dma_start3A_354 = arith.constant 0 : i32
    %dma_start3A_355 = tpu.memref_slice %arg6[%dma_start3A_352, %dma_start3A_353, %dma_start3A_354] : memref<3x16x512xf32, #tpu.memory_space<vmem>> -> memref<1x1x512xf32, #tpu.memory_space<vmem>>
    %dma_start3A_356 = tpu.memref_squeeze %dma_start3A_355 : memref<1x1x512xf32, #tpu.memory_space<vmem>> -> memref<512xf32, #tpu.memory_space<vmem>>
    %dma_start3A_357 = tpu.memref_slice %arg4[%add3A_351] : memref<786432xf32, #tpu.memory_space<hbm>> -> memref<512xf32, #tpu.memory_space<hbm>>
    %dma_start3A_358 = tpu.memref_slice %arg4[%add3A_351] : memref<786432xf32, #tpu.memory_space<hbm>> -> memref<512xf32, #tpu.memory_space<hbm>>
    %dma_start3A_359 = arith.constant 0 : i32
    %dma_start3A_360 = tpu.memref_slice %arg6[%dma_start3A_352, %dma_start3A_353, %dma_start3A_359] : memref<3x16x512xf32, #tpu.memory_space<vmem>> -> memref<1x1x512xf32, #tpu.memory_space<vmem>>
    %dma_start3A_361 = tpu.memref_squeeze %dma_start3A_360 : memref<1x1x512xf32, #tpu.memory_space<vmem>> -> memref<512xf32, #tpu.memory_space<vmem>>
    tpu.enqueue_dma source(%dma_start3A_361 : memref<512xf32, #tpu.memory_space<vmem>>) target(%dma_start3A_358 : memref<512xf32, #tpu.memory_space<hbm>>) target_semaphore(%arg9 : memref<!tpu.dma_semaphore, #tpu.memory_space<semaphore_mem>>)
    %add3A_362 = arith.constant 0 : i32
    %add3A_363 = arith.addi %add3A_362, %mul3A_2 : i32
    %add3A_364 = arith.constant 6144 : i32
    %add3A_365 = arith.addi %add3A_363, %add3A_364 : i32
    %dma_start3A_366 = arith.constant 0 : i32
    %dma_start3A_367 = arith.constant 12 : i32
    %dma_start3A_368 = arith.constant 0 : i32
    %dma_start3A_369 = tpu.memref_slice %arg6[%dma_start3A_366, %dma_start3A_367, %dma_start3A_368] : memref<3x16x512xf32, #tpu.memory_space<vmem>> -> memref<1x1x512xf32, #tpu.memory_space<vmem>>
    %dma_start3A_370 = tpu.memref_squeeze %dma_start3A_369 : memref<1x1x512xf32, #tpu.memory_space<vmem>> -> memref<512xf32, #tpu.memory_space<vmem>>
    %dma_start3A_371 = tpu.memref_slice %arg4[%add3A_365] : memref<786432xf32, #tpu.memory_space<hbm>> -> memref<512xf32, #tpu.memory_space<hbm>>
    %dma_start3A_372 = tpu.memref_slice %arg4[%add3A_365] : memref<786432xf32, #tpu.memory_space<hbm>> -> memref<512xf32, #tpu.memory_space<hbm>>
    %dma_start3A_373 = arith.constant 0 : i32
    %dma_start3A_374 = tpu.memref_slice %arg6[%dma_start3A_366, %dma_start3A_367, %dma_start3A_373] : memref<3x16x512xf32, #tpu.memory_space<vmem>> -> memref<1x1x512xf32, #tpu.memory_space<vmem>>
    %dma_start3A_375 = tpu.memref_squeeze %dma_start3A_374 : memref<1x1x512xf32, #tpu.memory_space<vmem>> -> memref<512xf32, #tpu.memory_space<vmem>>
    tpu.enqueue_dma source(%dma_start3A_375 : memref<512xf32, #tpu.memory_space<vmem>>) target(%dma_start3A_372 : memref<512xf32, #tpu.memory_space<hbm>>) target_semaphore(%arg9 : memref<!tpu.dma_semaphore, #tpu.memory_space<semaphore_mem>>)
    %add3A_376 = arith.constant 0 : i32
    %add3A_377 = arith.addi %add3A_376, %mul3A_2 : i32
    %add3A_378 = arith.constant 6656 : i32
    %add3A_379 = arith.addi %add3A_377, %add3A_378 : i32
    %dma_start3A_380 = arith.constant 0 : i32
    %dma_start3A_381 = arith.constant 13 : i32
    %dma_start3A_382 = arith.constant 0 : i32
    %dma_start3A_383 = tpu.memref_slice %arg6[%dma_start3A_380, %dma_start3A_381, %dma_start3A_382] : memref<3x16x512xf32, #tpu.memory_space<vmem>> -> memref<1x1x512xf32, #tpu.memory_space<vmem>>
    %dma_start3A_384 = tpu.memref_squeeze %dma_start3A_383 : memref<1x1x512xf32, #tpu.memory_space<vmem>> -> memref<512xf32, #tpu.memory_space<vmem>>
    %dma_start3A_385 = tpu.memref_slice %arg4[%add3A_379] : memref<786432xf32, #tpu.memory_space<hbm>> -> memref<512xf32, #tpu.memory_space<hbm>>
    %dma_start3A_386 = tpu.memref_slice %arg4[%add3A_379] : memref<786432xf32, #tpu.memory_space<hbm>> -> memref<512xf32, #tpu.memory_space<hbm>>
    %dma_start3A_387 = arith.constant 0 : i32
    %dma_start3A_388 = tpu.memref_slice %arg6[%dma_start3A_380, %dma_start3A_381, %dma_start3A_387] : memref<3x16x512xf32, #tpu.memory_space<vmem>> -> memref<1x1x512xf32, #tpu.memory_space<vmem>>
    %dma_start3A_389 = tpu.memref_squeeze %dma_start3A_388 : memref<1x1x512xf32, #tpu.memory_space<vmem>> -> memref<512xf32, #tpu.memory_space<vmem>>
    tpu.enqueue_dma source(%dma_start3A_389 : memref<512xf32, #tpu.memory_space<vmem>>) target(%dma_start3A_386 : memref<512xf32, #tpu.memory_space<hbm>>) target_semaphore(%arg9 : memref<!tpu.dma_semaphore, #tpu.memory_space<semaphore_mem>>)
    %add3A_390 = arith.constant 0 : i32
    %add3A_391 = arith.addi %add3A_390, %mul3A_2 : i32
    %add3A_392 = arith.constant 7168 : i32
    %add3A_393 = arith.addi %add3A_391, %add3A_392 : i32
    %dma_start3A_394 = arith.constant 0 : i32
    %dma_start3A_395 = arith.constant 14 : i32
    %dma_start3A_396 = arith.constant 0 : i32
    %dma_start3A_397 = tpu.memref_slice %arg6[%dma_start3A_394, %dma_start3A_395, %dma_start3A_396] : memref<3x16x512xf32, #tpu.memory_space<vmem>> -> memref<1x1x512xf32, #tpu.memory_space<vmem>>
    %dma_start3A_398 = tpu.memref_squeeze %dma_start3A_397 : memref<1x1x512xf32, #tpu.memory_space<vmem>> -> memref<512xf32, #tpu.memory_space<vmem>>
    %dma_start3A_399 = tpu.memref_slice %arg4[%add3A_393] : memref<786432xf32, #tpu.memory_space<hbm>> -> memref<512xf32, #tpu.memory_space<hbm>>
    %dma_start3A_400 = tpu.memref_slice %arg4[%add3A_393] : memref<786432xf32, #tpu.memory_space<hbm>> -> memref<512xf32, #tpu.memory_space<hbm>>
    %dma_start3A_401 = arith.constant 0 : i32
    %dma_start3A_402 = tpu.memref_slice %arg6[%dma_start3A_394, %dma_start3A_395, %dma_start3A_401] : memref<3x16x512xf32, #tpu.memory_space<vmem>> -> memref<1x1x512xf32, #tpu.memory_space<vmem>>
    %dma_start3A_403 = tpu.memref_squeeze %dma_start3A_402 : memref<1x1x512xf32, #tpu.memory_space<vmem>> -> memref<512xf32, #tpu.memory_space<vmem>>
    tpu.enqueue_dma source(%dma_start3A_403 : memref<512xf32, #tpu.memory_space<vmem>>) target(%dma_start3A_400 : memref<512xf32, #tpu.memory_space<hbm>>) target_semaphore(%arg9 : memref<!tpu.dma_semaphore, #tpu.memory_space<semaphore_mem>>)
    %add3A_404 = arith.constant 0 : i32
    %add3A_405 = arith.addi %add3A_404, %mul3A_2 : i32
    %add3A_406 = arith.constant 7680 : i32
    %add3A_407 = arith.addi %add3A_405, %add3A_406 : i32
    %dma_start3A_408 = arith.constant 0 : i32
    %dma_start3A_409 = arith.constant 15 : i32
    %dma_start3A_410 = arith.constant 0 : i32
    %dma_start3A_411 = tpu.memref_slice %arg6[%dma_start3A_408, %dma_start3A_409, %dma_start3A_410] : memref<3x16x512xf32, #tpu.memory_space<vmem>> -> memref<1x1x512xf32, #tpu.memory_space<vmem>>
    %dma_start3A_412 = tpu.memref_squeeze %dma_start3A_411 : memref<1x1x512xf32, #tpu.memory_space<vmem>> -> memref<512xf32, #tpu.memory_space<vmem>>
    %dma_start3A_413 = tpu.memref_slice %arg4[%add3A_407] : memref<786432xf32, #tpu.memory_space<hbm>> -> memref<512xf32, #tpu.memory_space<hbm>>
    %dma_start3A_414 = tpu.memref_slice %arg4[%add3A_407] : memref<786432xf32, #tpu.memory_space<hbm>> -> memref<512xf32, #tpu.memory_space<hbm>>
    %dma_start3A_415 = arith.constant 0 : i32
    %dma_start3A_416 = tpu.memref_slice %arg6[%dma_start3A_408, %dma_start3A_409, %dma_start3A_415] : memref<3x16x512xf32, #tpu.memory_space<vmem>> -> memref<1x1x512xf32, #tpu.memory_space<vmem>>
    %dma_start3A_417 = tpu.memref_squeeze %dma_start3A_416 : memref<1x1x512xf32, #tpu.memory_space<vmem>> -> memref<512xf32, #tpu.memory_space<vmem>>
    tpu.enqueue_dma source(%dma_start3A_417 : memref<512xf32, #tpu.memory_space<vmem>>) target(%dma_start3A_414 : memref<512xf32, #tpu.memory_space<hbm>>) target_semaphore(%arg9 : memref<!tpu.dma_semaphore, #tpu.memory_space<semaphore_mem>>)
    %dma_wait3A_418 = arith.constant 0 : i32
    %dma_wait3A_419 = arith.constant 1 : i32
    %dma_wait3A_420 = arith.constant 1 : i32
    %dma_wait3A_421 = arith.constant 0 : i32
    %dma_wait3A_422 = arith.constant 0 : i32
    %dma_wait3A_423 = tpu.memref_slice %arg6[%dma_wait3A_420, %dma_wait3A_421, %dma_wait3A_422] : memref<3x16x512xf32, #tpu.memory_space<vmem>> -> memref<1x8x512xf32, #tpu.memory_space<vmem>>
    %dma_wait3A_424 = tpu.memref_squeeze %dma_wait3A_423 : memref<1x8x512xf32, #tpu.memory_space<vmem>> -> memref<8x512xf32, #tpu.memory_space<vmem>>
    %dma_wait3A_425 = arith.constant 0 : i32
    %dma_wait3A_426 = tpu.memref_slice %arg2[%dma_wait3A_418, %dma_wait3A_419, %add3A_47, %dma_wait3A_425] : memref<1x3x512x512xf32, #tpu.memory_space<hbm>> -> memref<1x1x8x512xf32, #tpu.memory_space<hbm>>
    %dma_wait3A_427 = tpu.memref_squeeze %dma_wait3A_426 : memref<1x1x8x512xf32, #tpu.memory_space<hbm>> -> memref<8x512xf32, #tpu.memory_space<hbm>>
    %dma_wait3A_428 = arith.constant 0 : i32
    %dma_wait3A_429 = arith.constant 0 : i32
    %dma_wait3A_430 = tpu.memref_slice %arg6[%dma_wait3A_420, %dma_wait3A_428, %dma_wait3A_429] : memref<3x16x512xf32, #tpu.memory_space<vmem>> -> memref<1x8x512xf32, #tpu.memory_space<vmem>>
    %dma_wait3A_431 = tpu.memref_squeeze %dma_wait3A_430 : memref<1x8x512xf32, #tpu.memory_space<vmem>> -> memref<8x512xf32, #tpu.memory_space<vmem>>
    %dma_wait3A_432 = arith.constant 0 : i32
    %dma_wait3A_433 = tpu.memref_slice %arg2[%dma_wait3A_418, %dma_wait3A_419, %add3A_47, %dma_wait3A_432] : memref<1x3x512x512xf32, #tpu.memory_space<hbm>> -> memref<1x1x8x512xf32, #tpu.memory_space<hbm>>
    %dma_wait3A_434 = tpu.memref_squeeze %dma_wait3A_433 : memref<1x1x8x512xf32, #tpu.memory_space<hbm>> -> memref<8x512xf32, #tpu.memory_space<hbm>>
    tpu.wait_dma2 semaphore(%arg7 : memref<!tpu.dma_semaphore, #tpu.memory_space<semaphore_mem>>) src(%dma_wait3A_434 : memref<8x512xf32, #tpu.memory_space<hbm>>) dst(%dma_wait3A_431 : memref<8x512xf32, #tpu.memory_space<vmem>>)
    %add3A_435 = arith.constant 262144 : i32
    %add3A_436 = arith.addi %add3A_435, %mul3A_2 : i32
    %add3A_437 = arith.constant 0 : i32
    %add3A_438 = arith.addi %add3A_436, %add3A_437 : i32
    %dma_start3A_439 = arith.constant 1 : i32
    %dma_start3A_440 = arith.constant 0 : i32
    %dma_start3A_441 = arith.constant 0 : i32
    %dma_start3A_442 = tpu.memref_slice %arg6[%dma_start3A_439, %dma_start3A_440, %dma_start3A_441] : memref<3x16x512xf32, #tpu.memory_space<vmem>> -> memref<1x1x512xf32, #tpu.memory_space<vmem>>
    %dma_start3A_443 = tpu.memref_squeeze %dma_start3A_442 : memref<1x1x512xf32, #tpu.memory_space<vmem>> -> memref<512xf32, #tpu.memory_space<vmem>>
    %dma_start3A_444 = tpu.memref_slice %arg4[%add3A_438] : memref<786432xf32, #tpu.memory_space<hbm>> -> memref<512xf32, #tpu.memory_space<hbm>>
    %dma_start3A_445 = tpu.memref_slice %arg4[%add3A_438] : memref<786432xf32, #tpu.memory_space<hbm>> -> memref<512xf32, #tpu.memory_space<hbm>>
    %dma_start3A_446 = arith.constant 0 : i32
    %dma_start3A_447 = tpu.memref_slice %arg6[%dma_start3A_439, %dma_start3A_440, %dma_start3A_446] : memref<3x16x512xf32, #tpu.memory_space<vmem>> -> memref<1x1x512xf32, #tpu.memory_space<vmem>>
    %dma_start3A_448 = tpu.memref_squeeze %dma_start3A_447 : memref<1x1x512xf32, #tpu.memory_space<vmem>> -> memref<512xf32, #tpu.memory_space<vmem>>
    tpu.enqueue_dma source(%dma_start3A_448 : memref<512xf32, #tpu.memory_space<vmem>>) target(%dma_start3A_445 : memref<512xf32, #tpu.memory_space<hbm>>) target_semaphore(%arg9 : memref<!tpu.dma_semaphore, #tpu.memory_space<semaphore_mem>>)
    %add3A_449 = arith.constant 262144 : i32
    %add3A_450 = arith.addi %add3A_449, %mul3A_2 : i32
    %add3A_451 = arith.constant 512 : i32
    %add3A_452 = arith.addi %add3A_450, %add3A_451 : i32
    %dma_start3A_453 = arith.constant 1 : i32
    %dma_start3A_454 = arith.constant 1 : i32
    %dma_start3A_455 = arith.constant 0 : i32
    %dma_start3A_456 = tpu.memref_slice %arg6[%dma_start3A_453, %dma_start3A_454, %dma_start3A_455] : memref<3x16x512xf32, #tpu.memory_space<vmem>> -> memref<1x1x512xf32, #tpu.memory_space<vmem>>
    %dma_start3A_457 = tpu.memref_squeeze %dma_start3A_456 : memref<1x1x512xf32, #tpu.memory_space<vmem>> -> memref<512xf32, #tpu.memory_space<vmem>>
    %dma_start3A_458 = tpu.memref_slice %arg4[%add3A_452] : memref<786432xf32, #tpu.memory_space<hbm>> -> memref<512xf32, #tpu.memory_space<hbm>>
    %dma_start3A_459 = tpu.memref_slice %arg4[%add3A_452] : memref<786432xf32, #tpu.memory_space<hbm>> -> memref<512xf32, #tpu.memory_space<hbm>>
    %dma_start3A_460 = arith.constant 0 : i32
    %dma_start3A_461 = tpu.memref_slice %arg6[%dma_start3A_453, %dma_start3A_454, %dma_start3A_460] : memref<3x16x512xf32, #tpu.memory_space<vmem>> -> memref<1x1x512xf32, #tpu.memory_space<vmem>>
    %dma_start3A_462 = tpu.memref_squeeze %dma_start3A_461 : memref<1x1x512xf32, #tpu.memory_space<vmem>> -> memref<512xf32, #tpu.memory_space<vmem>>
    tpu.enqueue_dma source(%dma_start3A_462 : memref<512xf32, #tpu.memory_space<vmem>>) target(%dma_start3A_459 : memref<512xf32, #tpu.memory_space<hbm>>) target_semaphore(%arg9 : memref<!tpu.dma_semaphore, #tpu.memory_space<semaphore_mem>>)
    %add3A_463 = arith.constant 262144 : i32
    %add3A_464 = arith.addi %add3A_463, %mul3A_2 : i32
    %add3A_465 = arith.constant 1024 : i32
    %add3A_466 = arith.addi %add3A_464, %add3A_465 : i32
    %dma_start3A_467 = arith.constant 1 : i32
    %dma_start3A_468 = arith.constant 2 : i32
    %dma_start3A_469 = arith.constant 0 : i32
    %dma_start3A_470 = tpu.memref_slice %arg6[%dma_start3A_467, %dma_start3A_468, %dma_start3A_469] : memref<3x16x512xf32, #tpu.memory_space<vmem>> -> memref<1x1x512xf32, #tpu.memory_space<vmem>>
    %dma_start3A_471 = tpu.memref_squeeze %dma_start3A_470 : memref<1x1x512xf32, #tpu.memory_space<vmem>> -> memref<512xf32, #tpu.memory_space<vmem>>
    %dma_start3A_472 = tpu.memref_slice %arg4[%add3A_466] : memref<786432xf32, #tpu.memory_space<hbm>> -> memref<512xf32, #tpu.memory_space<hbm>>
    %dma_start3A_473 = tpu.memref_slice %arg4[%add3A_466] : memref<786432xf32, #tpu.memory_space<hbm>> -> memref<512xf32, #tpu.memory_space<hbm>>
    %dma_start3A_474 = arith.constant 0 : i32
    %dma_start3A_475 = tpu.memref_slice %arg6[%dma_start3A_467, %dma_start3A_468, %dma_start3A_474] : memref<3x16x512xf32, #tpu.memory_space<vmem>> -> memref<1x1x512xf32, #tpu.memory_space<vmem>>
    %dma_start3A_476 = tpu.memref_squeeze %dma_start3A_475 : memref<1x1x512xf32, #tpu.memory_space<vmem>> -> memref<512xf32, #tpu.memory_space<vmem>>
    tpu.enqueue_dma source(%dma_start3A_476 : memref<512xf32, #tpu.memory_space<vmem>>) target(%dma_start3A_473 : memref<512xf32, #tpu.memory_space<hbm>>) target_semaphore(%arg9 : memref<!tpu.dma_semaphore, #tpu.memory_space<semaphore_mem>>)
    %add3A_477 = arith.constant 262144 : i32
    %add3A_478 = arith.addi %add3A_477, %mul3A_2 : i32
    %add3A_479 = arith.constant 1536 : i32
    %add3A_480 = arith.addi %add3A_478, %add3A_479 : i32
    %dma_start3A_481 = arith.constant 1 : i32
    %dma_start3A_482 = arith.constant 3 : i32
    %dma_start3A_483 = arith.constant 0 : i32
    %dma_start3A_484 = tpu.memref_slice %arg6[%dma_start3A_481, %dma_start3A_482, %dma_start3A_483] : memref<3x16x512xf32, #tpu.memory_space<vmem>> -> memref<1x1x512xf32, #tpu.memory_space<vmem>>
    %dma_start3A_485 = tpu.memref_squeeze %dma_start3A_484 : memref<1x1x512xf32, #tpu.memory_space<vmem>> -> memref<512xf32, #tpu.memory_space<vmem>>
    %dma_start3A_486 = tpu.memref_slice %arg4[%add3A_480] : memref<786432xf32, #tpu.memory_space<hbm>> -> memref<512xf32, #tpu.memory_space<hbm>>
    %dma_start3A_487 = tpu.memref_slice %arg4[%add3A_480] : memref<786432xf32, #tpu.memory_space<hbm>> -> memref<512xf32, #tpu.memory_space<hbm>>
    %dma_start3A_488 = arith.constant 0 : i32
    %dma_start3A_489 = tpu.memref_slice %arg6[%dma_start3A_481, %dma_start3A_482, %dma_start3A_488] : memref<3x16x512xf32, #tpu.memory_space<vmem>> -> memref<1x1x512xf32, #tpu.memory_space<vmem>>
    %dma_start3A_490 = tpu.memref_squeeze %dma_start3A_489 : memref<1x1x512xf32, #tpu.memory_space<vmem>> -> memref<512xf32, #tpu.memory_space<vmem>>
    tpu.enqueue_dma source(%dma_start3A_490 : memref<512xf32, #tpu.memory_space<vmem>>) target(%dma_start3A_487 : memref<512xf32, #tpu.memory_space<hbm>>) target_semaphore(%arg9 : memref<!tpu.dma_semaphore, #tpu.memory_space<semaphore_mem>>)
    %add3A_491 = arith.constant 262144 : i32
    %add3A_492 = arith.addi %add3A_491, %mul3A_2 : i32
    %add3A_493 = arith.constant 2048 : i32
    %add3A_494 = arith.addi %add3A_492, %add3A_493 : i32
    %dma_start3A_495 = arith.constant 1 : i32
    %dma_start3A_496 = arith.constant 4 : i32
    %dma_start3A_497 = arith.constant 0 : i32
    %dma_start3A_498 = tpu.memref_slice %arg6[%dma_start3A_495, %dma_start3A_496, %dma_start3A_497] : memref<3x16x512xf32, #tpu.memory_space<vmem>> -> memref<1x1x512xf32, #tpu.memory_space<vmem>>
    %dma_start3A_499 = tpu.memref_squeeze %dma_start3A_498 : memref<1x1x512xf32, #tpu.memory_space<vmem>> -> memref<512xf32, #tpu.memory_space<vmem>>
    %dma_start3A_500 = tpu.memref_slice %arg4[%add3A_494] : memref<786432xf32, #tpu.memory_space<hbm>> -> memref<512xf32, #tpu.memory_space<hbm>>
    %dma_start3A_501 = tpu.memref_slice %arg4[%add3A_494] : memref<786432xf32, #tpu.memory_space<hbm>> -> memref<512xf32, #tpu.memory_space<hbm>>
    %dma_start3A_502 = arith.constant 0 : i32
    %dma_start3A_503 = tpu.memref_slice %arg6[%dma_start3A_495, %dma_start3A_496, %dma_start3A_502] : memref<3x16x512xf32, #tpu.memory_space<vmem>> -> memref<1x1x512xf32, #tpu.memory_space<vmem>>
    %dma_start3A_504 = tpu.memref_squeeze %dma_start3A_503 : memref<1x1x512xf32, #tpu.memory_space<vmem>> -> memref<512xf32, #tpu.memory_space<vmem>>
    tpu.enqueue_dma source(%dma_start3A_504 : memref<512xf32, #tpu.memory_space<vmem>>) target(%dma_start3A_501 : memref<512xf32, #tpu.memory_space<hbm>>) target_semaphore(%arg9 : memref<!tpu.dma_semaphore, #tpu.memory_space<semaphore_mem>>)
    %add3A_505 = arith.constant 262144 : i32
    %add3A_506 = arith.addi %add3A_505, %mul3A_2 : i32
    %add3A_507 = arith.constant 2560 : i32
    %add3A_508 = arith.addi %add3A_506, %add3A_507 : i32
    %dma_start3A_509 = arith.constant 1 : i32
    %dma_start3A_510 = arith.constant 5 : i32
    %dma_start3A_511 = arith.constant 0 : i32
    %dma_start3A_512 = tpu.memref_slice %arg6[%dma_start3A_509, %dma_start3A_510, %dma_start3A_511] : memref<3x16x512xf32, #tpu.memory_space<vmem>> -> memref<1x1x512xf32, #tpu.memory_space<vmem>>
    %dma_start3A_513 = tpu.memref_squeeze %dma_start3A_512 : memref<1x1x512xf32, #tpu.memory_space<vmem>> -> memref<512xf32, #tpu.memory_space<vmem>>
    %dma_start3A_514 = tpu.memref_slice %arg4[%add3A_508] : memref<786432xf32, #tpu.memory_space<hbm>> -> memref<512xf32, #tpu.memory_space<hbm>>
    %dma_start3A_515 = tpu.memref_slice %arg4[%add3A_508] : memref<786432xf32, #tpu.memory_space<hbm>> -> memref<512xf32, #tpu.memory_space<hbm>>
    %dma_start3A_516 = arith.constant 0 : i32
    %dma_start3A_517 = tpu.memref_slice %arg6[%dma_start3A_509, %dma_start3A_510, %dma_start3A_516] : memref<3x16x512xf32, #tpu.memory_space<vmem>> -> memref<1x1x512xf32, #tpu.memory_space<vmem>>
    %dma_start3A_518 = tpu.memref_squeeze %dma_start3A_517 : memref<1x1x512xf32, #tpu.memory_space<vmem>> -> memref<512xf32, #tpu.memory_space<vmem>>
    tpu.enqueue_dma source(%dma_start3A_518 : memref<512xf32, #tpu.memory_space<vmem>>) target(%dma_start3A_515 : memref<512xf32, #tpu.memory_space<hbm>>) target_semaphore(%arg9 : memref<!tpu.dma_semaphore, #tpu.memory_space<semaphore_mem>>)
    %add3A_519 = arith.constant 262144 : i32
    %add3A_520 = arith.addi %add3A_519, %mul3A_2 : i32
    %add3A_521 = arith.constant 3072 : i32
    %add3A_522 = arith.addi %add3A_520, %add3A_521 : i32
    %dma_start3A_523 = arith.constant 1 : i32
    %dma_start3A_524 = arith.constant 6 : i32
    %dma_start3A_525 = arith.constant 0 : i32
    %dma_start3A_526 = tpu.memref_slice %arg6[%dma_start3A_523, %dma_start3A_524, %dma_start3A_525] : memref<3x16x512xf32, #tpu.memory_space<vmem>> -> memref<1x1x512xf32, #tpu.memory_space<vmem>>
    %dma_start3A_527 = tpu.memref_squeeze %dma_start3A_526 : memref<1x1x512xf32, #tpu.memory_space<vmem>> -> memref<512xf32, #tpu.memory_space<vmem>>
    %dma_start3A_528 = tpu.memref_slice %arg4[%add3A_522] : memref<786432xf32, #tpu.memory_space<hbm>> -> memref<512xf32, #tpu.memory_space<hbm>>
    %dma_start3A_529 = tpu.memref_slice %arg4[%add3A_522] : memref<786432xf32, #tpu.memory_space<hbm>> -> memref<512xf32, #tpu.memory_space<hbm>>
    %dma_start3A_530 = arith.constant 0 : i32
    %dma_start3A_531 = tpu.memref_slice %arg6[%dma_start3A_523, %dma_start3A_524, %dma_start3A_530] : memref<3x16x512xf32, #tpu.memory_space<vmem>> -> memref<1x1x512xf32, #tpu.memory_space<vmem>>
    %dma_start3A_532 = tpu.memref_squeeze %dma_start3A_531 : memref<1x1x512xf32, #tpu.memory_space<vmem>> -> memref<512xf32, #tpu.memory_space<vmem>>
    tpu.enqueue_dma source(%dma_start3A_532 : memref<512xf32, #tpu.memory_space<vmem>>) target(%dma_start3A_529 : memref<512xf32, #tpu.memory_space<hbm>>) target_semaphore(%arg9 : memref<!tpu.dma_semaphore, #tpu.memory_space<semaphore_mem>>)
    %add3A_533 = arith.constant 262144 : i32
    %add3A_534 = arith.addi %add3A_533, %mul3A_2 : i32
    %add3A_535 = arith.constant 3584 : i32
    %add3A_536 = arith.addi %add3A_534, %add3A_535 : i32
    %dma_start3A_537 = arith.constant 1 : i32
    %dma_start3A_538 = arith.constant 7 : i32
    %dma_start3A_539 = arith.constant 0 : i32
    %dma_start3A_540 = tpu.memref_slice %arg6[%dma_start3A_537, %dma_start3A_538, %dma_start3A_539] : memref<3x16x512xf32, #tpu.memory_space<vmem>> -> memref<1x1x512xf32, #tpu.memory_space<vmem>>
    %dma_start3A_541 = tpu.memref_squeeze %dma_start3A_540 : memref<1x1x512xf32, #tpu.memory_space<vmem>> -> memref<512xf32, #tpu.memory_space<vmem>>
    %dma_start3A_542 = tpu.memref_slice %arg4[%add3A_536] : memref<786432xf32, #tpu.memory_space<hbm>> -> memref<512xf32, #tpu.memory_space<hbm>>
    %dma_start3A_543 = tpu.memref_slice %arg4[%add3A_536] : memref<786432xf32, #tpu.memory_space<hbm>> -> memref<512xf32, #tpu.memory_space<hbm>>
    %dma_start3A_544 = arith.constant 0 : i32
    %dma_start3A_545 = tpu.memref_slice %arg6[%dma_start3A_537, %dma_start3A_538, %dma_start3A_544] : memref<3x16x512xf32, #tpu.memory_space<vmem>> -> memref<1x1x512xf32, #tpu.memory_space<vmem>>
    %dma_start3A_546 = tpu.memref_squeeze %dma_start3A_545 : memref<1x1x512xf32, #tpu.memory_space<vmem>> -> memref<512xf32, #tpu.memory_space<vmem>>
    tpu.enqueue_dma source(%dma_start3A_546 : memref<512xf32, #tpu.memory_space<vmem>>) target(%dma_start3A_543 : memref<512xf32, #tpu.memory_space<hbm>>) target_semaphore(%arg9 : memref<!tpu.dma_semaphore, #tpu.memory_space<semaphore_mem>>)
    %dma_wait3A_547 = arith.constant 0 : i32
    %dma_wait3A_548 = arith.constant 1 : i32
    %dma_wait3A_549 = arith.constant 1 : i32
    %dma_wait3A_550 = arith.constant 8 : i32
    %dma_wait3A_551 = arith.constant 0 : i32
    %dma_wait3A_552 = tpu.memref_slice %arg6[%dma_wait3A_549, %dma_wait3A_550, %dma_wait3A_551] : memref<3x16x512xf32, #tpu.memory_space<vmem>> -> memref<1x8x512xf32, #tpu.memory_space<vmem>>
    %dma_wait3A_553 = tpu.memref_squeeze %dma_wait3A_552 : memref<1x8x512xf32, #tpu.memory_space<vmem>> -> memref<8x512xf32, #tpu.memory_space<vmem>>
    %dma_wait3A_554 = arith.constant 0 : i32
    %dma_wait3A_555 = tpu.memref_slice %arg2[%dma_wait3A_547, %dma_wait3A_548, %add3A_68, %dma_wait3A_554] : memref<1x3x512x512xf32, #tpu.memory_space<hbm>> -> memref<1x1x8x512xf32, #tpu.memory_space<hbm>>
    %dma_wait3A_556 = tpu.memref_squeeze %dma_wait3A_555 : memref<1x1x8x512xf32, #tpu.memory_space<hbm>> -> memref<8x512xf32, #tpu.memory_space<hbm>>
    %dma_wait3A_557 = arith.constant 8 : i32
    %dma_wait3A_558 = arith.constant 0 : i32
    %dma_wait3A_559 = tpu.memref_slice %arg6[%dma_wait3A_549, %dma_wait3A_557, %dma_wait3A_558] : memref<3x16x512xf32, #tpu.memory_space<vmem>> -> memref<1x8x512xf32, #tpu.memory_space<vmem>>
    %dma_wait3A_560 = tpu.memref_squeeze %dma_wait3A_559 : memref<1x8x512xf32, #tpu.memory_space<vmem>> -> memref<8x512xf32, #tpu.memory_space<vmem>>
    %dma_wait3A_561 = arith.constant 0 : i32
    %dma_wait3A_562 = tpu.memref_slice %arg2[%dma_wait3A_547, %dma_wait3A_548, %add3A_68, %dma_wait3A_561] : memref<1x3x512x512xf32, #tpu.memory_space<hbm>> -> memref<1x1x8x512xf32, #tpu.memory_space<hbm>>
    %dma_wait3A_563 = tpu.memref_squeeze %dma_wait3A_562 : memref<1x1x8x512xf32, #tpu.memory_space<hbm>> -> memref<8x512xf32, #tpu.memory_space<hbm>>
    tpu.wait_dma2 semaphore(%arg7 : memref<!tpu.dma_semaphore, #tpu.memory_space<semaphore_mem>>) src(%dma_wait3A_563 : memref<8x512xf32, #tpu.memory_space<hbm>>) dst(%dma_wait3A_560 : memref<8x512xf32, #tpu.memory_space<vmem>>)
    %add3A_564 = arith.constant 262144 : i32
    %add3A_565 = arith.addi %add3A_564, %mul3A_2 : i32
    %add3A_566 = arith.constant 4096 : i32
    %add3A_567 = arith.addi %add3A_565, %add3A_566 : i32
    %dma_start3A_568 = arith.constant 1 : i32
    %dma_start3A_569 = arith.constant 8 : i32
    %dma_start3A_570 = arith.constant 0 : i32
    %dma_start3A_571 = tpu.memref_slice %arg6[%dma_start3A_568, %dma_start3A_569, %dma_start3A_570] : memref<3x16x512xf32, #tpu.memory_space<vmem>> -> memref<1x1x512xf32, #tpu.memory_space<vmem>>
    %dma_start3A_572 = tpu.memref_squeeze %dma_start3A_571 : memref<1x1x512xf32, #tpu.memory_space<vmem>> -> memref<512xf32, #tpu.memory_space<vmem>>
    %dma_start3A_573 = tpu.memref_slice %arg4[%add3A_567] : memref<786432xf32, #tpu.memory_space<hbm>> -> memref<512xf32, #tpu.memory_space<hbm>>
    %dma_start3A_574 = tpu.memref_slice %arg4[%add3A_567] : memref<786432xf32, #tpu.memory_space<hbm>> -> memref<512xf32, #tpu.memory_space<hbm>>
    %dma_start3A_575 = arith.constant 0 : i32
    %dma_start3A_576 = tpu.memref_slice %arg6[%dma_start3A_568, %dma_start3A_569, %dma_start3A_575] : memref<3x16x512xf32, #tpu.memory_space<vmem>> -> memref<1x1x512xf32, #tpu.memory_space<vmem>>
    %dma_start3A_577 = tpu.memref_squeeze %dma_start3A_576 : memref<1x1x512xf32, #tpu.memory_space<vmem>> -> memref<512xf32, #tpu.memory_space<vmem>>
    tpu.enqueue_dma source(%dma_start3A_577 : memref<512xf32, #tpu.memory_space<vmem>>) target(%dma_start3A_574 : memref<512xf32, #tpu.memory_space<hbm>>) target_semaphore(%arg9 : memref<!tpu.dma_semaphore, #tpu.memory_space<semaphore_mem>>)
    %add3A_578 = arith.constant 262144 : i32
    %add3A_579 = arith.addi %add3A_578, %mul3A_2 : i32
    %add3A_580 = arith.constant 4608 : i32
    %add3A_581 = arith.addi %add3A_579, %add3A_580 : i32
    %dma_start3A_582 = arith.constant 1 : i32
    %dma_start3A_583 = arith.constant 9 : i32
    %dma_start3A_584 = arith.constant 0 : i32
    %dma_start3A_585 = tpu.memref_slice %arg6[%dma_start3A_582, %dma_start3A_583, %dma_start3A_584] : memref<3x16x512xf32, #tpu.memory_space<vmem>> -> memref<1x1x512xf32, #tpu.memory_space<vmem>>
    %dma_start3A_586 = tpu.memref_squeeze %dma_start3A_585 : memref<1x1x512xf32, #tpu.memory_space<vmem>> -> memref<512xf32, #tpu.memory_space<vmem>>
    %dma_start3A_587 = tpu.memref_slice %arg4[%add3A_581] : memref<786432xf32, #tpu.memory_space<hbm>> -> memref<512xf32, #tpu.memory_space<hbm>>
    %dma_start3A_588 = tpu.memref_slice %arg4[%add3A_581] : memref<786432xf32, #tpu.memory_space<hbm>> -> memref<512xf32, #tpu.memory_space<hbm>>
    %dma_start3A_589 = arith.constant 0 : i32
    %dma_start3A_590 = tpu.memref_slice %arg6[%dma_start3A_582, %dma_start3A_583, %dma_start3A_589] : memref<3x16x512xf32, #tpu.memory_space<vmem>> -> memref<1x1x512xf32, #tpu.memory_space<vmem>>
    %dma_start3A_591 = tpu.memref_squeeze %dma_start3A_590 : memref<1x1x512xf32, #tpu.memory_space<vmem>> -> memref<512xf32, #tpu.memory_space<vmem>>
    tpu.enqueue_dma source(%dma_start3A_591 : memref<512xf32, #tpu.memory_space<vmem>>) target(%dma_start3A_588 : memref<512xf32, #tpu.memory_space<hbm>>) target_semaphore(%arg9 : memref<!tpu.dma_semaphore, #tpu.memory_space<semaphore_mem>>)
    %add3A_592 = arith.constant 262144 : i32
    %add3A_593 = arith.addi %add3A_592, %mul3A_2 : i32
    %add3A_594 = arith.constant 5120 : i32
    %add3A_595 = arith.addi %add3A_593, %add3A_594 : i32
    %dma_start3A_596 = arith.constant 1 : i32
    %dma_start3A_597 = arith.constant 10 : i32
    %dma_start3A_598 = arith.constant 0 : i32
    %dma_start3A_599 = tpu.memref_slice %arg6[%dma_start3A_596, %dma_start3A_597, %dma_start3A_598] : memref<3x16x512xf32, #tpu.memory_space<vmem>> -> memref<1x1x512xf32, #tpu.memory_space<vmem>>
    %dma_start3A_600 = tpu.memref_squeeze %dma_start3A_599 : memref<1x1x512xf32, #tpu.memory_space<vmem>> -> memref<512xf32, #tpu.memory_space<vmem>>
    %dma_start3A_601 = tpu.memref_slice %arg4[%add3A_595] : memref<786432xf32, #tpu.memory_space<hbm>> -> memref<512xf32, #tpu.memory_space<hbm>>
    %dma_start3A_602 = tpu.memref_slice %arg4[%add3A_595] : memref<786432xf32, #tpu.memory_space<hbm>> -> memref<512xf32, #tpu.memory_space<hbm>>
    %dma_start3A_603 = arith.constant 0 : i32
    %dma_start3A_604 = tpu.memref_slice %arg6[%dma_start3A_596, %dma_start3A_597, %dma_start3A_603] : memref<3x16x512xf32, #tpu.memory_space<vmem>> -> memref<1x1x512xf32, #tpu.memory_space<vmem>>
    %dma_start3A_605 = tpu.memref_squeeze %dma_start3A_604 : memref<1x1x512xf32, #tpu.memory_space<vmem>> -> memref<512xf32, #tpu.memory_space<vmem>>
    tpu.enqueue_dma source(%dma_start3A_605 : memref<512xf32, #tpu.memory_space<vmem>>) target(%dma_start3A_602 : memref<512xf32, #tpu.memory_space<hbm>>) target_semaphore(%arg9 : memref<!tpu.dma_semaphore, #tpu.memory_space<semaphore_mem>>)
    %add3A_606 = arith.constant 262144 : i32
    %add3A_607 = arith.addi %add3A_606, %mul3A_2 : i32
    %add3A_608 = arith.constant 5632 : i32
    %add3A_609 = arith.addi %add3A_607, %add3A_608 : i32
    %dma_start3A_610 = arith.constant 1 : i32
    %dma_start3A_611 = arith.constant 11 : i32
    %dma_start3A_612 = arith.constant 0 : i32
    %dma_start3A_613 = tpu.memref_slice %arg6[%dma_start3A_610, %dma_start3A_611, %dma_start3A_612] : memref<3x16x512xf32, #tpu.memory_space<vmem>> -> memref<1x1x512xf32, #tpu.memory_space<vmem>>
    %dma_start3A_614 = tpu.memref_squeeze %dma_start3A_613 : memref<1x1x512xf32, #tpu.memory_space<vmem>> -> memref<512xf32, #tpu.memory_space<vmem>>
    %dma_start3A_615 = tpu.memref_slice %arg4[%add3A_609] : memref<786432xf32, #tpu.memory_space<hbm>> -> memref<512xf32, #tpu.memory_space<hbm>>
    %dma_start3A_616 = tpu.memref_slice %arg4[%add3A_609] : memref<786432xf32, #tpu.memory_space<hbm>> -> memref<512xf32, #tpu.memory_space<hbm>>
    %dma_start3A_617 = arith.constant 0 : i32
    %dma_start3A_618 = tpu.memref_slice %arg6[%dma_start3A_610, %dma_start3A_611, %dma_start3A_617] : memref<3x16x512xf32, #tpu.memory_space<vmem>> -> memref<1x1x512xf32, #tpu.memory_space<vmem>>
    %dma_start3A_619 = tpu.memref_squeeze %dma_start3A_618 : memref<1x1x512xf32, #tpu.memory_space<vmem>> -> memref<512xf32, #tpu.memory_space<vmem>>
    tpu.enqueue_dma source(%dma_start3A_619 : memref<512xf32, #tpu.memory_space<vmem>>) target(%dma_start3A_616 : memref<512xf32, #tpu.memory_space<hbm>>) target_semaphore(%arg9 : memref<!tpu.dma_semaphore, #tpu.memory_space<semaphore_mem>>)
    %add3A_620 = arith.constant 262144 : i32
    %add3A_621 = arith.addi %add3A_620, %mul3A_2 : i32
    %add3A_622 = arith.constant 6144 : i32
    %add3A_623 = arith.addi %add3A_621, %add3A_622 : i32
    %dma_start3A_624 = arith.constant 1 : i32
    %dma_start3A_625 = arith.constant 12 : i32
    %dma_start3A_626 = arith.constant 0 : i32
    %dma_start3A_627 = tpu.memref_slice %arg6[%dma_start3A_624, %dma_start3A_625, %dma_start3A_626] : memref<3x16x512xf32, #tpu.memory_space<vmem>> -> memref<1x1x512xf32, #tpu.memory_space<vmem>>
    %dma_start3A_628 = tpu.memref_squeeze %dma_start3A_627 : memref<1x1x512xf32, #tpu.memory_space<vmem>> -> memref<512xf32, #tpu.memory_space<vmem>>
    %dma_start3A_629 = tpu.memref_slice %arg4[%add3A_623] : memref<786432xf32, #tpu.memory_space<hbm>> -> memref<512xf32, #tpu.memory_space<hbm>>
    %dma_start3A_630 = tpu.memref_slice %arg4[%add3A_623] : memref<786432xf32, #tpu.memory_space<hbm>> -> memref<512xf32, #tpu.memory_space<hbm>>
    %dma_start3A_631 = arith.constant 0 : i32
    %dma_start3A_632 = tpu.memref_slice %arg6[%dma_start3A_624, %dma_start3A_625, %dma_start3A_631] : memref<3x16x512xf32, #tpu.memory_space<vmem>> -> memref<1x1x512xf32, #tpu.memory_space<vmem>>
    %dma_start3A_633 = tpu.memref_squeeze %dma_start3A_632 : memref<1x1x512xf32, #tpu.memory_space<vmem>> -> memref<512xf32, #tpu.memory_space<vmem>>
    tpu.enqueue_dma source(%dma_start3A_633 : memref<512xf32, #tpu.memory_space<vmem>>) target(%dma_start3A_630 : memref<512xf32, #tpu.memory_space<hbm>>) target_semaphore(%arg9 : memref<!tpu.dma_semaphore, #tpu.memory_space<semaphore_mem>>)
    %add3A_634 = arith.constant 262144 : i32
    %add3A_635 = arith.addi %add3A_634, %mul3A_2 : i32
    %add3A_636 = arith.constant 6656 : i32
    %add3A_637 = arith.addi %add3A_635, %add3A_636 : i32
    %dma_start3A_638 = arith.constant 1 : i32
    %dma_start3A_639 = arith.constant 13 : i32
    %dma_start3A_640 = arith.constant 0 : i32
    %dma_start3A_641 = tpu.memref_slice %arg6[%dma_start3A_638, %dma_start3A_639, %dma_start3A_640] : memref<3x16x512xf32, #tpu.memory_space<vmem>> -> memref<1x1x512xf32, #tpu.memory_space<vmem>>
    %dma_start3A_642 = tpu.memref_squeeze %dma_start3A_641 : memref<1x1x512xf32, #tpu.memory_space<vmem>> -> memref<512xf32, #tpu.memory_space<vmem>>
    %dma_start3A_643 = tpu.memref_slice %arg4[%add3A_637] : memref<786432xf32, #tpu.memory_space<hbm>> -> memref<512xf32, #tpu.memory_space<hbm>>
    %dma_start3A_644 = tpu.memref_slice %arg4[%add3A_637] : memref<786432xf32, #tpu.memory_space<hbm>> -> memref<512xf32, #tpu.memory_space<hbm>>
    %dma_start3A_645 = arith.constant 0 : i32
    %dma_start3A_646 = tpu.memref_slice %arg6[%dma_start3A_638, %dma_start3A_639, %dma_start3A_645] : memref<3x16x512xf32, #tpu.memory_space<vmem>> -> memref<1x1x512xf32, #tpu.memory_space<vmem>>
    %dma_start3A_647 = tpu.memref_squeeze %dma_start3A_646 : memref<1x1x512xf32, #tpu.memory_space<vmem>> -> memref<512xf32, #tpu.memory_space<vmem>>
    tpu.enqueue_dma source(%dma_start3A_647 : memref<512xf32, #tpu.memory_space<vmem>>) target(%dma_start3A_644 : memref<512xf32, #tpu.memory_space<hbm>>) target_semaphore(%arg9 : memref<!tpu.dma_semaphore, #tpu.memory_space<semaphore_mem>>)
    %add3A_648 = arith.constant 262144 : i32
    %add3A_649 = arith.addi %add3A_648, %mul3A_2 : i32
    %add3A_650 = arith.constant 7168 : i32
    %add3A_651 = arith.addi %add3A_649, %add3A_650 : i32
    %dma_start3A_652 = arith.constant 1 : i32
    %dma_start3A_653 = arith.constant 14 : i32
    %dma_start3A_654 = arith.constant 0 : i32
    %dma_start3A_655 = tpu.memref_slice %arg6[%dma_start3A_652, %dma_start3A_653, %dma_start3A_654] : memref<3x16x512xf32, #tpu.memory_space<vmem>> -> memref<1x1x512xf32, #tpu.memory_space<vmem>>
    %dma_start3A_656 = tpu.memref_squeeze %dma_start3A_655 : memref<1x1x512xf32, #tpu.memory_space<vmem>> -> memref<512xf32, #tpu.memory_space<vmem>>
    %dma_start3A_657 = tpu.memref_slice %arg4[%add3A_651] : memref<786432xf32, #tpu.memory_space<hbm>> -> memref<512xf32, #tpu.memory_space<hbm>>
    %dma_start3A_658 = tpu.memref_slice %arg4[%add3A_651] : memref<786432xf32, #tpu.memory_space<hbm>> -> memref<512xf32, #tpu.memory_space<hbm>>
    %dma_start3A_659 = arith.constant 0 : i32
    %dma_start3A_660 = tpu.memref_slice %arg6[%dma_start3A_652, %dma_start3A_653, %dma_start3A_659] : memref<3x16x512xf32, #tpu.memory_space<vmem>> -> memref<1x1x512xf32, #tpu.memory_space<vmem>>
    %dma_start3A_661 = tpu.memref_squeeze %dma_start3A_660 : memref<1x1x512xf32, #tpu.memory_space<vmem>> -> memref<512xf32, #tpu.memory_space<vmem>>
    tpu.enqueue_dma source(%dma_start3A_661 : memref<512xf32, #tpu.memory_space<vmem>>) target(%dma_start3A_658 : memref<512xf32, #tpu.memory_space<hbm>>) target_semaphore(%arg9 : memref<!tpu.dma_semaphore, #tpu.memory_space<semaphore_mem>>)
    %add3A_662 = arith.constant 262144 : i32
    %add3A_663 = arith.addi %add3A_662, %mul3A_2 : i32
    %add3A_664 = arith.constant 7680 : i32
    %add3A_665 = arith.addi %add3A_663, %add3A_664 : i32
    %dma_start3A_666 = arith.constant 1 : i32
    %dma_start3A_667 = arith.constant 15 : i32
    %dma_start3A_668 = arith.constant 0 : i32
    %dma_start3A_669 = tpu.memref_slice %arg6[%dma_start3A_666, %dma_start3A_667, %dma_start3A_668] : memref<3x16x512xf32, #tpu.memory_space<vmem>> -> memref<1x1x512xf32, #tpu.memory_space<vmem>>
    %dma_start3A_670 = tpu.memref_squeeze %dma_start3A_669 : memref<1x1x512xf32, #tpu.memory_space<vmem>> -> memref<512xf32, #tpu.memory_space<vmem>>
    %dma_start3A_671 = tpu.memref_slice %arg4[%add3A_665] : memref<786432xf32, #tpu.memory_space<hbm>> -> memref<512xf32, #tpu.memory_space<hbm>>
    %dma_start3A_672 = tpu.memref_slice %arg4[%add3A_665] : memref<786432xf32, #tpu.memory_space<hbm>> -> memref<512xf32, #tpu.memory_space<hbm>>
    %dma_start3A_673 = arith.constant 0 : i32
    %dma_start3A_674 = tpu.memref_slice %arg6[%dma_start3A_666, %dma_start3A_667, %dma_start3A_673] : memref<3x16x512xf32, #tpu.memory_space<vmem>> -> memref<1x1x512xf32, #tpu.memory_space<vmem>>
    %dma_start3A_675 = tpu.memref_squeeze %dma_start3A_674 : memref<1x1x512xf32, #tpu.memory_space<vmem>> -> memref<512xf32, #tpu.memory_space<vmem>>
    tpu.enqueue_dma source(%dma_start3A_675 : memref<512xf32, #tpu.memory_space<vmem>>) target(%dma_start3A_672 : memref<512xf32, #tpu.memory_space<hbm>>) target_semaphore(%arg9 : memref<!tpu.dma_semaphore, #tpu.memory_space<semaphore_mem>>)
    %dma_wait3A_676 = arith.constant 0 : i32
    %dma_wait3A_677 = arith.constant 2 : i32
    %dma_wait3A_678 = arith.constant 2 : i32
    %dma_wait3A_679 = arith.constant 0 : i32
    %dma_wait3A_680 = arith.constant 0 : i32
    %dma_wait3A_681 = tpu.memref_slice %arg6[%dma_wait3A_678, %dma_wait3A_679, %dma_wait3A_680] : memref<3x16x512xf32, #tpu.memory_space<vmem>> -> memref<1x8x512xf32, #tpu.memory_space<vmem>>
    %dma_wait3A_682 = tpu.memref_squeeze %dma_wait3A_681 : memref<1x8x512xf32, #tpu.memory_space<vmem>> -> memref<8x512xf32, #tpu.memory_space<vmem>>
    %dma_wait3A_683 = arith.constant 0 : i32
    %dma_wait3A_684 = tpu.memref_slice %arg2[%dma_wait3A_676, %dma_wait3A_677, %add3A_89, %dma_wait3A_683] : memref<1x3x512x512xf32, #tpu.memory_space<hbm>> -> memref<1x1x8x512xf32, #tpu.memory_space<hbm>>
    %dma_wait3A_685 = tpu.memref_squeeze %dma_wait3A_684 : memref<1x1x8x512xf32, #tpu.memory_space<hbm>> -> memref<8x512xf32, #tpu.memory_space<hbm>>
    %dma_wait3A_686 = arith.constant 0 : i32
    %dma_wait3A_687 = arith.constant 0 : i32
    %dma_wait3A_688 = tpu.memref_slice %arg6[%dma_wait3A_678, %dma_wait3A_686, %dma_wait3A_687] : memref<3x16x512xf32, #tpu.memory_space<vmem>> -> memref<1x8x512xf32, #tpu.memory_space<vmem>>
    %dma_wait3A_689 = tpu.memref_squeeze %dma_wait3A_688 : memref<1x8x512xf32, #tpu.memory_space<vmem>> -> memref<8x512xf32, #tpu.memory_space<vmem>>
    %dma_wait3A_690 = arith.constant 0 : i32
    %dma_wait3A_691 = tpu.memref_slice %arg2[%dma_wait3A_676, %dma_wait3A_677, %add3A_89, %dma_wait3A_690] : memref<1x3x512x512xf32, #tpu.memory_space<hbm>> -> memref<1x1x8x512xf32, #tpu.memory_space<hbm>>
    %dma_wait3A_692 = tpu.memref_squeeze %dma_wait3A_691 : memref<1x1x8x512xf32, #tpu.memory_space<hbm>> -> memref<8x512xf32, #tpu.memory_space<hbm>>
    tpu.wait_dma2 semaphore(%arg7 : memref<!tpu.dma_semaphore, #tpu.memory_space<semaphore_mem>>) src(%dma_wait3A_692 : memref<8x512xf32, #tpu.memory_space<hbm>>) dst(%dma_wait3A_689 : memref<8x512xf32, #tpu.memory_space<vmem>>)
    %add3A_693 = arith.constant 524288 : i32
    %add3A_694 = arith.addi %add3A_693, %mul3A_2 : i32
    %add3A_695 = arith.constant 0 : i32
    %add3A_696 = arith.addi %add3A_694, %add3A_695 : i32
    %dma_start3A_697 = arith.constant 2 : i32
    %dma_start3A_698 = arith.constant 0 : i32
    %dma_start3A_699 = arith.constant 0 : i32
    %dma_start3A_700 = tpu.memref_slice %arg6[%dma_start3A_697, %dma_start3A_698, %dma_start3A_699] : memref<3x16x512xf32, #tpu.memory_space<vmem>> -> memref<1x1x512xf32, #tpu.memory_space<vmem>>
    %dma_start3A_701 = tpu.memref_squeeze %dma_start3A_700 : memref<1x1x512xf32, #tpu.memory_space<vmem>> -> memref<512xf32, #tpu.memory_space<vmem>>
    %dma_start3A_702 = tpu.memref_slice %arg4[%add3A_696] : memref<786432xf32, #tpu.memory_space<hbm>> -> memref<512xf32, #tpu.memory_space<hbm>>
    %dma_start3A_703 = tpu.memref_slice %arg4[%add3A_696] : memref<786432xf32, #tpu.memory_space<hbm>> -> memref<512xf32, #tpu.memory_space<hbm>>
    %dma_start3A_704 = arith.constant 0 : i32
    %dma_start3A_705 = tpu.memref_slice %arg6[%dma_start3A_697, %dma_start3A_698, %dma_start3A_704] : memref<3x16x512xf32, #tpu.memory_space<vmem>> -> memref<1x1x512xf32, #tpu.memory_space<vmem>>
    %dma_start3A_706 = tpu.memref_squeeze %dma_start3A_705 : memref<1x1x512xf32, #tpu.memory_space<vmem>> -> memref<512xf32, #tpu.memory_space<vmem>>
    tpu.enqueue_dma source(%dma_start3A_706 : memref<512xf32, #tpu.memory_space<vmem>>) target(%dma_start3A_703 : memref<512xf32, #tpu.memory_space<hbm>>) target_semaphore(%arg9 : memref<!tpu.dma_semaphore, #tpu.memory_space<semaphore_mem>>)
    %add3A_707 = arith.constant 524288 : i32
    %add3A_708 = arith.addi %add3A_707, %mul3A_2 : i32
    %add3A_709 = arith.constant 512 : i32
    %add3A_710 = arith.addi %add3A_708, %add3A_709 : i32
    %dma_start3A_711 = arith.constant 2 : i32
    %dma_start3A_712 = arith.constant 1 : i32
    %dma_start3A_713 = arith.constant 0 : i32
    %dma_start3A_714 = tpu.memref_slice %arg6[%dma_start3A_711, %dma_start3A_712, %dma_start3A_713] : memref<3x16x512xf32, #tpu.memory_space<vmem>> -> memref<1x1x512xf32, #tpu.memory_space<vmem>>
    %dma_start3A_715 = tpu.memref_squeeze %dma_start3A_714 : memref<1x1x512xf32, #tpu.memory_space<vmem>> -> memref<512xf32, #tpu.memory_space<vmem>>
    %dma_start3A_716 = tpu.memref_slice %arg4[%add3A_710] : memref<786432xf32, #tpu.memory_space<hbm>> -> memref<512xf32, #tpu.memory_space<hbm>>
    %dma_start3A_717 = tpu.memref_slice %arg4[%add3A_710] : memref<786432xf32, #tpu.memory_space<hbm>> -> memref<512xf32, #tpu.memory_space<hbm>>
    %dma_start3A_718 = arith.constant 0 : i32
    %dma_start3A_719 = tpu.memref_slice %arg6[%dma_start3A_711, %dma_start3A_712, %dma_start3A_718] : memref<3x16x512xf32, #tpu.memory_space<vmem>> -> memref<1x1x512xf32, #tpu.memory_space<vmem>>
    %dma_start3A_720 = tpu.memref_squeeze %dma_start3A_719 : memref<1x1x512xf32, #tpu.memory_space<vmem>> -> memref<512xf32, #tpu.memory_space<vmem>>
    tpu.enqueue_dma source(%dma_start3A_720 : memref<512xf32, #tpu.memory_space<vmem>>) target(%dma_start3A_717 : memref<512xf32, #tpu.memory_space<hbm>>) target_semaphore(%arg9 : memref<!tpu.dma_semaphore, #tpu.memory_space<semaphore_mem>>)
    %add3A_721 = arith.constant 524288 : i32
    %add3A_722 = arith.addi %add3A_721, %mul3A_2 : i32
    %add3A_723 = arith.constant 1024 : i32
    %add3A_724 = arith.addi %add3A_722, %add3A_723 : i32
    %dma_start3A_725 = arith.constant 2 : i32
    %dma_start3A_726 = arith.constant 2 : i32
    %dma_start3A_727 = arith.constant 0 : i32
    %dma_start3A_728 = tpu.memref_slice %arg6[%dma_start3A_725, %dma_start3A_726, %dma_start3A_727] : memref<3x16x512xf32, #tpu.memory_space<vmem>> -> memref<1x1x512xf32, #tpu.memory_space<vmem>>
    %dma_start3A_729 = tpu.memref_squeeze %dma_start3A_728 : memref<1x1x512xf32, #tpu.memory_space<vmem>> -> memref<512xf32, #tpu.memory_space<vmem>>
    %dma_start3A_730 = tpu.memref_slice %arg4[%add3A_724] : memref<786432xf32, #tpu.memory_space<hbm>> -> memref<512xf32, #tpu.memory_space<hbm>>
    %dma_start3A_731 = tpu.memref_slice %arg4[%add3A_724] : memref<786432xf32, #tpu.memory_space<hbm>> -> memref<512xf32, #tpu.memory_space<hbm>>
    %dma_start3A_732 = arith.constant 0 : i32
    %dma_start3A_733 = tpu.memref_slice %arg6[%dma_start3A_725, %dma_start3A_726, %dma_start3A_732] : memref<3x16x512xf32, #tpu.memory_space<vmem>> -> memref<1x1x512xf32, #tpu.memory_space<vmem>>
    %dma_start3A_734 = tpu.memref_squeeze %dma_start3A_733 : memref<1x1x512xf32, #tpu.memory_space<vmem>> -> memref<512xf32, #tpu.memory_space<vmem>>
    tpu.enqueue_dma source(%dma_start3A_734 : memref<512xf32, #tpu.memory_space<vmem>>) target(%dma_start3A_731 : memref<512xf32, #tpu.memory_space<hbm>>) target_semaphore(%arg9 : memref<!tpu.dma_semaphore, #tpu.memory_space<semaphore_mem>>)
    %add3A_735 = arith.constant 524288 : i32
    %add3A_736 = arith.addi %add3A_735, %mul3A_2 : i32
    %add3A_737 = arith.constant 1536 : i32
    %add3A_738 = arith.addi %add3A_736, %add3A_737 : i32
    %dma_start3A_739 = arith.constant 2 : i32
    %dma_start3A_740 = arith.constant 3 : i32
    %dma_start3A_741 = arith.constant 0 : i32
    %dma_start3A_742 = tpu.memref_slice %arg6[%dma_start3A_739, %dma_start3A_740, %dma_start3A_741] : memref<3x16x512xf32, #tpu.memory_space<vmem>> -> memref<1x1x512xf32, #tpu.memory_space<vmem>>
    %dma_start3A_743 = tpu.memref_squeeze %dma_start3A_742 : memref<1x1x512xf32, #tpu.memory_space<vmem>> -> memref<512xf32, #tpu.memory_space<vmem>>
    %dma_start3A_744 = tpu.memref_slice %arg4[%add3A_738] : memref<786432xf32, #tpu.memory_space<hbm>> -> memref<512xf32, #tpu.memory_space<hbm>>
    %dma_start3A_745 = tpu.memref_slice %arg4[%add3A_738] : memref<786432xf32, #tpu.memory_space<hbm>> -> memref<512xf32, #tpu.memory_space<hbm>>
    %dma_start3A_746 = arith.constant 0 : i32
    %dma_start3A_747 = tpu.memref_slice %arg6[%dma_start3A_739, %dma_start3A_740, %dma_start3A_746] : memref<3x16x512xf32, #tpu.memory_space<vmem>> -> memref<1x1x512xf32, #tpu.memory_space<vmem>>
    %dma_start3A_748 = tpu.memref_squeeze %dma_start3A_747 : memref<1x1x512xf32, #tpu.memory_space<vmem>> -> memref<512xf32, #tpu.memory_space<vmem>>
    tpu.enqueue_dma source(%dma_start3A_748 : memref<512xf32, #tpu.memory_space<vmem>>) target(%dma_start3A_745 : memref<512xf32, #tpu.memory_space<hbm>>) target_semaphore(%arg9 : memref<!tpu.dma_semaphore, #tpu.memory_space<semaphore_mem>>)
    %add3A_749 = arith.constant 524288 : i32
    %add3A_750 = arith.addi %add3A_749, %mul3A_2 : i32
    %add3A_751 = arith.constant 2048 : i32
    %add3A_752 = arith.addi %add3A_750, %add3A_751 : i32
    %dma_start3A_753 = arith.constant 2 : i32
    %dma_start3A_754 = arith.constant 4 : i32
    %dma_start3A_755 = arith.constant 0 : i32
    %dma_start3A_756 = tpu.memref_slice %arg6[%dma_start3A_753, %dma_start3A_754, %dma_start3A_755] : memref<3x16x512xf32, #tpu.memory_space<vmem>> -> memref<1x1x512xf32, #tpu.memory_space<vmem>>
    %dma_start3A_757 = tpu.memref_squeeze %dma_start3A_756 : memref<1x1x512xf32, #tpu.memory_space<vmem>> -> memref<512xf32, #tpu.memory_space<vmem>>
    %dma_start3A_758 = tpu.memref_slice %arg4[%add3A_752] : memref<786432xf32, #tpu.memory_space<hbm>> -> memref<512xf32, #tpu.memory_space<hbm>>
    %dma_start3A_759 = tpu.memref_slice %arg4[%add3A_752] : memref<786432xf32, #tpu.memory_space<hbm>> -> memref<512xf32, #tpu.memory_space<hbm>>
    %dma_start3A_760 = arith.constant 0 : i32
    %dma_start3A_761 = tpu.memref_slice %arg6[%dma_start3A_753, %dma_start3A_754, %dma_start3A_760] : memref<3x16x512xf32, #tpu.memory_space<vmem>> -> memref<1x1x512xf32, #tpu.memory_space<vmem>>
    %dma_start3A_762 = tpu.memref_squeeze %dma_start3A_761 : memref<1x1x512xf32, #tpu.memory_space<vmem>> -> memref<512xf32, #tpu.memory_space<vmem>>
    tpu.enqueue_dma source(%dma_start3A_762 : memref<512xf32, #tpu.memory_space<vmem>>) target(%dma_start3A_759 : memref<512xf32, #tpu.memory_space<hbm>>) target_semaphore(%arg9 : memref<!tpu.dma_semaphore, #tpu.memory_space<semaphore_mem>>)
    %add3A_763 = arith.constant 524288 : i32
    %add3A_764 = arith.addi %add3A_763, %mul3A_2 : i32
    %add3A_765 = arith.constant 2560 : i32
    %add3A_766 = arith.addi %add3A_764, %add3A_765 : i32
    %dma_start3A_767 = arith.constant 2 : i32
    %dma_start3A_768 = arith.constant 5 : i32
    %dma_start3A_769 = arith.constant 0 : i32
    %dma_start3A_770 = tpu.memref_slice %arg6[%dma_start3A_767, %dma_start3A_768, %dma_start3A_769] : memref<3x16x512xf32, #tpu.memory_space<vmem>> -> memref<1x1x512xf32, #tpu.memory_space<vmem>>
    %dma_start3A_771 = tpu.memref_squeeze %dma_start3A_770 : memref<1x1x512xf32, #tpu.memory_space<vmem>> -> memref<512xf32, #tpu.memory_space<vmem>>
    %dma_start3A_772 = tpu.memref_slice %arg4[%add3A_766] : memref<786432xf32, #tpu.memory_space<hbm>> -> memref<512xf32, #tpu.memory_space<hbm>>
    %dma_start3A_773 = tpu.memref_slice %arg4[%add3A_766] : memref<786432xf32, #tpu.memory_space<hbm>> -> memref<512xf32, #tpu.memory_space<hbm>>
    %dma_start3A_774 = arith.constant 0 : i32
    %dma_start3A_775 = tpu.memref_slice %arg6[%dma_start3A_767, %dma_start3A_768, %dma_start3A_774] : memref<3x16x512xf32, #tpu.memory_space<vmem>> -> memref<1x1x512xf32, #tpu.memory_space<vmem>>
    %dma_start3A_776 = tpu.memref_squeeze %dma_start3A_775 : memref<1x1x512xf32, #tpu.memory_space<vmem>> -> memref<512xf32, #tpu.memory_space<vmem>>
    tpu.enqueue_dma source(%dma_start3A_776 : memref<512xf32, #tpu.memory_space<vmem>>) target(%dma_start3A_773 : memref<512xf32, #tpu.memory_space<hbm>>) target_semaphore(%arg9 : memref<!tpu.dma_semaphore, #tpu.memory_space<semaphore_mem>>)
    %add3A_777 = arith.constant 524288 : i32
    %add3A_778 = arith.addi %add3A_777, %mul3A_2 : i32
    %add3A_779 = arith.constant 3072 : i32
    %add3A_780 = arith.addi %add3A_778, %add3A_779 : i32
    %dma_start3A_781 = arith.constant 2 : i32
    %dma_start3A_782 = arith.constant 6 : i32
    %dma_start3A_783 = arith.constant 0 : i32
    %dma_start3A_784 = tpu.memref_slice %arg6[%dma_start3A_781, %dma_start3A_782, %dma_start3A_783] : memref<3x16x512xf32, #tpu.memory_space<vmem>> -> memref<1x1x512xf32, #tpu.memory_space<vmem>>
    %dma_start3A_785 = tpu.memref_squeeze %dma_start3A_784 : memref<1x1x512xf32, #tpu.memory_space<vmem>> -> memref<512xf32, #tpu.memory_space<vmem>>
    %dma_start3A_786 = tpu.memref_slice %arg4[%add3A_780] : memref<786432xf32, #tpu.memory_space<hbm>> -> memref<512xf32, #tpu.memory_space<hbm>>
    %dma_start3A_787 = tpu.memref_slice %arg4[%add3A_780] : memref<786432xf32, #tpu.memory_space<hbm>> -> memref<512xf32, #tpu.memory_space<hbm>>
    %dma_start3A_788 = arith.constant 0 : i32
    %dma_start3A_789 = tpu.memref_slice %arg6[%dma_start3A_781, %dma_start3A_782, %dma_start3A_788] : memref<3x16x512xf32, #tpu.memory_space<vmem>> -> memref<1x1x512xf32, #tpu.memory_space<vmem>>
    %dma_start3A_790 = tpu.memref_squeeze %dma_start3A_789 : memref<1x1x512xf32, #tpu.memory_space<vmem>> -> memref<512xf32, #tpu.memory_space<vmem>>
    tpu.enqueue_dma source(%dma_start3A_790 : memref<512xf32, #tpu.memory_space<vmem>>) target(%dma_start3A_787 : memref<512xf32, #tpu.memory_space<hbm>>) target_semaphore(%arg9 : memref<!tpu.dma_semaphore, #tpu.memory_space<semaphore_mem>>)
    %add3A_791 = arith.constant 524288 : i32
    %add3A_792 = arith.addi %add3A_791, %mul3A_2 : i32
    %add3A_793 = arith.constant 3584 : i32
    %add3A_794 = arith.addi %add3A_792, %add3A_793 : i32
    %dma_start3A_795 = arith.constant 2 : i32
    %dma_start3A_796 = arith.constant 7 : i32
    %dma_start3A_797 = arith.constant 0 : i32
    %dma_start3A_798 = tpu.memref_slice %arg6[%dma_start3A_795, %dma_start3A_796, %dma_start3A_797] : memref<3x16x512xf32, #tpu.memory_space<vmem>> -> memref<1x1x512xf32, #tpu.memory_space<vmem>>
    %dma_start3A_799 = tpu.memref_squeeze %dma_start3A_798 : memref<1x1x512xf32, #tpu.memory_space<vmem>> -> memref<512xf32, #tpu.memory_space<vmem>>
    %dma_start3A_800 = tpu.memref_slice %arg4[%add3A_794] : memref<786432xf32, #tpu.memory_space<hbm>> -> memref<512xf32, #tpu.memory_space<hbm>>
    %dma_start3A_801 = tpu.memref_slice %arg4[%add3A_794] : memref<786432xf32, #tpu.memory_space<hbm>> -> memref<512xf32, #tpu.memory_space<hbm>>
    %dma_start3A_802 = arith.constant 0 : i32
    %dma_start3A_803 = tpu.memref_slice %arg6[%dma_start3A_795, %dma_start3A_796, %dma_start3A_802] : memref<3x16x512xf32, #tpu.memory_space<vmem>> -> memref<1x1x512xf32, #tpu.memory_space<vmem>>
    %dma_start3A_804 = tpu.memref_squeeze %dma_start3A_803 : memref<1x1x512xf32, #tpu.memory_space<vmem>> -> memref<512xf32, #tpu.memory_space<vmem>>
    tpu.enqueue_dma source(%dma_start3A_804 : memref<512xf32, #tpu.memory_space<vmem>>) target(%dma_start3A_801 : memref<512xf32, #tpu.memory_space<hbm>>) target_semaphore(%arg9 : memref<!tpu.dma_semaphore, #tpu.memory_space<semaphore_mem>>)
    %dma_wait3A_805 = arith.constant 0 : i32
    %dma_wait3A_806 = arith.constant 2 : i32
    %dma_wait3A_807 = arith.constant 2 : i32
    %dma_wait3A_808 = arith.constant 8 : i32
    %dma_wait3A_809 = arith.constant 0 : i32
    %dma_wait3A_810 = tpu.memref_slice %arg6[%dma_wait3A_807, %dma_wait3A_808, %dma_wait3A_809] : memref<3x16x512xf32, #tpu.memory_space<vmem>> -> memref<1x8x512xf32, #tpu.memory_space<vmem>>
    %dma_wait3A_811 = tpu.memref_squeeze %dma_wait3A_810 : memref<1x8x512xf32, #tpu.memory_space<vmem>> -> memref<8x512xf32, #tpu.memory_space<vmem>>
    %dma_wait3A_812 = arith.constant 0 : i32
    %dma_wait3A_813 = tpu.memref_slice %arg2[%dma_wait3A_805, %dma_wait3A_806, %add3A_110, %dma_wait3A_812] : memref<1x3x512x512xf32, #tpu.memory_space<hbm>> -> memref<1x1x8x512xf32, #tpu.memory_space<hbm>>
    %dma_wait3A_814 = tpu.memref_squeeze %dma_wait3A_813 : memref<1x1x8x512xf32, #tpu.memory_space<hbm>> -> memref<8x512xf32, #tpu.memory_space<hbm>>
    %dma_wait3A_815 = arith.constant 8 : i32
    %dma_wait3A_816 = arith.constant 0 : i32
    %dma_wait3A_817 = tpu.memref_slice %arg6[%dma_wait3A_807, %dma_wait3A_815, %dma_wait3A_816] : memref<3x16x512xf32, #tpu.memory_space<vmem>> -> memref<1x8x512xf32, #tpu.memory_space<vmem>>
    %dma_wait3A_818 = tpu.memref_squeeze %dma_wait3A_817 : memref<1x8x512xf32, #tpu.memory_space<vmem>> -> memref<8x512xf32, #tpu.memory_space<vmem>>
    %dma_wait3A_819 = arith.constant 0 : i32
    %dma_wait3A_820 = tpu.memref_slice %arg2[%dma_wait3A_805, %dma_wait3A_806, %add3A_110, %dma_wait3A_819] : memref<1x3x512x512xf32, #tpu.memory_space<hbm>> -> memref<1x1x8x512xf32, #tpu.memory_space<hbm>>
    %dma_wait3A_821 = tpu.memref_squeeze %dma_wait3A_820 : memref<1x1x8x512xf32, #tpu.memory_space<hbm>> -> memref<8x512xf32, #tpu.memory_space<hbm>>
    tpu.wait_dma2 semaphore(%arg7 : memref<!tpu.dma_semaphore, #tpu.memory_space<semaphore_mem>>) src(%dma_wait3A_821 : memref<8x512xf32, #tpu.memory_space<hbm>>) dst(%dma_wait3A_818 : memref<8x512xf32, #tpu.memory_space<vmem>>)
    %add3A_822 = arith.constant 524288 : i32
    %add3A_823 = arith.addi %add3A_822, %mul3A_2 : i32
    %add3A_824 = arith.constant 4096 : i32
    %add3A_825 = arith.addi %add3A_823, %add3A_824 : i32
    %dma_start3A_826 = arith.constant 2 : i32
    %dma_start3A_827 = arith.constant 8 : i32
    %dma_start3A_828 = arith.constant 0 : i32
    %dma_start3A_829 = tpu.memref_slice %arg6[%dma_start3A_826, %dma_start3A_827, %dma_start3A_828] : memref<3x16x512xf32, #tpu.memory_space<vmem>> -> memref<1x1x512xf32, #tpu.memory_space<vmem>>
    %dma_start3A_830 = tpu.memref_squeeze %dma_start3A_829 : memref<1x1x512xf32, #tpu.memory_space<vmem>> -> memref<512xf32, #tpu.memory_space<vmem>>
    %dma_start3A_831 = tpu.memref_slice %arg4[%add3A_825] : memref<786432xf32, #tpu.memory_space<hbm>> -> memref<512xf32, #tpu.memory_space<hbm>>
    %dma_start3A_832 = tpu.memref_slice %arg4[%add3A_825] : memref<786432xf32, #tpu.memory_space<hbm>> -> memref<512xf32, #tpu.memory_space<hbm>>
    %dma_start3A_833 = arith.constant 0 : i32
    %dma_start3A_834 = tpu.memref_slice %arg6[%dma_start3A_826, %dma_start3A_827, %dma_start3A_833] : memref<3x16x512xf32, #tpu.memory_space<vmem>> -> memref<1x1x512xf32, #tpu.memory_space<vmem>>
    %dma_start3A_835 = tpu.memref_squeeze %dma_start3A_834 : memref<1x1x512xf32, #tpu.memory_space<vmem>> -> memref<512xf32, #tpu.memory_space<vmem>>
    tpu.enqueue_dma source(%dma_start3A_835 : memref<512xf32, #tpu.memory_space<vmem>>) target(%dma_start3A_832 : memref<512xf32, #tpu.memory_space<hbm>>) target_semaphore(%arg9 : memref<!tpu.dma_semaphore, #tpu.memory_space<semaphore_mem>>)
    %add3A_836 = arith.constant 524288 : i32
    %add3A_837 = arith.addi %add3A_836, %mul3A_2 : i32
    %add3A_838 = arith.constant 4608 : i32
    %add3A_839 = arith.addi %add3A_837, %add3A_838 : i32
    %dma_start3A_840 = arith.constant 2 : i32
    %dma_start3A_841 = arith.constant 9 : i32
    %dma_start3A_842 = arith.constant 0 : i32
    %dma_start3A_843 = tpu.memref_slice %arg6[%dma_start3A_840, %dma_start3A_841, %dma_start3A_842] : memref<3x16x512xf32, #tpu.memory_space<vmem>> -> memref<1x1x512xf32, #tpu.memory_space<vmem>>
    %dma_start3A_844 = tpu.memref_squeeze %dma_start3A_843 : memref<1x1x512xf32, #tpu.memory_space<vmem>> -> memref<512xf32, #tpu.memory_space<vmem>>
    %dma_start3A_845 = tpu.memref_slice %arg4[%add3A_839] : memref<786432xf32, #tpu.memory_space<hbm>> -> memref<512xf32, #tpu.memory_space<hbm>>
    %dma_start3A_846 = tpu.memref_slice %arg4[%add3A_839] : memref<786432xf32, #tpu.memory_space<hbm>> -> memref<512xf32, #tpu.memory_space<hbm>>
    %dma_start3A_847 = arith.constant 0 : i32
    %dma_start3A_848 = tpu.memref_slice %arg6[%dma_start3A_840, %dma_start3A_841, %dma_start3A_847] : memref<3x16x512xf32, #tpu.memory_space<vmem>> -> memref<1x1x512xf32, #tpu.memory_space<vmem>>
    %dma_start3A_849 = tpu.memref_squeeze %dma_start3A_848 : memref<1x1x512xf32, #tpu.memory_space<vmem>> -> memref<512xf32, #tpu.memory_space<vmem>>
    tpu.enqueue_dma source(%dma_start3A_849 : memref<512xf32, #tpu.memory_space<vmem>>) target(%dma_start3A_846 : memref<512xf32, #tpu.memory_space<hbm>>) target_semaphore(%arg9 : memref<!tpu.dma_semaphore, #tpu.memory_space<semaphore_mem>>)
    %add3A_850 = arith.constant 524288 : i32
    %add3A_851 = arith.addi %add3A_850, %mul3A_2 : i32
    %add3A_852 = arith.constant 5120 : i32
    %add3A_853 = arith.addi %add3A_851, %add3A_852 : i32
    %dma_start3A_854 = arith.constant 2 : i32
    %dma_start3A_855 = arith.constant 10 : i32
    %dma_start3A_856 = arith.constant 0 : i32
    %dma_start3A_857 = tpu.memref_slice %arg6[%dma_start3A_854, %dma_start3A_855, %dma_start3A_856] : memref<3x16x512xf32, #tpu.memory_space<vmem>> -> memref<1x1x512xf32, #tpu.memory_space<vmem>>
    %dma_start3A_858 = tpu.memref_squeeze %dma_start3A_857 : memref<1x1x512xf32, #tpu.memory_space<vmem>> -> memref<512xf32, #tpu.memory_space<vmem>>
    %dma_start3A_859 = tpu.memref_slice %arg4[%add3A_853] : memref<786432xf32, #tpu.memory_space<hbm>> -> memref<512xf32, #tpu.memory_space<hbm>>
    %dma_start3A_860 = tpu.memref_slice %arg4[%add3A_853] : memref<786432xf32, #tpu.memory_space<hbm>> -> memref<512xf32, #tpu.memory_space<hbm>>
    %dma_start3A_861 = arith.constant 0 : i32
    %dma_start3A_862 = tpu.memref_slice %arg6[%dma_start3A_854, %dma_start3A_855, %dma_start3A_861] : memref<3x16x512xf32, #tpu.memory_space<vmem>> -> memref<1x1x512xf32, #tpu.memory_space<vmem>>
    %dma_start3A_863 = tpu.memref_squeeze %dma_start3A_862 : memref<1x1x512xf32, #tpu.memory_space<vmem>> -> memref<512xf32, #tpu.memory_space<vmem>>
    tpu.enqueue_dma source(%dma_start3A_863 : memref<512xf32, #tpu.memory_space<vmem>>) target(%dma_start3A_860 : memref<512xf32, #tpu.memory_space<hbm>>) target_semaphore(%arg9 : memref<!tpu.dma_semaphore, #tpu.memory_space<semaphore_mem>>)
    %add3A_864 = arith.constant 524288 : i32
    %add3A_865 = arith.addi %add3A_864, %mul3A_2 : i32
    %add3A_866 = arith.constant 5632 : i32
    %add3A_867 = arith.addi %add3A_865, %add3A_866 : i32
    %dma_start3A_868 = arith.constant 2 : i32
    %dma_start3A_869 = arith.constant 11 : i32
    %dma_start3A_870 = arith.constant 0 : i32
    %dma_start3A_871 = tpu.memref_slice %arg6[%dma_start3A_868, %dma_start3A_869, %dma_start3A_870] : memref<3x16x512xf32, #tpu.memory_space<vmem>> -> memref<1x1x512xf32, #tpu.memory_space<vmem>>
    %dma_start3A_872 = tpu.memref_squeeze %dma_start3A_871 : memref<1x1x512xf32, #tpu.memory_space<vmem>> -> memref<512xf32, #tpu.memory_space<vmem>>
    %dma_start3A_873 = tpu.memref_slice %arg4[%add3A_867] : memref<786432xf32, #tpu.memory_space<hbm>> -> memref<512xf32, #tpu.memory_space<hbm>>
    %dma_start3A_874 = tpu.memref_slice %arg4[%add3A_867] : memref<786432xf32, #tpu.memory_space<hbm>> -> memref<512xf32, #tpu.memory_space<hbm>>
    %dma_start3A_875 = arith.constant 0 : i32
    %dma_start3A_876 = tpu.memref_slice %arg6[%dma_start3A_868, %dma_start3A_869, %dma_start3A_875] : memref<3x16x512xf32, #tpu.memory_space<vmem>> -> memref<1x1x512xf32, #tpu.memory_space<vmem>>
    %dma_start3A_877 = tpu.memref_squeeze %dma_start3A_876 : memref<1x1x512xf32, #tpu.memory_space<vmem>> -> memref<512xf32, #tpu.memory_space<vmem>>
    tpu.enqueue_dma source(%dma_start3A_877 : memref<512xf32, #tpu.memory_space<vmem>>) target(%dma_start3A_874 : memref<512xf32, #tpu.memory_space<hbm>>) target_semaphore(%arg9 : memref<!tpu.dma_semaphore, #tpu.memory_space<semaphore_mem>>)
    %add3A_878 = arith.constant 524288 : i32
    %add3A_879 = arith.addi %add3A_878, %mul3A_2 : i32
    %add3A_880 = arith.constant 6144 : i32
    %add3A_881 = arith.addi %add3A_879, %add3A_880 : i32
    %dma_start3A_882 = arith.constant 2 : i32
    %dma_start3A_883 = arith.constant 12 : i32
    %dma_start3A_884 = arith.constant 0 : i32
    %dma_start3A_885 = tpu.memref_slice %arg6[%dma_start3A_882, %dma_start3A_883, %dma_start3A_884] : memref<3x16x512xf32, #tpu.memory_space<vmem>> -> memref<1x1x512xf32, #tpu.memory_space<vmem>>
    %dma_start3A_886 = tpu.memref_squeeze %dma_start3A_885 : memref<1x1x512xf32, #tpu.memory_space<vmem>> -> memref<512xf32, #tpu.memory_space<vmem>>
    %dma_start3A_887 = tpu.memref_slice %arg4[%add3A_881] : memref<786432xf32, #tpu.memory_space<hbm>> -> memref<512xf32, #tpu.memory_space<hbm>>
    %dma_start3A_888 = tpu.memref_slice %arg4[%add3A_881] : memref<786432xf32, #tpu.memory_space<hbm>> -> memref<512xf32, #tpu.memory_space<hbm>>
    %dma_start3A_889 = arith.constant 0 : i32
    %dma_start3A_890 = tpu.memref_slice %arg6[%dma_start3A_882, %dma_start3A_883, %dma_start3A_889] : memref<3x16x512xf32, #tpu.memory_space<vmem>> -> memref<1x1x512xf32, #tpu.memory_space<vmem>>
    %dma_start3A_891 = tpu.memref_squeeze %dma_start3A_890 : memref<1x1x512xf32, #tpu.memory_space<vmem>> -> memref<512xf32, #tpu.memory_space<vmem>>
    tpu.enqueue_dma source(%dma_start3A_891 : memref<512xf32, #tpu.memory_space<vmem>>) target(%dma_start3A_888 : memref<512xf32, #tpu.memory_space<hbm>>) target_semaphore(%arg9 : memref<!tpu.dma_semaphore, #tpu.memory_space<semaphore_mem>>)
    %add3A_892 = arith.constant 524288 : i32
    %add3A_893 = arith.addi %add3A_892, %mul3A_2 : i32
    %add3A_894 = arith.constant 6656 : i32
    %add3A_895 = arith.addi %add3A_893, %add3A_894 : i32
    %dma_start3A_896 = arith.constant 2 : i32
    %dma_start3A_897 = arith.constant 13 : i32
    %dma_start3A_898 = arith.constant 0 : i32
    %dma_start3A_899 = tpu.memref_slice %arg6[%dma_start3A_896, %dma_start3A_897, %dma_start3A_898] : memref<3x16x512xf32, #tpu.memory_space<vmem>> -> memref<1x1x512xf32, #tpu.memory_space<vmem>>
    %dma_start3A_900 = tpu.memref_squeeze %dma_start3A_899 : memref<1x1x512xf32, #tpu.memory_space<vmem>> -> memref<512xf32, #tpu.memory_space<vmem>>
    %dma_start3A_901 = tpu.memref_slice %arg4[%add3A_895] : memref<786432xf32, #tpu.memory_space<hbm>> -> memref<512xf32, #tpu.memory_space<hbm>>
    %dma_start3A_902 = tpu.memref_slice %arg4[%add3A_895] : memref<786432xf32, #tpu.memory_space<hbm>> -> memref<512xf32, #tpu.memory_space<hbm>>
    %dma_start3A_903 = arith.constant 0 : i32
    %dma_start3A_904 = tpu.memref_slice %arg6[%dma_start3A_896, %dma_start3A_897, %dma_start3A_903] : memref<3x16x512xf32, #tpu.memory_space<vmem>> -> memref<1x1x512xf32, #tpu.memory_space<vmem>>
    %dma_start3A_905 = tpu.memref_squeeze %dma_start3A_904 : memref<1x1x512xf32, #tpu.memory_space<vmem>> -> memref<512xf32, #tpu.memory_space<vmem>>
    tpu.enqueue_dma source(%dma_start3A_905 : memref<512xf32, #tpu.memory_space<vmem>>) target(%dma_start3A_902 : memref<512xf32, #tpu.memory_space<hbm>>) target_semaphore(%arg9 : memref<!tpu.dma_semaphore, #tpu.memory_space<semaphore_mem>>)
    %add3A_906 = arith.constant 524288 : i32
    %add3A_907 = arith.addi %add3A_906, %mul3A_2 : i32
    %add3A_908 = arith.constant 7168 : i32
    %add3A_909 = arith.addi %add3A_907, %add3A_908 : i32
    %dma_start3A_910 = arith.constant 2 : i32
    %dma_start3A_911 = arith.constant 14 : i32
    %dma_start3A_912 = arith.constant 0 : i32
    %dma_start3A_913 = tpu.memref_slice %arg6[%dma_start3A_910, %dma_start3A_911, %dma_start3A_912] : memref<3x16x512xf32, #tpu.memory_space<vmem>> -> memref<1x1x512xf32, #tpu.memory_space<vmem>>
    %dma_start3A_914 = tpu.memref_squeeze %dma_start3A_913 : memref<1x1x512xf32, #tpu.memory_space<vmem>> -> memref<512xf32, #tpu.memory_space<vmem>>
    %dma_start3A_915 = tpu.memref_slice %arg4[%add3A_909] : memref<786432xf32, #tpu.memory_space<hbm>> -> memref<512xf32, #tpu.memory_space<hbm>>
    %dma_start3A_916 = tpu.memref_slice %arg4[%add3A_909] : memref<786432xf32, #tpu.memory_space<hbm>> -> memref<512xf32, #tpu.memory_space<hbm>>
    %dma_start3A_917 = arith.constant 0 : i32
    %dma_start3A_918 = tpu.memref_slice %arg6[%dma_start3A_910, %dma_start3A_911, %dma_start3A_917] : memref<3x16x512xf32, #tpu.memory_space<vmem>> -> memref<1x1x512xf32, #tpu.memory_space<vmem>>
    %dma_start3A_919 = tpu.memref_squeeze %dma_start3A_918 : memref<1x1x512xf32, #tpu.memory_space<vmem>> -> memref<512xf32, #tpu.memory_space<vmem>>
    tpu.enqueue_dma source(%dma_start3A_919 : memref<512xf32, #tpu.memory_space<vmem>>) target(%dma_start3A_916 : memref<512xf32, #tpu.memory_space<hbm>>) target_semaphore(%arg9 : memref<!tpu.dma_semaphore, #tpu.memory_space<semaphore_mem>>)
    %add3A_920 = arith.constant 524288 : i32
    %add3A_921 = arith.addi %add3A_920, %mul3A_2 : i32
    %add3A_922 = arith.constant 7680 : i32
    %add3A_923 = arith.addi %add3A_921, %add3A_922 : i32
    %dma_start3A_924 = arith.constant 2 : i32
    %dma_start3A_925 = arith.constant 15 : i32
    %dma_start3A_926 = arith.constant 0 : i32
    %dma_start3A_927 = tpu.memref_slice %arg6[%dma_start3A_924, %dma_start3A_925, %dma_start3A_926] : memref<3x16x512xf32, #tpu.memory_space<vmem>> -> memref<1x1x512xf32, #tpu.memory_space<vmem>>
    %dma_start3A_928 = tpu.memref_squeeze %dma_start3A_927 : memref<1x1x512xf32, #tpu.memory_space<vmem>> -> memref<512xf32, #tpu.memory_space<vmem>>
    %dma_start3A_929 = tpu.memref_slice %arg4[%add3A_923] : memref<786432xf32, #tpu.memory_space<hbm>> -> memref<512xf32, #tpu.memory_space<hbm>>
    %dma_start3A_930 = tpu.memref_slice %arg4[%add3A_923] : memref<786432xf32, #tpu.memory_space<hbm>> -> memref<512xf32, #tpu.memory_space<hbm>>
    %dma_start3A_931 = arith.constant 0 : i32
    %dma_start3A_932 = tpu.memref_slice %arg6[%dma_start3A_924, %dma_start3A_925, %dma_start3A_931] : memref<3x16x512xf32, #tpu.memory_space<vmem>> -> memref<1x1x512xf32, #tpu.memory_space<vmem>>
    %dma_start3A_933 = tpu.memref_squeeze %dma_start3A_932 : memref<1x1x512xf32, #tpu.memory_space<vmem>> -> memref<512xf32, #tpu.memory_space<vmem>>
    tpu.enqueue_dma source(%dma_start3A_933 : memref<512xf32, #tpu.memory_space<vmem>>) target(%dma_start3A_930 : memref<512xf32, #tpu.memory_space<hbm>>) target_semaphore(%arg9 : memref<!tpu.dma_semaphore, #tpu.memory_space<semaphore_mem>>)
    %dma_wait3A_934 = arith.constant 0 : i32
    %dma_wait3A_935 = arith.constant 0 : i32
    %dma_wait3A_936 = arith.constant 0 : i32
    %dma_wait3A_937 = tpu.memref_slice %arg6[%dma_wait3A_934, %dma_wait3A_935, %dma_wait3A_936] : memref<3x16x512xf32, #tpu.memory_space<vmem>> -> memref<1x1x512xf32, #tpu.memory_space<vmem>>
    %dma_wait3A_938 = tpu.memref_squeeze %dma_wait3A_937 : memref<1x1x512xf32, #tpu.memory_space<vmem>> -> memref<512xf32, #tpu.memory_space<vmem>>
    %dma_wait3A_939 = tpu.memref_slice %arg4[%add3A_180] : memref<786432xf32, #tpu.memory_space<hbm>> -> memref<512xf32, #tpu.memory_space<hbm>>
    %dma_wait3A_940 = tpu.memref_slice %arg4[%add3A_180] : memref<786432xf32, #tpu.memory_space<hbm>> -> memref<512xf32, #tpu.memory_space<hbm>>
    %dma_wait3A_941 = arith.constant 0 : i32
    %dma_wait3A_942 = tpu.memref_slice %arg6[%dma_wait3A_934, %dma_wait3A_935, %dma_wait3A_941] : memref<3x16x512xf32, #tpu.memory_space<vmem>> -> memref<1x1x512xf32, #tpu.memory_space<vmem>>
    %dma_wait3A_943 = tpu.memref_squeeze %dma_wait3A_942 : memref<1x1x512xf32, #tpu.memory_space<vmem>> -> memref<512xf32, #tpu.memory_space<vmem>>
    tpu.wait_dma2 semaphore(%arg9 : memref<!tpu.dma_semaphore, #tpu.memory_space<semaphore_mem>>) src(%dma_wait3A_943 : memref<512xf32, #tpu.memory_space<vmem>>) dst(%dma_wait3A_940 : memref<512xf32, #tpu.memory_space<hbm>>)
    %dma_wait3A_944 = arith.constant 0 : i32
    %dma_wait3A_945 = arith.constant 1 : i32
    %dma_wait3A_946 = arith.constant 0 : i32
    %dma_wait3A_947 = tpu.memref_slice %arg6[%dma_wait3A_944, %dma_wait3A_945, %dma_wait3A_946] : memref<3x16x512xf32, #tpu.memory_space<vmem>> -> memref<1x1x512xf32, #tpu.memory_space<vmem>>
    %dma_wait3A_948 = tpu.memref_squeeze %dma_wait3A_947 : memref<1x1x512xf32, #tpu.memory_space<vmem>> -> memref<512xf32, #tpu.memory_space<vmem>>
    %dma_wait3A_949 = tpu.memref_slice %arg4[%add3A_194] : memref<786432xf32, #tpu.memory_space<hbm>> -> memref<512xf32, #tpu.memory_space<hbm>>
    %dma_wait3A_950 = tpu.memref_slice %arg4[%add3A_194] : memref<786432xf32, #tpu.memory_space<hbm>> -> memref<512xf32, #tpu.memory_space<hbm>>
    %dma_wait3A_951 = arith.constant 0 : i32
    %dma_wait3A_952 = tpu.memref_slice %arg6[%dma_wait3A_944, %dma_wait3A_945, %dma_wait3A_951] : memref<3x16x512xf32, #tpu.memory_space<vmem>> -> memref<1x1x512xf32, #tpu.memory_space<vmem>>
    %dma_wait3A_953 = tpu.memref_squeeze %dma_wait3A_952 : memref<1x1x512xf32, #tpu.memory_space<vmem>> -> memref<512xf32, #tpu.memory_space<vmem>>
    tpu.wait_dma2 semaphore(%arg9 : memref<!tpu.dma_semaphore, #tpu.memory_space<semaphore_mem>>) src(%dma_wait3A_953 : memref<512xf32, #tpu.memory_space<vmem>>) dst(%dma_wait3A_950 : memref<512xf32, #tpu.memory_space<hbm>>)
    %dma_wait3A_954 = arith.constant 0 : i32
    %dma_wait3A_955 = arith.constant 2 : i32
    %dma_wait3A_956 = arith.constant 0 : i32
    %dma_wait3A_957 = tpu.memref_slice %arg6[%dma_wait3A_954, %dma_wait3A_955, %dma_wait3A_956] : memref<3x16x512xf32, #tpu.memory_space<vmem>> -> memref<1x1x512xf32, #tpu.memory_space<vmem>>
    %dma_wait3A_958 = tpu.memref_squeeze %dma_wait3A_957 : memref<1x1x512xf32, #tpu.memory_space<vmem>> -> memref<512xf32, #tpu.memory_space<vmem>>
    %dma_wait3A_959 = tpu.memref_slice %arg4[%add3A_208] : memref<786432xf32, #tpu.memory_space<hbm>> -> memref<512xf32, #tpu.memory_space<hbm>>
    %dma_wait3A_960 = tpu.memref_slice %arg4[%add3A_208] : memref<786432xf32, #tpu.memory_space<hbm>> -> memref<512xf32, #tpu.memory_space<hbm>>
    %dma_wait3A_961 = arith.constant 0 : i32
    %dma_wait3A_962 = tpu.memref_slice %arg6[%dma_wait3A_954, %dma_wait3A_955, %dma_wait3A_961] : memref<3x16x512xf32, #tpu.memory_space<vmem>> -> memref<1x1x512xf32, #tpu.memory_space<vmem>>
    %dma_wait3A_963 = tpu.memref_squeeze %dma_wait3A_962 : memref<1x1x512xf32, #tpu.memory_space<vmem>> -> memref<512xf32, #tpu.memory_space<vmem>>
    tpu.wait_dma2 semaphore(%arg9 : memref<!tpu.dma_semaphore, #tpu.memory_space<semaphore_mem>>) src(%dma_wait3A_963 : memref<512xf32, #tpu.memory_space<vmem>>) dst(%dma_wait3A_960 : memref<512xf32, #tpu.memory_space<hbm>>)
    %dma_wait3A_964 = arith.constant 0 : i32
    %dma_wait3A_965 = arith.constant 3 : i32
    %dma_wait3A_966 = arith.constant 0 : i32
    %dma_wait3A_967 = tpu.memref_slice %arg6[%dma_wait3A_964, %dma_wait3A_965, %dma_wait3A_966] : memref<3x16x512xf32, #tpu.memory_space<vmem>> -> memref<1x1x512xf32, #tpu.memory_space<vmem>>
    %dma_wait3A_968 = tpu.memref_squeeze %dma_wait3A_967 : memref<1x1x512xf32, #tpu.memory_space<vmem>> -> memref<512xf32, #tpu.memory_space<vmem>>
    %dma_wait3A_969 = tpu.memref_slice %arg4[%add3A_222] : memref<786432xf32, #tpu.memory_space<hbm>> -> memref<512xf32, #tpu.memory_space<hbm>>
    %dma_wait3A_970 = tpu.memref_slice %arg4[%add3A_222] : memref<786432xf32, #tpu.memory_space<hbm>> -> memref<512xf32, #tpu.memory_space<hbm>>
    %dma_wait3A_971 = arith.constant 0 : i32
    %dma_wait3A_972 = tpu.memref_slice %arg6[%dma_wait3A_964, %dma_wait3A_965, %dma_wait3A_971] : memref<3x16x512xf32, #tpu.memory_space<vmem>> -> memref<1x1x512xf32, #tpu.memory_space<vmem>>
    %dma_wait3A_973 = tpu.memref_squeeze %dma_wait3A_972 : memref<1x1x512xf32, #tpu.memory_space<vmem>> -> memref<512xf32, #tpu.memory_space<vmem>>
    tpu.wait_dma2 semaphore(%arg9 : memref<!tpu.dma_semaphore, #tpu.memory_space<semaphore_mem>>) src(%dma_wait3A_973 : memref<512xf32, #tpu.memory_space<vmem>>) dst(%dma_wait3A_970 : memref<512xf32, #tpu.memory_space<hbm>>)
    %dma_wait3A_974 = arith.constant 0 : i32
    %dma_wait3A_975 = arith.constant 4 : i32
    %dma_wait3A_976 = arith.constant 0 : i32
    %dma_wait3A_977 = tpu.memref_slice %arg6[%dma_wait3A_974, %dma_wait3A_975, %dma_wait3A_976] : memref<3x16x512xf32, #tpu.memory_space<vmem>> -> memref<1x1x512xf32, #tpu.memory_space<vmem>>
    %dma_wait3A_978 = tpu.memref_squeeze %dma_wait3A_977 : memref<1x1x512xf32, #tpu.memory_space<vmem>> -> memref<512xf32, #tpu.memory_space<vmem>>
    %dma_wait3A_979 = tpu.memref_slice %arg4[%add3A_236] : memref<786432xf32, #tpu.memory_space<hbm>> -> memref<512xf32, #tpu.memory_space<hbm>>
    %dma_wait3A_980 = tpu.memref_slice %arg4[%add3A_236] : memref<786432xf32, #tpu.memory_space<hbm>> -> memref<512xf32, #tpu.memory_space<hbm>>
    %dma_wait3A_981 = arith.constant 0 : i32
    %dma_wait3A_982 = tpu.memref_slice %arg6[%dma_wait3A_974, %dma_wait3A_975, %dma_wait3A_981] : memref<3x16x512xf32, #tpu.memory_space<vmem>> -> memref<1x1x512xf32, #tpu.memory_space<vmem>>
    %dma_wait3A_983 = tpu.memref_squeeze %dma_wait3A_982 : memref<1x1x512xf32, #tpu.memory_space<vmem>> -> memref<512xf32, #tpu.memory_space<vmem>>
    tpu.wait_dma2 semaphore(%arg9 : memref<!tpu.dma_semaphore, #tpu.memory_space<semaphore_mem>>) src(%dma_wait3A_983 : memref<512xf32, #tpu.memory_space<vmem>>) dst(%dma_wait3A_980 : memref<512xf32, #tpu.memory_space<hbm>>)
    %dma_wait3A_984 = arith.constant 0 : i32
    %dma_wait3A_985 = arith.constant 5 : i32
    %dma_wait3A_986 = arith.constant 0 : i32
    %dma_wait3A_987 = tpu.memref_slice %arg6[%dma_wait3A_984, %dma_wait3A_985, %dma_wait3A_986] : memref<3x16x512xf32, #tpu.memory_space<vmem>> -> memref<1x1x512xf32, #tpu.memory_space<vmem>>
    %dma_wait3A_988 = tpu.memref_squeeze %dma_wait3A_987 : memref<1x1x512xf32, #tpu.memory_space<vmem>> -> memref<512xf32, #tpu.memory_space<vmem>>
    %dma_wait3A_989 = tpu.memref_slice %arg4[%add3A_250] : memref<786432xf32, #tpu.memory_space<hbm>> -> memref<512xf32, #tpu.memory_space<hbm>>
    %dma_wait3A_990 = tpu.memref_slice %arg4[%add3A_250] : memref<786432xf32, #tpu.memory_space<hbm>> -> memref<512xf32, #tpu.memory_space<hbm>>
    %dma_wait3A_991 = arith.constant 0 : i32
    %dma_wait3A_992 = tpu.memref_slice %arg6[%dma_wait3A_984, %dma_wait3A_985, %dma_wait3A_991] : memref<3x16x512xf32, #tpu.memory_space<vmem>> -> memref<1x1x512xf32, #tpu.memory_space<vmem>>
    %dma_wait3A_993 = tpu.memref_squeeze %dma_wait3A_992 : memref<1x1x512xf32, #tpu.memory_space<vmem>> -> memref<512xf32, #tpu.memory_space<vmem>>
    tpu.wait_dma2 semaphore(%arg9 : memref<!tpu.dma_semaphore, #tpu.memory_space<semaphore_mem>>) src(%dma_wait3A_993 : memref<512xf32, #tpu.memory_space<vmem>>) dst(%dma_wait3A_990 : memref<512xf32, #tpu.memory_space<hbm>>)
    %dma_wait3A_994 = arith.constant 0 : i32
    %dma_wait3A_995 = arith.constant 6 : i32
    %dma_wait3A_996 = arith.constant 0 : i32
    %dma_wait3A_997 = tpu.memref_slice %arg6[%dma_wait3A_994, %dma_wait3A_995, %dma_wait3A_996] : memref<3x16x512xf32, #tpu.memory_space<vmem>> -> memref<1x1x512xf32, #tpu.memory_space<vmem>>
    %dma_wait3A_998 = tpu.memref_squeeze %dma_wait3A_997 : memref<1x1x512xf32, #tpu.memory_space<vmem>> -> memref<512xf32, #tpu.memory_space<vmem>>
    %dma_wait3A_999 = tpu.memref_slice %arg4[%add3A_264] : memref<786432xf32, #tpu.memory_space<hbm>> -> memref<512xf32, #tpu.memory_space<hbm>>
    %dma_wait3A_1000 = tpu.memref_slice %arg4[%add3A_264] : memref<786432xf32, #tpu.memory_space<hbm>> -> memref<512xf32, #tpu.memory_space<hbm>>
    %dma_wait3A_1001 = arith.constant 0 : i32
    %dma_wait3A_1002 = tpu.memref_slice %arg6[%dma_wait3A_994, %dma_wait3A_995, %dma_wait3A_1001] : memref<3x16x512xf32, #tpu.memory_space<vmem>> -> memref<1x1x512xf32, #tpu.memory_space<vmem>>
    %dma_wait3A_1003 = tpu.memref_squeeze %dma_wait3A_1002 : memref<1x1x512xf32, #tpu.memory_space<vmem>> -> memref<512xf32, #tpu.memory_space<vmem>>
    tpu.wait_dma2 semaphore(%arg9 : memref<!tpu.dma_semaphore, #tpu.memory_space<semaphore_mem>>) src(%dma_wait3A_1003 : memref<512xf32, #tpu.memory_space<vmem>>) dst(%dma_wait3A_1000 : memref<512xf32, #tpu.memory_space<hbm>>)
    %dma_wait3A_1004 = arith.constant 0 : i32
    %dma_wait3A_1005 = arith.constant 7 : i32
    %dma_wait3A_1006 = arith.constant 0 : i32
    %dma_wait3A_1007 = tpu.memref_slice %arg6[%dma_wait3A_1004, %dma_wait3A_1005, %dma_wait3A_1006] : memref<3x16x512xf32, #tpu.memory_space<vmem>> -> memref<1x1x512xf32, #tpu.memory_space<vmem>>
    %dma_wait3A_1008 = tpu.memref_squeeze %dma_wait3A_1007 : memref<1x1x512xf32, #tpu.memory_space<vmem>> -> memref<512xf32, #tpu.memory_space<vmem>>
    %dma_wait3A_1009 = tpu.memref_slice %arg4[%add3A_278] : memref<786432xf32, #tpu.memory_space<hbm>> -> memref<512xf32, #tpu.memory_space<hbm>>
    %dma_wait3A_1010 = tpu.memref_slice %arg4[%add3A_278] : memref<786432xf32, #tpu.memory_space<hbm>> -> memref<512xf32, #tpu.memory_space<hbm>>
    %dma_wait3A_1011 = arith.constant 0 : i32
    %dma_wait3A_1012 = tpu.memref_slice %arg6[%dma_wait3A_1004, %dma_wait3A_1005, %dma_wait3A_1011] : memref<3x16x512xf32, #tpu.memory_space<vmem>> -> memref<1x1x512xf32, #tpu.memory_space<vmem>>
    %dma_wait3A_1013 = tpu.memref_squeeze %dma_wait3A_1012 : memref<1x1x512xf32, #tpu.memory_space<vmem>> -> memref<512xf32, #tpu.memory_space<vmem>>
    tpu.wait_dma2 semaphore(%arg9 : memref<!tpu.dma_semaphore, #tpu.memory_space<semaphore_mem>>) src(%dma_wait3A_1013 : memref<512xf32, #tpu.memory_space<vmem>>) dst(%dma_wait3A_1010 : memref<512xf32, #tpu.memory_space<hbm>>)
    %dma_wait3A_1014 = arith.constant 0 : i32
    %dma_wait3A_1015 = arith.constant 8 : i32
    %dma_wait3A_1016 = arith.constant 0 : i32
    %dma_wait3A_1017 = tpu.memref_slice %arg6[%dma_wait3A_1014, %dma_wait3A_1015, %dma_wait3A_1016] : memref<3x16x512xf32, #tpu.memory_space<vmem>> -> memref<1x1x512xf32, #tpu.memory_space<vmem>>
    %dma_wait3A_1018 = tpu.memref_squeeze %dma_wait3A_1017 : memref<1x1x512xf32, #tpu.memory_space<vmem>> -> memref<512xf32, #tpu.memory_space<vmem>>
    %dma_wait3A_1019 = tpu.memref_slice %arg4[%add3A_309] : memref<786432xf32, #tpu.memory_space<hbm>> -> memref<512xf32, #tpu.memory_space<hbm>>
    %dma_wait3A_1020 = tpu.memref_slice %arg4[%add3A_309] : memref<786432xf32, #tpu.memory_space<hbm>> -> memref<512xf32, #tpu.memory_space<hbm>>
    %dma_wait3A_1021 = arith.constant 0 : i32
    %dma_wait3A_1022 = tpu.memref_slice %arg6[%dma_wait3A_1014, %dma_wait3A_1015, %dma_wait3A_1021] : memref<3x16x512xf32, #tpu.memory_space<vmem>> -> memref<1x1x512xf32, #tpu.memory_space<vmem>>
    %dma_wait3A_1023 = tpu.memref_squeeze %dma_wait3A_1022 : memref<1x1x512xf32, #tpu.memory_space<vmem>> -> memref<512xf32, #tpu.memory_space<vmem>>
    tpu.wait_dma2 semaphore(%arg9 : memref<!tpu.dma_semaphore, #tpu.memory_space<semaphore_mem>>) src(%dma_wait3A_1023 : memref<512xf32, #tpu.memory_space<vmem>>) dst(%dma_wait3A_1020 : memref<512xf32, #tpu.memory_space<hbm>>)
    %dma_wait3A_1024 = arith.constant 0 : i32
    %dma_wait3A_1025 = arith.constant 9 : i32
    %dma_wait3A_1026 = arith.constant 0 : i32
    %dma_wait3A_1027 = tpu.memref_slice %arg6[%dma_wait3A_1024, %dma_wait3A_1025, %dma_wait3A_1026] : memref<3x16x512xf32, #tpu.memory_space<vmem>> -> memref<1x1x512xf32, #tpu.memory_space<vmem>>
    %dma_wait3A_1028 = tpu.memref_squeeze %dma_wait3A_1027 : memref<1x1x512xf32, #tpu.memory_space<vmem>> -> memref<512xf32, #tpu.memory_space<vmem>>
    %dma_wait3A_1029 = tpu.memref_slice %arg4[%add3A_323] : memref<786432xf32, #tpu.memory_space<hbm>> -> memref<512xf32, #tpu.memory_space<hbm>>
    %dma_wait3A_1030 = tpu.memref_slice %arg4[%add3A_323] : memref<786432xf32, #tpu.memory_space<hbm>> -> memref<512xf32, #tpu.memory_space<hbm>>
    %dma_wait3A_1031 = arith.constant 0 : i32
    %dma_wait3A_1032 = tpu.memref_slice %arg6[%dma_wait3A_1024, %dma_wait3A_1025, %dma_wait3A_1031] : memref<3x16x512xf32, #tpu.memory_space<vmem>> -> memref<1x1x512xf32, #tpu.memory_space<vmem>>
    %dma_wait3A_1033 = tpu.memref_squeeze %dma_wait3A_1032 : memref<1x1x512xf32, #tpu.memory_space<vmem>> -> memref<512xf32, #tpu.memory_space<vmem>>
    tpu.wait_dma2 semaphore(%arg9 : memref<!tpu.dma_semaphore, #tpu.memory_space<semaphore_mem>>) src(%dma_wait3A_1033 : memref<512xf32, #tpu.memory_space<vmem>>) dst(%dma_wait3A_1030 : memref<512xf32, #tpu.memory_space<hbm>>)
    %dma_wait3A_1034 = arith.constant 0 : i32
    %dma_wait3A_1035 = arith.constant 10 : i32
    %dma_wait3A_1036 = arith.constant 0 : i32
    %dma_wait3A_1037 = tpu.memref_slice %arg6[%dma_wait3A_1034, %dma_wait3A_1035, %dma_wait3A_1036] : memref<3x16x512xf32, #tpu.memory_space<vmem>> -> memref<1x1x512xf32, #tpu.memory_space<vmem>>
    %dma_wait3A_1038 = tpu.memref_squeeze %dma_wait3A_1037 : memref<1x1x512xf32, #tpu.memory_space<vmem>> -> memref<512xf32, #tpu.memory_space<vmem>>
    %dma_wait3A_1039 = tpu.memref_slice %arg4[%add3A_337] : memref<786432xf32, #tpu.memory_space<hbm>> -> memref<512xf32, #tpu.memory_space<hbm>>
    %dma_wait3A_1040 = tpu.memref_slice %arg4[%add3A_337] : memref<786432xf32, #tpu.memory_space<hbm>> -> memref<512xf32, #tpu.memory_space<hbm>>
    %dma_wait3A_1041 = arith.constant 0 : i32
    %dma_wait3A_1042 = tpu.memref_slice %arg6[%dma_wait3A_1034, %dma_wait3A_1035, %dma_wait3A_1041] : memref<3x16x512xf32, #tpu.memory_space<vmem>> -> memref<1x1x512xf32, #tpu.memory_space<vmem>>
    %dma_wait3A_1043 = tpu.memref_squeeze %dma_wait3A_1042 : memref<1x1x512xf32, #tpu.memory_space<vmem>> -> memref<512xf32, #tpu.memory_space<vmem>>
    tpu.wait_dma2 semaphore(%arg9 : memref<!tpu.dma_semaphore, #tpu.memory_space<semaphore_mem>>) src(%dma_wait3A_1043 : memref<512xf32, #tpu.memory_space<vmem>>) dst(%dma_wait3A_1040 : memref<512xf32, #tpu.memory_space<hbm>>)
    %dma_wait3A_1044 = arith.constant 0 : i32
    %dma_wait3A_1045 = arith.constant 11 : i32
    %dma_wait3A_1046 = arith.constant 0 : i32
    %dma_wait3A_1047 = tpu.memref_slice %arg6[%dma_wait3A_1044, %dma_wait3A_1045, %dma_wait3A_1046] : memref<3x16x512xf32, #tpu.memory_space<vmem>> -> memref<1x1x512xf32, #tpu.memory_space<vmem>>
    %dma_wait3A_1048 = tpu.memref_squeeze %dma_wait3A_1047 : memref<1x1x512xf32, #tpu.memory_space<vmem>> -> memref<512xf32, #tpu.memory_space<vmem>>
    %dma_wait3A_1049 = tpu.memref_slice %arg4[%add3A_351] : memref<786432xf32, #tpu.memory_space<hbm>> -> memref<512xf32, #tpu.memory_space<hbm>>
    %dma_wait3A_1050 = tpu.memref_slice %arg4[%add3A_351] : memref<786432xf32, #tpu.memory_space<hbm>> -> memref<512xf32, #tpu.memory_space<hbm>>
    %dma_wait3A_1051 = arith.constant 0 : i32
    %dma_wait3A_1052 = tpu.memref_slice %arg6[%dma_wait3A_1044, %dma_wait3A_1045, %dma_wait3A_1051] : memref<3x16x512xf32, #tpu.memory_space<vmem>> -> memref<1x1x512xf32, #tpu.memory_space<vmem>>
    %dma_wait3A_1053 = tpu.memref_squeeze %dma_wait3A_1052 : memref<1x1x512xf32, #tpu.memory_space<vmem>> -> memref<512xf32, #tpu.memory_space<vmem>>
    tpu.wait_dma2 semaphore(%arg9 : memref<!tpu.dma_semaphore, #tpu.memory_space<semaphore_mem>>) src(%dma_wait3A_1053 : memref<512xf32, #tpu.memory_space<vmem>>) dst(%dma_wait3A_1050 : memref<512xf32, #tpu.memory_space<hbm>>)
    %dma_wait3A_1054 = arith.constant 0 : i32
    %dma_wait3A_1055 = arith.constant 12 : i32
    %dma_wait3A_1056 = arith.constant 0 : i32
    %dma_wait3A_1057 = tpu.memref_slice %arg6[%dma_wait3A_1054, %dma_wait3A_1055, %dma_wait3A_1056] : memref<3x16x512xf32, #tpu.memory_space<vmem>> -> memref<1x1x512xf32, #tpu.memory_space<vmem>>
    %dma_wait3A_1058 = tpu.memref_squeeze %dma_wait3A_1057 : memref<1x1x512xf32, #tpu.memory_space<vmem>> -> memref<512xf32, #tpu.memory_space<vmem>>
    %dma_wait3A_1059 = tpu.memref_slice %arg4[%add3A_365] : memref<786432xf32, #tpu.memory_space<hbm>> -> memref<512xf32, #tpu.memory_space<hbm>>
    %dma_wait3A_1060 = tpu.memref_slice %arg4[%add3A_365] : memref<786432xf32, #tpu.memory_space<hbm>> -> memref<512xf32, #tpu.memory_space<hbm>>
    %dma_wait3A_1061 = arith.constant 0 : i32
    %dma_wait3A_1062 = tpu.memref_slice %arg6[%dma_wait3A_1054, %dma_wait3A_1055, %dma_wait3A_1061] : memref<3x16x512xf32, #tpu.memory_space<vmem>> -> memref<1x1x512xf32, #tpu.memory_space<vmem>>
    %dma_wait3A_1063 = tpu.memref_squeeze %dma_wait3A_1062 : memref<1x1x512xf32, #tpu.memory_space<vmem>> -> memref<512xf32, #tpu.memory_space<vmem>>
    tpu.wait_dma2 semaphore(%arg9 : memref<!tpu.dma_semaphore, #tpu.memory_space<semaphore_mem>>) src(%dma_wait3A_1063 : memref<512xf32, #tpu.memory_space<vmem>>) dst(%dma_wait3A_1060 : memref<512xf32, #tpu.memory_space<hbm>>)
    %dma_wait3A_1064 = arith.constant 0 : i32
    %dma_wait3A_1065 = arith.constant 13 : i32
    %dma_wait3A_1066 = arith.constant 0 : i32
    %dma_wait3A_1067 = tpu.memref_slice %arg6[%dma_wait3A_1064, %dma_wait3A_1065, %dma_wait3A_1066] : memref<3x16x512xf32, #tpu.memory_space<vmem>> -> memref<1x1x512xf32, #tpu.memory_space<vmem>>
    %dma_wait3A_1068 = tpu.memref_squeeze %dma_wait3A_1067 : memref<1x1x512xf32, #tpu.memory_space<vmem>> -> memref<512xf32, #tpu.memory_space<vmem>>
    %dma_wait3A_1069 = tpu.memref_slice %arg4[%add3A_379] : memref<786432xf32, #tpu.memory_space<hbm>> -> memref<512xf32, #tpu.memory_space<hbm>>
    %dma_wait3A_1070 = tpu.memref_slice %arg4[%add3A_379] : memref<786432xf32, #tpu.memory_space<hbm>> -> memref<512xf32, #tpu.memory_space<hbm>>
    %dma_wait3A_1071 = arith.constant 0 : i32
    %dma_wait3A_1072 = tpu.memref_slice %arg6[%dma_wait3A_1064, %dma_wait3A_1065, %dma_wait3A_1071] : memref<3x16x512xf32, #tpu.memory_space<vmem>> -> memref<1x1x512xf32, #tpu.memory_space<vmem>>
    %dma_wait3A_1073 = tpu.memref_squeeze %dma_wait3A_1072 : memref<1x1x512xf32, #tpu.memory_space<vmem>> -> memref<512xf32, #tpu.memory_space<vmem>>
    tpu.wait_dma2 semaphore(%arg9 : memref<!tpu.dma_semaphore, #tpu.memory_space<semaphore_mem>>) src(%dma_wait3A_1073 : memref<512xf32, #tpu.memory_space<vmem>>) dst(%dma_wait3A_1070 : memref<512xf32, #tpu.memory_space<hbm>>)
    %dma_wait3A_1074 = arith.constant 0 : i32
    %dma_wait3A_1075 = arith.constant 14 : i32
    %dma_wait3A_1076 = arith.constant 0 : i32
    %dma_wait3A_1077 = tpu.memref_slice %arg6[%dma_wait3A_1074, %dma_wait3A_1075, %dma_wait3A_1076] : memref<3x16x512xf32, #tpu.memory_space<vmem>> -> memref<1x1x512xf32, #tpu.memory_space<vmem>>
    %dma_wait3A_1078 = tpu.memref_squeeze %dma_wait3A_1077 : memref<1x1x512xf32, #tpu.memory_space<vmem>> -> memref<512xf32, #tpu.memory_space<vmem>>
    %dma_wait3A_1079 = tpu.memref_slice %arg4[%add3A_393] : memref<786432xf32, #tpu.memory_space<hbm>> -> memref<512xf32, #tpu.memory_space<hbm>>
    %dma_wait3A_1080 = tpu.memref_slice %arg4[%add3A_393] : memref<786432xf32, #tpu.memory_space<hbm>> -> memref<512xf32, #tpu.memory_space<hbm>>
    %dma_wait3A_1081 = arith.constant 0 : i32
    %dma_wait3A_1082 = tpu.memref_slice %arg6[%dma_wait3A_1074, %dma_wait3A_1075, %dma_wait3A_1081] : memref<3x16x512xf32, #tpu.memory_space<vmem>> -> memref<1x1x512xf32, #tpu.memory_space<vmem>>
    %dma_wait3A_1083 = tpu.memref_squeeze %dma_wait3A_1082 : memref<1x1x512xf32, #tpu.memory_space<vmem>> -> memref<512xf32, #tpu.memory_space<vmem>>
    tpu.wait_dma2 semaphore(%arg9 : memref<!tpu.dma_semaphore, #tpu.memory_space<semaphore_mem>>) src(%dma_wait3A_1083 : memref<512xf32, #tpu.memory_space<vmem>>) dst(%dma_wait3A_1080 : memref<512xf32, #tpu.memory_space<hbm>>)
    %dma_wait3A_1084 = arith.constant 0 : i32
    %dma_wait3A_1085 = arith.constant 15 : i32
    %dma_wait3A_1086 = arith.constant 0 : i32
    %dma_wait3A_1087 = tpu.memref_slice %arg6[%dma_wait3A_1084, %dma_wait3A_1085, %dma_wait3A_1086] : memref<3x16x512xf32, #tpu.memory_space<vmem>> -> memref<1x1x512xf32, #tpu.memory_space<vmem>>
    %dma_wait3A_1088 = tpu.memref_squeeze %dma_wait3A_1087 : memref<1x1x512xf32, #tpu.memory_space<vmem>> -> memref<512xf32, #tpu.memory_space<vmem>>
    %dma_wait3A_1089 = tpu.memref_slice %arg4[%add3A_407] : memref<786432xf32, #tpu.memory_space<hbm>> -> memref<512xf32, #tpu.memory_space<hbm>>
    %dma_wait3A_1090 = tpu.memref_slice %arg4[%add3A_407] : memref<786432xf32, #tpu.memory_space<hbm>> -> memref<512xf32, #tpu.memory_space<hbm>>
    %dma_wait3A_1091 = arith.constant 0 : i32
    %dma_wait3A_1092 = tpu.memref_slice %arg6[%dma_wait3A_1084, %dma_wait3A_1085, %dma_wait3A_1091] : memref<3x16x512xf32, #tpu.memory_space<vmem>> -> memref<1x1x512xf32, #tpu.memory_space<vmem>>
    %dma_wait3A_1093 = tpu.memref_squeeze %dma_wait3A_1092 : memref<1x1x512xf32, #tpu.memory_space<vmem>> -> memref<512xf32, #tpu.memory_space<vmem>>
    tpu.wait_dma2 semaphore(%arg9 : memref<!tpu.dma_semaphore, #tpu.memory_space<semaphore_mem>>) src(%dma_wait3A_1093 : memref<512xf32, #tpu.memory_space<vmem>>) dst(%dma_wait3A_1090 : memref<512xf32, #tpu.memory_space<hbm>>)
    %dma_wait3A_1094 = arith.constant 1 : i32
    %dma_wait3A_1095 = arith.constant 0 : i32
    %dma_wait3A_1096 = arith.constant 0 : i32
    %dma_wait3A_1097 = tpu.memref_slice %arg6[%dma_wait3A_1094, %dma_wait3A_1095, %dma_wait3A_1096] : memref<3x16x512xf32, #tpu.memory_space<vmem>> -> memref<1x1x512xf32, #tpu.memory_space<vmem>>
    %dma_wait3A_1098 = tpu.memref_squeeze %dma_wait3A_1097 : memref<1x1x512xf32, #tpu.memory_space<vmem>> -> memref<512xf32, #tpu.memory_space<vmem>>
    %dma_wait3A_1099 = tpu.memref_slice %arg4[%add3A_438] : memref<786432xf32, #tpu.memory_space<hbm>> -> memref<512xf32, #tpu.memory_space<hbm>>
    %dma_wait3A_1100 = tpu.memref_slice %arg4[%add3A_438] : memref<786432xf32, #tpu.memory_space<hbm>> -> memref<512xf32, #tpu.memory_space<hbm>>
    %dma_wait3A_1101 = arith.constant 0 : i32
    %dma_wait3A_1102 = tpu.memref_slice %arg6[%dma_wait3A_1094, %dma_wait3A_1095, %dma_wait3A_1101] : memref<3x16x512xf32, #tpu.memory_space<vmem>> -> memref<1x1x512xf32, #tpu.memory_space<vmem>>
    %dma_wait3A_1103 = tpu.memref_squeeze %dma_wait3A_1102 : memref<1x1x512xf32, #tpu.memory_space<vmem>> -> memref<512xf32, #tpu.memory_space<vmem>>
    tpu.wait_dma2 semaphore(%arg9 : memref<!tpu.dma_semaphore, #tpu.memory_space<semaphore_mem>>) src(%dma_wait3A_1103 : memref<512xf32, #tpu.memory_space<vmem>>) dst(%dma_wait3A_1100 : memref<512xf32, #tpu.memory_space<hbm>>)
    %dma_wait3A_1104 = arith.constant 1 : i32
    %dma_wait3A_1105 = arith.constant 1 : i32
    %dma_wait3A_1106 = arith.constant 0 : i32
    %dma_wait3A_1107 = tpu.memref_slice %arg6[%dma_wait3A_1104, %dma_wait3A_1105, %dma_wait3A_1106] : memref<3x16x512xf32, #tpu.memory_space<vmem>> -> memref<1x1x512xf32, #tpu.memory_space<vmem>>
    %dma_wait3A_1108 = tpu.memref_squeeze %dma_wait3A_1107 : memref<1x1x512xf32, #tpu.memory_space<vmem>> -> memref<512xf32, #tpu.memory_space<vmem>>
    %dma_wait3A_1109 = tpu.memref_slice %arg4[%add3A_452] : memref<786432xf32, #tpu.memory_space<hbm>> -> memref<512xf32, #tpu.memory_space<hbm>>
    %dma_wait3A_1110 = tpu.memref_slice %arg4[%add3A_452] : memref<786432xf32, #tpu.memory_space<hbm>> -> memref<512xf32, #tpu.memory_space<hbm>>
    %dma_wait3A_1111 = arith.constant 0 : i32
    %dma_wait3A_1112 = tpu.memref_slice %arg6[%dma_wait3A_1104, %dma_wait3A_1105, %dma_wait3A_1111] : memref<3x16x512xf32, #tpu.memory_space<vmem>> -> memref<1x1x512xf32, #tpu.memory_space<vmem>>
    %dma_wait3A_1113 = tpu.memref_squeeze %dma_wait3A_1112 : memref<1x1x512xf32, #tpu.memory_space<vmem>> -> memref<512xf32, #tpu.memory_space<vmem>>
    tpu.wait_dma2 semaphore(%arg9 : memref<!tpu.dma_semaphore, #tpu.memory_space<semaphore_mem>>) src(%dma_wait3A_1113 : memref<512xf32, #tpu.memory_space<vmem>>) dst(%dma_wait3A_1110 : memref<512xf32, #tpu.memory_space<hbm>>)
    %dma_wait3A_1114 = arith.constant 1 : i32
    %dma_wait3A_1115 = arith.constant 2 : i32
    %dma_wait3A_1116 = arith.constant 0 : i32
    %dma_wait3A_1117 = tpu.memref_slice %arg6[%dma_wait3A_1114, %dma_wait3A_1115, %dma_wait3A_1116] : memref<3x16x512xf32, #tpu.memory_space<vmem>> -> memref<1x1x512xf32, #tpu.memory_space<vmem>>
    %dma_wait3A_1118 = tpu.memref_squeeze %dma_wait3A_1117 : memref<1x1x512xf32, #tpu.memory_space<vmem>> -> memref<512xf32, #tpu.memory_space<vmem>>
    %dma_wait3A_1119 = tpu.memref_slice %arg4[%add3A_466] : memref<786432xf32, #tpu.memory_space<hbm>> -> memref<512xf32, #tpu.memory_space<hbm>>
    %dma_wait3A_1120 = tpu.memref_slice %arg4[%add3A_466] : memref<786432xf32, #tpu.memory_space<hbm>> -> memref<512xf32, #tpu.memory_space<hbm>>
    %dma_wait3A_1121 = arith.constant 0 : i32
    %dma_wait3A_1122 = tpu.memref_slice %arg6[%dma_wait3A_1114, %dma_wait3A_1115, %dma_wait3A_1121] : memref<3x16x512xf32, #tpu.memory_space<vmem>> -> memref<1x1x512xf32, #tpu.memory_space<vmem>>
    %dma_wait3A_1123 = tpu.memref_squeeze %dma_wait3A_1122 : memref<1x1x512xf32, #tpu.memory_space<vmem>> -> memref<512xf32, #tpu.memory_space<vmem>>
    tpu.wait_dma2 semaphore(%arg9 : memref<!tpu.dma_semaphore, #tpu.memory_space<semaphore_mem>>) src(%dma_wait3A_1123 : memref<512xf32, #tpu.memory_space<vmem>>) dst(%dma_wait3A_1120 : memref<512xf32, #tpu.memory_space<hbm>>)
    %dma_wait3A_1124 = arith.constant 1 : i32
    %dma_wait3A_1125 = arith.constant 3 : i32
    %dma_wait3A_1126 = arith.constant 0 : i32
    %dma_wait3A_1127 = tpu.memref_slice %arg6[%dma_wait3A_1124, %dma_wait3A_1125, %dma_wait3A_1126] : memref<3x16x512xf32, #tpu.memory_space<vmem>> -> memref<1x1x512xf32, #tpu.memory_space<vmem>>
    %dma_wait3A_1128 = tpu.memref_squeeze %dma_wait3A_1127 : memref<1x1x512xf32, #tpu.memory_space<vmem>> -> memref<512xf32, #tpu.memory_space<vmem>>
    %dma_wait3A_1129 = tpu.memref_slice %arg4[%add3A_480] : memref<786432xf32, #tpu.memory_space<hbm>> -> memref<512xf32, #tpu.memory_space<hbm>>
    %dma_wait3A_1130 = tpu.memref_slice %arg4[%add3A_480] : memref<786432xf32, #tpu.memory_space<hbm>> -> memref<512xf32, #tpu.memory_space<hbm>>
    %dma_wait3A_1131 = arith.constant 0 : i32
    %dma_wait3A_1132 = tpu.memref_slice %arg6[%dma_wait3A_1124, %dma_wait3A_1125, %dma_wait3A_1131] : memref<3x16x512xf32, #tpu.memory_space<vmem>> -> memref<1x1x512xf32, #tpu.memory_space<vmem>>
    %dma_wait3A_1133 = tpu.memref_squeeze %dma_wait3A_1132 : memref<1x1x512xf32, #tpu.memory_space<vmem>> -> memref<512xf32, #tpu.memory_space<vmem>>
    tpu.wait_dma2 semaphore(%arg9 : memref<!tpu.dma_semaphore, #tpu.memory_space<semaphore_mem>>) src(%dma_wait3A_1133 : memref<512xf32, #tpu.memory_space<vmem>>) dst(%dma_wait3A_1130 : memref<512xf32, #tpu.memory_space<hbm>>)
    %dma_wait3A_1134 = arith.constant 1 : i32
    %dma_wait3A_1135 = arith.constant 4 : i32
    %dma_wait3A_1136 = arith.constant 0 : i32
    %dma_wait3A_1137 = tpu.memref_slice %arg6[%dma_wait3A_1134, %dma_wait3A_1135, %dma_wait3A_1136] : memref<3x16x512xf32, #tpu.memory_space<vmem>> -> memref<1x1x512xf32, #tpu.memory_space<vmem>>
    %dma_wait3A_1138 = tpu.memref_squeeze %dma_wait3A_1137 : memref<1x1x512xf32, #tpu.memory_space<vmem>> -> memref<512xf32, #tpu.memory_space<vmem>>
    %dma_wait3A_1139 = tpu.memref_slice %arg4[%add3A_494] : memref<786432xf32, #tpu.memory_space<hbm>> -> memref<512xf32, #tpu.memory_space<hbm>>
    %dma_wait3A_1140 = tpu.memref_slice %arg4[%add3A_494] : memref<786432xf32, #tpu.memory_space<hbm>> -> memref<512xf32, #tpu.memory_space<hbm>>
    %dma_wait3A_1141 = arith.constant 0 : i32
    %dma_wait3A_1142 = tpu.memref_slice %arg6[%dma_wait3A_1134, %dma_wait3A_1135, %dma_wait3A_1141] : memref<3x16x512xf32, #tpu.memory_space<vmem>> -> memref<1x1x512xf32, #tpu.memory_space<vmem>>
    %dma_wait3A_1143 = tpu.memref_squeeze %dma_wait3A_1142 : memref<1x1x512xf32, #tpu.memory_space<vmem>> -> memref<512xf32, #tpu.memory_space<vmem>>
    tpu.wait_dma2 semaphore(%arg9 : memref<!tpu.dma_semaphore, #tpu.memory_space<semaphore_mem>>) src(%dma_wait3A_1143 : memref<512xf32, #tpu.memory_space<vmem>>) dst(%dma_wait3A_1140 : memref<512xf32, #tpu.memory_space<hbm>>)
    %dma_wait3A_1144 = arith.constant 1 : i32
    %dma_wait3A_1145 = arith.constant 5 : i32
    %dma_wait3A_1146 = arith.constant 0 : i32
    %dma_wait3A_1147 = tpu.memref_slice %arg6[%dma_wait3A_1144, %dma_wait3A_1145, %dma_wait3A_1146] : memref<3x16x512xf32, #tpu.memory_space<vmem>> -> memref<1x1x512xf32, #tpu.memory_space<vmem>>
    %dma_wait3A_1148 = tpu.memref_squeeze %dma_wait3A_1147 : memref<1x1x512xf32, #tpu.memory_space<vmem>> -> memref<512xf32, #tpu.memory_space<vmem>>
    %dma_wait3A_1149 = tpu.memref_slice %arg4[%add3A_508] : memref<786432xf32, #tpu.memory_space<hbm>> -> memref<512xf32, #tpu.memory_space<hbm>>
    %dma_wait3A_1150 = tpu.memref_slice %arg4[%add3A_508] : memref<786432xf32, #tpu.memory_space<hbm>> -> memref<512xf32, #tpu.memory_space<hbm>>
    %dma_wait3A_1151 = arith.constant 0 : i32
    %dma_wait3A_1152 = tpu.memref_slice %arg6[%dma_wait3A_1144, %dma_wait3A_1145, %dma_wait3A_1151] : memref<3x16x512xf32, #tpu.memory_space<vmem>> -> memref<1x1x512xf32, #tpu.memory_space<vmem>>
    %dma_wait3A_1153 = tpu.memref_squeeze %dma_wait3A_1152 : memref<1x1x512xf32, #tpu.memory_space<vmem>> -> memref<512xf32, #tpu.memory_space<vmem>>
    tpu.wait_dma2 semaphore(%arg9 : memref<!tpu.dma_semaphore, #tpu.memory_space<semaphore_mem>>) src(%dma_wait3A_1153 : memref<512xf32, #tpu.memory_space<vmem>>) dst(%dma_wait3A_1150 : memref<512xf32, #tpu.memory_space<hbm>>)
    %dma_wait3A_1154 = arith.constant 1 : i32
    %dma_wait3A_1155 = arith.constant 6 : i32
    %dma_wait3A_1156 = arith.constant 0 : i32
    %dma_wait3A_1157 = tpu.memref_slice %arg6[%dma_wait3A_1154, %dma_wait3A_1155, %dma_wait3A_1156] : memref<3x16x512xf32, #tpu.memory_space<vmem>> -> memref<1x1x512xf32, #tpu.memory_space<vmem>>
    %dma_wait3A_1158 = tpu.memref_squeeze %dma_wait3A_1157 : memref<1x1x512xf32, #tpu.memory_space<vmem>> -> memref<512xf32, #tpu.memory_space<vmem>>
    %dma_wait3A_1159 = tpu.memref_slice %arg4[%add3A_522] : memref<786432xf32, #tpu.memory_space<hbm>> -> memref<512xf32, #tpu.memory_space<hbm>>
    %dma_wait3A_1160 = tpu.memref_slice %arg4[%add3A_522] : memref<786432xf32, #tpu.memory_space<hbm>> -> memref<512xf32, #tpu.memory_space<hbm>>
    %dma_wait3A_1161 = arith.constant 0 : i32
    %dma_wait3A_1162 = tpu.memref_slice %arg6[%dma_wait3A_1154, %dma_wait3A_1155, %dma_wait3A_1161] : memref<3x16x512xf32, #tpu.memory_space<vmem>> -> memref<1x1x512xf32, #tpu.memory_space<vmem>>
    %dma_wait3A_1163 = tpu.memref_squeeze %dma_wait3A_1162 : memref<1x1x512xf32, #tpu.memory_space<vmem>> -> memref<512xf32, #tpu.memory_space<vmem>>
    tpu.wait_dma2 semaphore(%arg9 : memref<!tpu.dma_semaphore, #tpu.memory_space<semaphore_mem>>) src(%dma_wait3A_1163 : memref<512xf32, #tpu.memory_space<vmem>>) dst(%dma_wait3A_1160 : memref<512xf32, #tpu.memory_space<hbm>>)
    %dma_wait3A_1164 = arith.constant 1 : i32
    %dma_wait3A_1165 = arith.constant 7 : i32
    %dma_wait3A_1166 = arith.constant 0 : i32
    %dma_wait3A_1167 = tpu.memref_slice %arg6[%dma_wait3A_1164, %dma_wait3A_1165, %dma_wait3A_1166] : memref<3x16x512xf32, #tpu.memory_space<vmem>> -> memref<1x1x512xf32, #tpu.memory_space<vmem>>
    %dma_wait3A_1168 = tpu.memref_squeeze %dma_wait3A_1167 : memref<1x1x512xf32, #tpu.memory_space<vmem>> -> memref<512xf32, #tpu.memory_space<vmem>>
    %dma_wait3A_1169 = tpu.memref_slice %arg4[%add3A_536] : memref<786432xf32, #tpu.memory_space<hbm>> -> memref<512xf32, #tpu.memory_space<hbm>>
    %dma_wait3A_1170 = tpu.memref_slice %arg4[%add3A_536] : memref<786432xf32, #tpu.memory_space<hbm>> -> memref<512xf32, #tpu.memory_space<hbm>>
    %dma_wait3A_1171 = arith.constant 0 : i32
    %dma_wait3A_1172 = tpu.memref_slice %arg6[%dma_wait3A_1164, %dma_wait3A_1165, %dma_wait3A_1171] : memref<3x16x512xf32, #tpu.memory_space<vmem>> -> memref<1x1x512xf32, #tpu.memory_space<vmem>>
    %dma_wait3A_1173 = tpu.memref_squeeze %dma_wait3A_1172 : memref<1x1x512xf32, #tpu.memory_space<vmem>> -> memref<512xf32, #tpu.memory_space<vmem>>
    tpu.wait_dma2 semaphore(%arg9 : memref<!tpu.dma_semaphore, #tpu.memory_space<semaphore_mem>>) src(%dma_wait3A_1173 : memref<512xf32, #tpu.memory_space<vmem>>) dst(%dma_wait3A_1170 : memref<512xf32, #tpu.memory_space<hbm>>)
    %dma_wait3A_1174 = arith.constant 1 : i32
    %dma_wait3A_1175 = arith.constant 8 : i32
    %dma_wait3A_1176 = arith.constant 0 : i32
    %dma_wait3A_1177 = tpu.memref_slice %arg6[%dma_wait3A_1174, %dma_wait3A_1175, %dma_wait3A_1176] : memref<3x16x512xf32, #tpu.memory_space<vmem>> -> memref<1x1x512xf32, #tpu.memory_space<vmem>>
    %dma_wait3A_1178 = tpu.memref_squeeze %dma_wait3A_1177 : memref<1x1x512xf32, #tpu.memory_space<vmem>> -> memref<512xf32, #tpu.memory_space<vmem>>
    %dma_wait3A_1179 = tpu.memref_slice %arg4[%add3A_567] : memref<786432xf32, #tpu.memory_space<hbm>> -> memref<512xf32, #tpu.memory_space<hbm>>
    %dma_wait3A_1180 = tpu.memref_slice %arg4[%add3A_567] : memref<786432xf32, #tpu.memory_space<hbm>> -> memref<512xf32, #tpu.memory_space<hbm>>
    %dma_wait3A_1181 = arith.constant 0 : i32
    %dma_wait3A_1182 = tpu.memref_slice %arg6[%dma_wait3A_1174, %dma_wait3A_1175, %dma_wait3A_1181] : memref<3x16x512xf32, #tpu.memory_space<vmem>> -> memref<1x1x512xf32, #tpu.memory_space<vmem>>
    %dma_wait3A_1183 = tpu.memref_squeeze %dma_wait3A_1182 : memref<1x1x512xf32, #tpu.memory_space<vmem>> -> memref<512xf32, #tpu.memory_space<vmem>>
    tpu.wait_dma2 semaphore(%arg9 : memref<!tpu.dma_semaphore, #tpu.memory_space<semaphore_mem>>) src(%dma_wait3A_1183 : memref<512xf32, #tpu.memory_space<vmem>>) dst(%dma_wait3A_1180 : memref<512xf32, #tpu.memory_space<hbm>>)
    %dma_wait3A_1184 = arith.constant 1 : i32
    %dma_wait3A_1185 = arith.constant 9 : i32
    %dma_wait3A_1186 = arith.constant 0 : i32
    %dma_wait3A_1187 = tpu.memref_slice %arg6[%dma_wait3A_1184, %dma_wait3A_1185, %dma_wait3A_1186] : memref<3x16x512xf32, #tpu.memory_space<vmem>> -> memref<1x1x512xf32, #tpu.memory_space<vmem>>
    %dma_wait3A_1188 = tpu.memref_squeeze %dma_wait3A_1187 : memref<1x1x512xf32, #tpu.memory_space<vmem>> -> memref<512xf32, #tpu.memory_space<vmem>>
    %dma_wait3A_1189 = tpu.memref_slice %arg4[%add3A_581] : memref<786432xf32, #tpu.memory_space<hbm>> -> memref<512xf32, #tpu.memory_space<hbm>>
    %dma_wait3A_1190 = tpu.memref_slice %arg4[%add3A_581] : memref<786432xf32, #tpu.memory_space<hbm>> -> memref<512xf32, #tpu.memory_space<hbm>>
    %dma_wait3A_1191 = arith.constant 0 : i32
    %dma_wait3A_1192 = tpu.memref_slice %arg6[%dma_wait3A_1184, %dma_wait3A_1185, %dma_wait3A_1191] : memref<3x16x512xf32, #tpu.memory_space<vmem>> -> memref<1x1x512xf32, #tpu.memory_space<vmem>>
    %dma_wait3A_1193 = tpu.memref_squeeze %dma_wait3A_1192 : memref<1x1x512xf32, #tpu.memory_space<vmem>> -> memref<512xf32, #tpu.memory_space<vmem>>
    tpu.wait_dma2 semaphore(%arg9 : memref<!tpu.dma_semaphore, #tpu.memory_space<semaphore_mem>>) src(%dma_wait3A_1193 : memref<512xf32, #tpu.memory_space<vmem>>) dst(%dma_wait3A_1190 : memref<512xf32, #tpu.memory_space<hbm>>)
    %dma_wait3A_1194 = arith.constant 1 : i32
    %dma_wait3A_1195 = arith.constant 10 : i32
    %dma_wait3A_1196 = arith.constant 0 : i32
    %dma_wait3A_1197 = tpu.memref_slice %arg6[%dma_wait3A_1194, %dma_wait3A_1195, %dma_wait3A_1196] : memref<3x16x512xf32, #tpu.memory_space<vmem>> -> memref<1x1x512xf32, #tpu.memory_space<vmem>>
    %dma_wait3A_1198 = tpu.memref_squeeze %dma_wait3A_1197 : memref<1x1x512xf32, #tpu.memory_space<vmem>> -> memref<512xf32, #tpu.memory_space<vmem>>
    %dma_wait3A_1199 = tpu.memref_slice %arg4[%add3A_595] : memref<786432xf32, #tpu.memory_space<hbm>> -> memref<512xf32, #tpu.memory_space<hbm>>
    %dma_wait3A_1200 = tpu.memref_slice %arg4[%add3A_595] : memref<786432xf32, #tpu.memory_space<hbm>> -> memref<512xf32, #tpu.memory_space<hbm>>
    %dma_wait3A_1201 = arith.constant 0 : i32
    %dma_wait3A_1202 = tpu.memref_slice %arg6[%dma_wait3A_1194, %dma_wait3A_1195, %dma_wait3A_1201] : memref<3x16x512xf32, #tpu.memory_space<vmem>> -> memref<1x1x512xf32, #tpu.memory_space<vmem>>
    %dma_wait3A_1203 = tpu.memref_squeeze %dma_wait3A_1202 : memref<1x1x512xf32, #tpu.memory_space<vmem>> -> memref<512xf32, #tpu.memory_space<vmem>>
    tpu.wait_dma2 semaphore(%arg9 : memref<!tpu.dma_semaphore, #tpu.memory_space<semaphore_mem>>) src(%dma_wait3A_1203 : memref<512xf32, #tpu.memory_space<vmem>>) dst(%dma_wait3A_1200 : memref<512xf32, #tpu.memory_space<hbm>>)
    %dma_wait3A_1204 = arith.constant 1 : i32
    %dma_wait3A_1205 = arith.constant 11 : i32
    %dma_wait3A_1206 = arith.constant 0 : i32
    %dma_wait3A_1207 = tpu.memref_slice %arg6[%dma_wait3A_1204, %dma_wait3A_1205, %dma_wait3A_1206] : memref<3x16x512xf32, #tpu.memory_space<vmem>> -> memref<1x1x512xf32, #tpu.memory_space<vmem>>
    %dma_wait3A_1208 = tpu.memref_squeeze %dma_wait3A_1207 : memref<1x1x512xf32, #tpu.memory_space<vmem>> -> memref<512xf32, #tpu.memory_space<vmem>>
    %dma_wait3A_1209 = tpu.memref_slice %arg4[%add3A_609] : memref<786432xf32, #tpu.memory_space<hbm>> -> memref<512xf32, #tpu.memory_space<hbm>>
    %dma_wait3A_1210 = tpu.memref_slice %arg4[%add3A_609] : memref<786432xf32, #tpu.memory_space<hbm>> -> memref<512xf32, #tpu.memory_space<hbm>>
    %dma_wait3A_1211 = arith.constant 0 : i32
    %dma_wait3A_1212 = tpu.memref_slice %arg6[%dma_wait3A_1204, %dma_wait3A_1205, %dma_wait3A_1211] : memref<3x16x512xf32, #tpu.memory_space<vmem>> -> memref<1x1x512xf32, #tpu.memory_space<vmem>>
    %dma_wait3A_1213 = tpu.memref_squeeze %dma_wait3A_1212 : memref<1x1x512xf32, #tpu.memory_space<vmem>> -> memref<512xf32, #tpu.memory_space<vmem>>
    tpu.wait_dma2 semaphore(%arg9 : memref<!tpu.dma_semaphore, #tpu.memory_space<semaphore_mem>>) src(%dma_wait3A_1213 : memref<512xf32, #tpu.memory_space<vmem>>) dst(%dma_wait3A_1210 : memref<512xf32, #tpu.memory_space<hbm>>)
    %dma_wait3A_1214 = arith.constant 1 : i32
    %dma_wait3A_1215 = arith.constant 12 : i32
    %dma_wait3A_1216 = arith.constant 0 : i32
    %dma_wait3A_1217 = tpu.memref_slice %arg6[%dma_wait3A_1214, %dma_wait3A_1215, %dma_wait3A_1216] : memref<3x16x512xf32, #tpu.memory_space<vmem>> -> memref<1x1x512xf32, #tpu.memory_space<vmem>>
    %dma_wait3A_1218 = tpu.memref_squeeze %dma_wait3A_1217 : memref<1x1x512xf32, #tpu.memory_space<vmem>> -> memref<512xf32, #tpu.memory_space<vmem>>
    %dma_wait3A_1219 = tpu.memref_slice %arg4[%add3A_623] : memref<786432xf32, #tpu.memory_space<hbm>> -> memref<512xf32, #tpu.memory_space<hbm>>
    %dma_wait3A_1220 = tpu.memref_slice %arg4[%add3A_623] : memref<786432xf32, #tpu.memory_space<hbm>> -> memref<512xf32, #tpu.memory_space<hbm>>
    %dma_wait3A_1221 = arith.constant 0 : i32
    %dma_wait3A_1222 = tpu.memref_slice %arg6[%dma_wait3A_1214, %dma_wait3A_1215, %dma_wait3A_1221] : memref<3x16x512xf32, #tpu.memory_space<vmem>> -> memref<1x1x512xf32, #tpu.memory_space<vmem>>
    %dma_wait3A_1223 = tpu.memref_squeeze %dma_wait3A_1222 : memref<1x1x512xf32, #tpu.memory_space<vmem>> -> memref<512xf32, #tpu.memory_space<vmem>>
    tpu.wait_dma2 semaphore(%arg9 : memref<!tpu.dma_semaphore, #tpu.memory_space<semaphore_mem>>) src(%dma_wait3A_1223 : memref<512xf32, #tpu.memory_space<vmem>>) dst(%dma_wait3A_1220 : memref<512xf32, #tpu.memory_space<hbm>>)
    %dma_wait3A_1224 = arith.constant 1 : i32
    %dma_wait3A_1225 = arith.constant 13 : i32
    %dma_wait3A_1226 = arith.constant 0 : i32
    %dma_wait3A_1227 = tpu.memref_slice %arg6[%dma_wait3A_1224, %dma_wait3A_1225, %dma_wait3A_1226] : memref<3x16x512xf32, #tpu.memory_space<vmem>> -> memref<1x1x512xf32, #tpu.memory_space<vmem>>
    %dma_wait3A_1228 = tpu.memref_squeeze %dma_wait3A_1227 : memref<1x1x512xf32, #tpu.memory_space<vmem>> -> memref<512xf32, #tpu.memory_space<vmem>>
    %dma_wait3A_1229 = tpu.memref_slice %arg4[%add3A_637] : memref<786432xf32, #tpu.memory_space<hbm>> -> memref<512xf32, #tpu.memory_space<hbm>>
    %dma_wait3A_1230 = tpu.memref_slice %arg4[%add3A_637] : memref<786432xf32, #tpu.memory_space<hbm>> -> memref<512xf32, #tpu.memory_space<hbm>>
    %dma_wait3A_1231 = arith.constant 0 : i32
    %dma_wait3A_1232 = tpu.memref_slice %arg6[%dma_wait3A_1224, %dma_wait3A_1225, %dma_wait3A_1231] : memref<3x16x512xf32, #tpu.memory_space<vmem>> -> memref<1x1x512xf32, #tpu.memory_space<vmem>>
    %dma_wait3A_1233 = tpu.memref_squeeze %dma_wait3A_1232 : memref<1x1x512xf32, #tpu.memory_space<vmem>> -> memref<512xf32, #tpu.memory_space<vmem>>
    tpu.wait_dma2 semaphore(%arg9 : memref<!tpu.dma_semaphore, #tpu.memory_space<semaphore_mem>>) src(%dma_wait3A_1233 : memref<512xf32, #tpu.memory_space<vmem>>) dst(%dma_wait3A_1230 : memref<512xf32, #tpu.memory_space<hbm>>)
    %dma_wait3A_1234 = arith.constant 1 : i32
    %dma_wait3A_1235 = arith.constant 14 : i32
    %dma_wait3A_1236 = arith.constant 0 : i32
    %dma_wait3A_1237 = tpu.memref_slice %arg6[%dma_wait3A_1234, %dma_wait3A_1235, %dma_wait3A_1236] : memref<3x16x512xf32, #tpu.memory_space<vmem>> -> memref<1x1x512xf32, #tpu.memory_space<vmem>>
    %dma_wait3A_1238 = tpu.memref_squeeze %dma_wait3A_1237 : memref<1x1x512xf32, #tpu.memory_space<vmem>> -> memref<512xf32, #tpu.memory_space<vmem>>
    %dma_wait3A_1239 = tpu.memref_slice %arg4[%add3A_651] : memref<786432xf32, #tpu.memory_space<hbm>> -> memref<512xf32, #tpu.memory_space<hbm>>
    %dma_wait3A_1240 = tpu.memref_slice %arg4[%add3A_651] : memref<786432xf32, #tpu.memory_space<hbm>> -> memref<512xf32, #tpu.memory_space<hbm>>
    %dma_wait3A_1241 = arith.constant 0 : i32
    %dma_wait3A_1242 = tpu.memref_slice %arg6[%dma_wait3A_1234, %dma_wait3A_1235, %dma_wait3A_1241] : memref<3x16x512xf32, #tpu.memory_space<vmem>> -> memref<1x1x512xf32, #tpu.memory_space<vmem>>
    %dma_wait3A_1243 = tpu.memref_squeeze %dma_wait3A_1242 : memref<1x1x512xf32, #tpu.memory_space<vmem>> -> memref<512xf32, #tpu.memory_space<vmem>>
    tpu.wait_dma2 semaphore(%arg9 : memref<!tpu.dma_semaphore, #tpu.memory_space<semaphore_mem>>) src(%dma_wait3A_1243 : memref<512xf32, #tpu.memory_space<vmem>>) dst(%dma_wait3A_1240 : memref<512xf32, #tpu.memory_space<hbm>>)
    %dma_wait3A_1244 = arith.constant 1 : i32
    %dma_wait3A_1245 = arith.constant 15 : i32
    %dma_wait3A_1246 = arith.constant 0 : i32
    %dma_wait3A_1247 = tpu.memref_slice %arg6[%dma_wait3A_1244, %dma_wait3A_1245, %dma_wait3A_1246] : memref<3x16x512xf32, #tpu.memory_space<vmem>> -> memref<1x1x512xf32, #tpu.memory_space<vmem>>
    %dma_wait3A_1248 = tpu.memref_squeeze %dma_wait3A_1247 : memref<1x1x512xf32, #tpu.memory_space<vmem>> -> memref<512xf32, #tpu.memory_space<vmem>>
    %dma_wait3A_1249 = tpu.memref_slice %arg4[%add3A_665] : memref<786432xf32, #tpu.memory_space<hbm>> -> memref<512xf32, #tpu.memory_space<hbm>>
    %dma_wait3A_1250 = tpu.memref_slice %arg4[%add3A_665] : memref<786432xf32, #tpu.memory_space<hbm>> -> memref<512xf32, #tpu.memory_space<hbm>>
    %dma_wait3A_1251 = arith.constant 0 : i32
    %dma_wait3A_1252 = tpu.memref_slice %arg6[%dma_wait3A_1244, %dma_wait3A_1245, %dma_wait3A_1251] : memref<3x16x512xf32, #tpu.memory_space<vmem>> -> memref<1x1x512xf32, #tpu.memory_space<vmem>>
    %dma_wait3A_1253 = tpu.memref_squeeze %dma_wait3A_1252 : memref<1x1x512xf32, #tpu.memory_space<vmem>> -> memref<512xf32, #tpu.memory_space<vmem>>
    tpu.wait_dma2 semaphore(%arg9 : memref<!tpu.dma_semaphore, #tpu.memory_space<semaphore_mem>>) src(%dma_wait3A_1253 : memref<512xf32, #tpu.memory_space<vmem>>) dst(%dma_wait3A_1250 : memref<512xf32, #tpu.memory_space<hbm>>)
    %dma_wait3A_1254 = arith.constant 2 : i32
    %dma_wait3A_1255 = arith.constant 0 : i32
    %dma_wait3A_1256 = arith.constant 0 : i32
    %dma_wait3A_1257 = tpu.memref_slice %arg6[%dma_wait3A_1254, %dma_wait3A_1255, %dma_wait3A_1256] : memref<3x16x512xf32, #tpu.memory_space<vmem>> -> memref<1x1x512xf32, #tpu.memory_space<vmem>>
    %dma_wait3A_1258 = tpu.memref_squeeze %dma_wait3A_1257 : memref<1x1x512xf32, #tpu.memory_space<vmem>> -> memref<512xf32, #tpu.memory_space<vmem>>
    %dma_wait3A_1259 = tpu.memref_slice %arg4[%add3A_696] : memref<786432xf32, #tpu.memory_space<hbm>> -> memref<512xf32, #tpu.memory_space<hbm>>
    %dma_wait3A_1260 = tpu.memref_slice %arg4[%add3A_696] : memref<786432xf32, #tpu.memory_space<hbm>> -> memref<512xf32, #tpu.memory_space<hbm>>
    %dma_wait3A_1261 = arith.constant 0 : i32
    %dma_wait3A_1262 = tpu.memref_slice %arg6[%dma_wait3A_1254, %dma_wait3A_1255, %dma_wait3A_1261] : memref<3x16x512xf32, #tpu.memory_space<vmem>> -> memref<1x1x512xf32, #tpu.memory_space<vmem>>
    %dma_wait3A_1263 = tpu.memref_squeeze %dma_wait3A_1262 : memref<1x1x512xf32, #tpu.memory_space<vmem>> -> memref<512xf32, #tpu.memory_space<vmem>>
    tpu.wait_dma2 semaphore(%arg9 : memref<!tpu.dma_semaphore, #tpu.memory_space<semaphore_mem>>) src(%dma_wait3A_1263 : memref<512xf32, #tpu.memory_space<vmem>>) dst(%dma_wait3A_1260 : memref<512xf32, #tpu.memory_space<hbm>>)
    %dma_wait3A_1264 = arith.constant 2 : i32
    %dma_wait3A_1265 = arith.constant 1 : i32
    %dma_wait3A_1266 = arith.constant 0 : i32
    %dma_wait3A_1267 = tpu.memref_slice %arg6[%dma_wait3A_1264, %dma_wait3A_1265, %dma_wait3A_1266] : memref<3x16x512xf32, #tpu.memory_space<vmem>> -> memref<1x1x512xf32, #tpu.memory_space<vmem>>
    %dma_wait3A_1268 = tpu.memref_squeeze %dma_wait3A_1267 : memref<1x1x512xf32, #tpu.memory_space<vmem>> -> memref<512xf32, #tpu.memory_space<vmem>>
    %dma_wait3A_1269 = tpu.memref_slice %arg4[%add3A_710] : memref<786432xf32, #tpu.memory_space<hbm>> -> memref<512xf32, #tpu.memory_space<hbm>>
    %dma_wait3A_1270 = tpu.memref_slice %arg4[%add3A_710] : memref<786432xf32, #tpu.memory_space<hbm>> -> memref<512xf32, #tpu.memory_space<hbm>>
    %dma_wait3A_1271 = arith.constant 0 : i32
    %dma_wait3A_1272 = tpu.memref_slice %arg6[%dma_wait3A_1264, %dma_wait3A_1265, %dma_wait3A_1271] : memref<3x16x512xf32, #tpu.memory_space<vmem>> -> memref<1x1x512xf32, #tpu.memory_space<vmem>>
    %dma_wait3A_1273 = tpu.memref_squeeze %dma_wait3A_1272 : memref<1x1x512xf32, #tpu.memory_space<vmem>> -> memref<512xf32, #tpu.memory_space<vmem>>
    tpu.wait_dma2 semaphore(%arg9 : memref<!tpu.dma_semaphore, #tpu.memory_space<semaphore_mem>>) src(%dma_wait3A_1273 : memref<512xf32, #tpu.memory_space<vmem>>) dst(%dma_wait3A_1270 : memref<512xf32, #tpu.memory_space<hbm>>)
    %dma_wait3A_1274 = arith.constant 2 : i32
    %dma_wait3A_1275 = arith.constant 2 : i32
    %dma_wait3A_1276 = arith.constant 0 : i32
    %dma_wait3A_1277 = tpu.memref_slice %arg6[%dma_wait3A_1274, %dma_wait3A_1275, %dma_wait3A_1276] : memref<3x16x512xf32, #tpu.memory_space<vmem>> -> memref<1x1x512xf32, #tpu.memory_space<vmem>>
    %dma_wait3A_1278 = tpu.memref_squeeze %dma_wait3A_1277 : memref<1x1x512xf32, #tpu.memory_space<vmem>> -> memref<512xf32, #tpu.memory_space<vmem>>
    %dma_wait3A_1279 = tpu.memref_slice %arg4[%add3A_724] : memref<786432xf32, #tpu.memory_space<hbm>> -> memref<512xf32, #tpu.memory_space<hbm>>
    %dma_wait3A_1280 = tpu.memref_slice %arg4[%add3A_724] : memref<786432xf32, #tpu.memory_space<hbm>> -> memref<512xf32, #tpu.memory_space<hbm>>
    %dma_wait3A_1281 = arith.constant 0 : i32
    %dma_wait3A_1282 = tpu.memref_slice %arg6[%dma_wait3A_1274, %dma_wait3A_1275, %dma_wait3A_1281] : memref<3x16x512xf32, #tpu.memory_space<vmem>> -> memref<1x1x512xf32, #tpu.memory_space<vmem>>
    %dma_wait3A_1283 = tpu.memref_squeeze %dma_wait3A_1282 : memref<1x1x512xf32, #tpu.memory_space<vmem>> -> memref<512xf32, #tpu.memory_space<vmem>>
    tpu.wait_dma2 semaphore(%arg9 : memref<!tpu.dma_semaphore, #tpu.memory_space<semaphore_mem>>) src(%dma_wait3A_1283 : memref<512xf32, #tpu.memory_space<vmem>>) dst(%dma_wait3A_1280 : memref<512xf32, #tpu.memory_space<hbm>>)
    %dma_wait3A_1284 = arith.constant 2 : i32
    %dma_wait3A_1285 = arith.constant 3 : i32
    %dma_wait3A_1286 = arith.constant 0 : i32
    %dma_wait3A_1287 = tpu.memref_slice %arg6[%dma_wait3A_1284, %dma_wait3A_1285, %dma_wait3A_1286] : memref<3x16x512xf32, #tpu.memory_space<vmem>> -> memref<1x1x512xf32, #tpu.memory_space<vmem>>
    %dma_wait3A_1288 = tpu.memref_squeeze %dma_wait3A_1287 : memref<1x1x512xf32, #tpu.memory_space<vmem>> -> memref<512xf32, #tpu.memory_space<vmem>>
    %dma_wait3A_1289 = tpu.memref_slice %arg4[%add3A_738] : memref<786432xf32, #tpu.memory_space<hbm>> -> memref<512xf32, #tpu.memory_space<hbm>>
    %dma_wait3A_1290 = tpu.memref_slice %arg4[%add3A_738] : memref<786432xf32, #tpu.memory_space<hbm>> -> memref<512xf32, #tpu.memory_space<hbm>>
    %dma_wait3A_1291 = arith.constant 0 : i32
    %dma_wait3A_1292 = tpu.memref_slice %arg6[%dma_wait3A_1284, %dma_wait3A_1285, %dma_wait3A_1291] : memref<3x16x512xf32, #tpu.memory_space<vmem>> -> memref<1x1x512xf32, #tpu.memory_space<vmem>>
    %dma_wait3A_1293 = tpu.memref_squeeze %dma_wait3A_1292 : memref<1x1x512xf32, #tpu.memory_space<vmem>> -> memref<512xf32, #tpu.memory_space<vmem>>
    tpu.wait_dma2 semaphore(%arg9 : memref<!tpu.dma_semaphore, #tpu.memory_space<semaphore_mem>>) src(%dma_wait3A_1293 : memref<512xf32, #tpu.memory_space<vmem>>) dst(%dma_wait3A_1290 : memref<512xf32, #tpu.memory_space<hbm>>)
    %dma_wait3A_1294 = arith.constant 2 : i32
    %dma_wait3A_1295 = arith.constant 4 : i32
    %dma_wait3A_1296 = arith.constant 0 : i32
    %dma_wait3A_1297 = tpu.memref_slice %arg6[%dma_wait3A_1294, %dma_wait3A_1295, %dma_wait3A_1296] : memref<3x16x512xf32, #tpu.memory_space<vmem>> -> memref<1x1x512xf32, #tpu.memory_space<vmem>>
    %dma_wait3A_1298 = tpu.memref_squeeze %dma_wait3A_1297 : memref<1x1x512xf32, #tpu.memory_space<vmem>> -> memref<512xf32, #tpu.memory_space<vmem>>
    %dma_wait3A_1299 = tpu.memref_slice %arg4[%add3A_752] : memref<786432xf32, #tpu.memory_space<hbm>> -> memref<512xf32, #tpu.memory_space<hbm>>
    %dma_wait3A_1300 = tpu.memref_slice %arg4[%add3A_752] : memref<786432xf32, #tpu.memory_space<hbm>> -> memref<512xf32, #tpu.memory_space<hbm>>
    %dma_wait3A_1301 = arith.constant 0 : i32
    %dma_wait3A_1302 = tpu.memref_slice %arg6[%dma_wait3A_1294, %dma_wait3A_1295, %dma_wait3A_1301] : memref<3x16x512xf32, #tpu.memory_space<vmem>> -> memref<1x1x512xf32, #tpu.memory_space<vmem>>
    %dma_wait3A_1303 = tpu.memref_squeeze %dma_wait3A_1302 : memref<1x1x512xf32, #tpu.memory_space<vmem>> -> memref<512xf32, #tpu.memory_space<vmem>>
    tpu.wait_dma2 semaphore(%arg9 : memref<!tpu.dma_semaphore, #tpu.memory_space<semaphore_mem>>) src(%dma_wait3A_1303 : memref<512xf32, #tpu.memory_space<vmem>>) dst(%dma_wait3A_1300 : memref<512xf32, #tpu.memory_space<hbm>>)
    %dma_wait3A_1304 = arith.constant 2 : i32
    %dma_wait3A_1305 = arith.constant 5 : i32
    %dma_wait3A_1306 = arith.constant 0 : i32
    %dma_wait3A_1307 = tpu.memref_slice %arg6[%dma_wait3A_1304, %dma_wait3A_1305, %dma_wait3A_1306] : memref<3x16x512xf32, #tpu.memory_space<vmem>> -> memref<1x1x512xf32, #tpu.memory_space<vmem>>
    %dma_wait3A_1308 = tpu.memref_squeeze %dma_wait3A_1307 : memref<1x1x512xf32, #tpu.memory_space<vmem>> -> memref<512xf32, #tpu.memory_space<vmem>>
    %dma_wait3A_1309 = tpu.memref_slice %arg4[%add3A_766] : memref<786432xf32, #tpu.memory_space<hbm>> -> memref<512xf32, #tpu.memory_space<hbm>>
    %dma_wait3A_1310 = tpu.memref_slice %arg4[%add3A_766] : memref<786432xf32, #tpu.memory_space<hbm>> -> memref<512xf32, #tpu.memory_space<hbm>>
    %dma_wait3A_1311 = arith.constant 0 : i32
    %dma_wait3A_1312 = tpu.memref_slice %arg6[%dma_wait3A_1304, %dma_wait3A_1305, %dma_wait3A_1311] : memref<3x16x512xf32, #tpu.memory_space<vmem>> -> memref<1x1x512xf32, #tpu.memory_space<vmem>>
    %dma_wait3A_1313 = tpu.memref_squeeze %dma_wait3A_1312 : memref<1x1x512xf32, #tpu.memory_space<vmem>> -> memref<512xf32, #tpu.memory_space<vmem>>
    tpu.wait_dma2 semaphore(%arg9 : memref<!tpu.dma_semaphore, #tpu.memory_space<semaphore_mem>>) src(%dma_wait3A_1313 : memref<512xf32, #tpu.memory_space<vmem>>) dst(%dma_wait3A_1310 : memref<512xf32, #tpu.memory_space<hbm>>)
    %dma_wait3A_1314 = arith.constant 2 : i32
    %dma_wait3A_1315 = arith.constant 6 : i32
    %dma_wait3A_1316 = arith.constant 0 : i32
    %dma_wait3A_1317 = tpu.memref_slice %arg6[%dma_wait3A_1314, %dma_wait3A_1315, %dma_wait3A_1316] : memref<3x16x512xf32, #tpu.memory_space<vmem>> -> memref<1x1x512xf32, #tpu.memory_space<vmem>>
    %dma_wait3A_1318 = tpu.memref_squeeze %dma_wait3A_1317 : memref<1x1x512xf32, #tpu.memory_space<vmem>> -> memref<512xf32, #tpu.memory_space<vmem>>
    %dma_wait3A_1319 = tpu.memref_slice %arg4[%add3A_780] : memref<786432xf32, #tpu.memory_space<hbm>> -> memref<512xf32, #tpu.memory_space<hbm>>
    %dma_wait3A_1320 = tpu.memref_slice %arg4[%add3A_780] : memref<786432xf32, #tpu.memory_space<hbm>> -> memref<512xf32, #tpu.memory_space<hbm>>
    %dma_wait3A_1321 = arith.constant 0 : i32
    %dma_wait3A_1322 = tpu.memref_slice %arg6[%dma_wait3A_1314, %dma_wait3A_1315, %dma_wait3A_1321] : memref<3x16x512xf32, #tpu.memory_space<vmem>> -> memref<1x1x512xf32, #tpu.memory_space<vmem>>
    %dma_wait3A_1323 = tpu.memref_squeeze %dma_wait3A_1322 : memref<1x1x512xf32, #tpu.memory_space<vmem>> -> memref<512xf32, #tpu.memory_space<vmem>>
    tpu.wait_dma2 semaphore(%arg9 : memref<!tpu.dma_semaphore, #tpu.memory_space<semaphore_mem>>) src(%dma_wait3A_1323 : memref<512xf32, #tpu.memory_space<vmem>>) dst(%dma_wait3A_1320 : memref<512xf32, #tpu.memory_space<hbm>>)
    %dma_wait3A_1324 = arith.constant 2 : i32
    %dma_wait3A_1325 = arith.constant 7 : i32
    %dma_wait3A_1326 = arith.constant 0 : i32
    %dma_wait3A_1327 = tpu.memref_slice %arg6[%dma_wait3A_1324, %dma_wait3A_1325, %dma_wait3A_1326] : memref<3x16x512xf32, #tpu.memory_space<vmem>> -> memref<1x1x512xf32, #tpu.memory_space<vmem>>
    %dma_wait3A_1328 = tpu.memref_squeeze %dma_wait3A_1327 : memref<1x1x512xf32, #tpu.memory_space<vmem>> -> memref<512xf32, #tpu.memory_space<vmem>>
    %dma_wait3A_1329 = tpu.memref_slice %arg4[%add3A_794] : memref<786432xf32, #tpu.memory_space<hbm>> -> memref<512xf32, #tpu.memory_space<hbm>>
    %dma_wait3A_1330 = tpu.memref_slice %arg4[%add3A_794] : memref<786432xf32, #tpu.memory_space<hbm>> -> memref<512xf32, #tpu.memory_space<hbm>>
    %dma_wait3A_1331 = arith.constant 0 : i32
    %dma_wait3A_1332 = tpu.memref_slice %arg6[%dma_wait3A_1324, %dma_wait3A_1325, %dma_wait3A_1331] : memref<3x16x512xf32, #tpu.memory_space<vmem>> -> memref<1x1x512xf32, #tpu.memory_space<vmem>>
    %dma_wait3A_1333 = tpu.memref_squeeze %dma_wait3A_1332 : memref<1x1x512xf32, #tpu.memory_space<vmem>> -> memref<512xf32, #tpu.memory_space<vmem>>
    tpu.wait_dma2 semaphore(%arg9 : memref<!tpu.dma_semaphore, #tpu.memory_space<semaphore_mem>>) src(%dma_wait3A_1333 : memref<512xf32, #tpu.memory_space<vmem>>) dst(%dma_wait3A_1330 : memref<512xf32, #tpu.memory_space<hbm>>)
    %dma_wait3A_1334 = arith.constant 2 : i32
    %dma_wait3A_1335 = arith.constant 8 : i32
    %dma_wait3A_1336 = arith.constant 0 : i32
    %dma_wait3A_1337 = tpu.memref_slice %arg6[%dma_wait3A_1334, %dma_wait3A_1335, %dma_wait3A_1336] : memref<3x16x512xf32, #tpu.memory_space<vmem>> -> memref<1x1x512xf32, #tpu.memory_space<vmem>>
    %dma_wait3A_1338 = tpu.memref_squeeze %dma_wait3A_1337 : memref<1x1x512xf32, #tpu.memory_space<vmem>> -> memref<512xf32, #tpu.memory_space<vmem>>
    %dma_wait3A_1339 = tpu.memref_slice %arg4[%add3A_825] : memref<786432xf32, #tpu.memory_space<hbm>> -> memref<512xf32, #tpu.memory_space<hbm>>
    %dma_wait3A_1340 = tpu.memref_slice %arg4[%add3A_825] : memref<786432xf32, #tpu.memory_space<hbm>> -> memref<512xf32, #tpu.memory_space<hbm>>
    %dma_wait3A_1341 = arith.constant 0 : i32
    %dma_wait3A_1342 = tpu.memref_slice %arg6[%dma_wait3A_1334, %dma_wait3A_1335, %dma_wait3A_1341] : memref<3x16x512xf32, #tpu.memory_space<vmem>> -> memref<1x1x512xf32, #tpu.memory_space<vmem>>
    %dma_wait3A_1343 = tpu.memref_squeeze %dma_wait3A_1342 : memref<1x1x512xf32, #tpu.memory_space<vmem>> -> memref<512xf32, #tpu.memory_space<vmem>>
    tpu.wait_dma2 semaphore(%arg9 : memref<!tpu.dma_semaphore, #tpu.memory_space<semaphore_mem>>) src(%dma_wait3A_1343 : memref<512xf32, #tpu.memory_space<vmem>>) dst(%dma_wait3A_1340 : memref<512xf32, #tpu.memory_space<hbm>>)
    %dma_wait3A_1344 = arith.constant 2 : i32
    %dma_wait3A_1345 = arith.constant 9 : i32
    %dma_wait3A_1346 = arith.constant 0 : i32
    %dma_wait3A_1347 = tpu.memref_slice %arg6[%dma_wait3A_1344, %dma_wait3A_1345, %dma_wait3A_1346] : memref<3x16x512xf32, #tpu.memory_space<vmem>> -> memref<1x1x512xf32, #tpu.memory_space<vmem>>
    %dma_wait3A_1348 = tpu.memref_squeeze %dma_wait3A_1347 : memref<1x1x512xf32, #tpu.memory_space<vmem>> -> memref<512xf32, #tpu.memory_space<vmem>>
    %dma_wait3A_1349 = tpu.memref_slice %arg4[%add3A_839] : memref<786432xf32, #tpu.memory_space<hbm>> -> memref<512xf32, #tpu.memory_space<hbm>>
    %dma_wait3A_1350 = tpu.memref_slice %arg4[%add3A_839] : memref<786432xf32, #tpu.memory_space<hbm>> -> memref<512xf32, #tpu.memory_space<hbm>>
    %dma_wait3A_1351 = arith.constant 0 : i32
    %dma_wait3A_1352 = tpu.memref_slice %arg6[%dma_wait3A_1344, %dma_wait3A_1345, %dma_wait3A_1351] : memref<3x16x512xf32, #tpu.memory_space<vmem>> -> memref<1x1x512xf32, #tpu.memory_space<vmem>>
    %dma_wait3A_1353 = tpu.memref_squeeze %dma_wait3A_1352 : memref<1x1x512xf32, #tpu.memory_space<vmem>> -> memref<512xf32, #tpu.memory_space<vmem>>
    tpu.wait_dma2 semaphore(%arg9 : memref<!tpu.dma_semaphore, #tpu.memory_space<semaphore_mem>>) src(%dma_wait3A_1353 : memref<512xf32, #tpu.memory_space<vmem>>) dst(%dma_wait3A_1350 : memref<512xf32, #tpu.memory_space<hbm>>)
    %dma_wait3A_1354 = arith.constant 2 : i32
    %dma_wait3A_1355 = arith.constant 10 : i32
    %dma_wait3A_1356 = arith.constant 0 : i32
    %dma_wait3A_1357 = tpu.memref_slice %arg6[%dma_wait3A_1354, %dma_wait3A_1355, %dma_wait3A_1356] : memref<3x16x512xf32, #tpu.memory_space<vmem>> -> memref<1x1x512xf32, #tpu.memory_space<vmem>>
    %dma_wait3A_1358 = tpu.memref_squeeze %dma_wait3A_1357 : memref<1x1x512xf32, #tpu.memory_space<vmem>> -> memref<512xf32, #tpu.memory_space<vmem>>
    %dma_wait3A_1359 = tpu.memref_slice %arg4[%add3A_853] : memref<786432xf32, #tpu.memory_space<hbm>> -> memref<512xf32, #tpu.memory_space<hbm>>
    %dma_wait3A_1360 = tpu.memref_slice %arg4[%add3A_853] : memref<786432xf32, #tpu.memory_space<hbm>> -> memref<512xf32, #tpu.memory_space<hbm>>
    %dma_wait3A_1361 = arith.constant 0 : i32
    %dma_wait3A_1362 = tpu.memref_slice %arg6[%dma_wait3A_1354, %dma_wait3A_1355, %dma_wait3A_1361] : memref<3x16x512xf32, #tpu.memory_space<vmem>> -> memref<1x1x512xf32, #tpu.memory_space<vmem>>
    %dma_wait3A_1363 = tpu.memref_squeeze %dma_wait3A_1362 : memref<1x1x512xf32, #tpu.memory_space<vmem>> -> memref<512xf32, #tpu.memory_space<vmem>>
    tpu.wait_dma2 semaphore(%arg9 : memref<!tpu.dma_semaphore, #tpu.memory_space<semaphore_mem>>) src(%dma_wait3A_1363 : memref<512xf32, #tpu.memory_space<vmem>>) dst(%dma_wait3A_1360 : memref<512xf32, #tpu.memory_space<hbm>>)
    %dma_wait3A_1364 = arith.constant 2 : i32
    %dma_wait3A_1365 = arith.constant 11 : i32
    %dma_wait3A_1366 = arith.constant 0 : i32
    %dma_wait3A_1367 = tpu.memref_slice %arg6[%dma_wait3A_1364, %dma_wait3A_1365, %dma_wait3A_1366] : memref<3x16x512xf32, #tpu.memory_space<vmem>> -> memref<1x1x512xf32, #tpu.memory_space<vmem>>
    %dma_wait3A_1368 = tpu.memref_squeeze %dma_wait3A_1367 : memref<1x1x512xf32, #tpu.memory_space<vmem>> -> memref<512xf32, #tpu.memory_space<vmem>>
    %dma_wait3A_1369 = tpu.memref_slice %arg4[%add3A_867] : memref<786432xf32, #tpu.memory_space<hbm>> -> memref<512xf32, #tpu.memory_space<hbm>>
    %dma_wait3A_1370 = tpu.memref_slice %arg4[%add3A_867] : memref<786432xf32, #tpu.memory_space<hbm>> -> memref<512xf32, #tpu.memory_space<hbm>>
    %dma_wait3A_1371 = arith.constant 0 : i32
    %dma_wait3A_1372 = tpu.memref_slice %arg6[%dma_wait3A_1364, %dma_wait3A_1365, %dma_wait3A_1371] : memref<3x16x512xf32, #tpu.memory_space<vmem>> -> memref<1x1x512xf32, #tpu.memory_space<vmem>>
    %dma_wait3A_1373 = tpu.memref_squeeze %dma_wait3A_1372 : memref<1x1x512xf32, #tpu.memory_space<vmem>> -> memref<512xf32, #tpu.memory_space<vmem>>
    tpu.wait_dma2 semaphore(%arg9 : memref<!tpu.dma_semaphore, #tpu.memory_space<semaphore_mem>>) src(%dma_wait3A_1373 : memref<512xf32, #tpu.memory_space<vmem>>) dst(%dma_wait3A_1370 : memref<512xf32, #tpu.memory_space<hbm>>)
    %dma_wait3A_1374 = arith.constant 2 : i32
    %dma_wait3A_1375 = arith.constant 12 : i32
    %dma_wait3A_1376 = arith.constant 0 : i32
    %dma_wait3A_1377 = tpu.memref_slice %arg6[%dma_wait3A_1374, %dma_wait3A_1375, %dma_wait3A_1376] : memref<3x16x512xf32, #tpu.memory_space<vmem>> -> memref<1x1x512xf32, #tpu.memory_space<vmem>>
    %dma_wait3A_1378 = tpu.memref_squeeze %dma_wait3A_1377 : memref<1x1x512xf32, #tpu.memory_space<vmem>> -> memref<512xf32, #tpu.memory_space<vmem>>
    %dma_wait3A_1379 = tpu.memref_slice %arg4[%add3A_881] : memref<786432xf32, #tpu.memory_space<hbm>> -> memref<512xf32, #tpu.memory_space<hbm>>
    %dma_wait3A_1380 = tpu.memref_slice %arg4[%add3A_881] : memref<786432xf32, #tpu.memory_space<hbm>> -> memref<512xf32, #tpu.memory_space<hbm>>
    %dma_wait3A_1381 = arith.constant 0 : i32
    %dma_wait3A_1382 = tpu.memref_slice %arg6[%dma_wait3A_1374, %dma_wait3A_1375, %dma_wait3A_1381] : memref<3x16x512xf32, #tpu.memory_space<vmem>> -> memref<1x1x512xf32, #tpu.memory_space<vmem>>
    %dma_wait3A_1383 = tpu.memref_squeeze %dma_wait3A_1382 : memref<1x1x512xf32, #tpu.memory_space<vmem>> -> memref<512xf32, #tpu.memory_space<vmem>>
    tpu.wait_dma2 semaphore(%arg9 : memref<!tpu.dma_semaphore, #tpu.memory_space<semaphore_mem>>) src(%dma_wait3A_1383 : memref<512xf32, #tpu.memory_space<vmem>>) dst(%dma_wait3A_1380 : memref<512xf32, #tpu.memory_space<hbm>>)
    %dma_wait3A_1384 = arith.constant 2 : i32
    %dma_wait3A_1385 = arith.constant 13 : i32
    %dma_wait3A_1386 = arith.constant 0 : i32
    %dma_wait3A_1387 = tpu.memref_slice %arg6[%dma_wait3A_1384, %dma_wait3A_1385, %dma_wait3A_1386] : memref<3x16x512xf32, #tpu.memory_space<vmem>> -> memref<1x1x512xf32, #tpu.memory_space<vmem>>
    %dma_wait3A_1388 = tpu.memref_squeeze %dma_wait3A_1387 : memref<1x1x512xf32, #tpu.memory_space<vmem>> -> memref<512xf32, #tpu.memory_space<vmem>>
    %dma_wait3A_1389 = tpu.memref_slice %arg4[%add3A_895] : memref<786432xf32, #tpu.memory_space<hbm>> -> memref<512xf32, #tpu.memory_space<hbm>>
    %dma_wait3A_1390 = tpu.memref_slice %arg4[%add3A_895] : memref<786432xf32, #tpu.memory_space<hbm>> -> memref<512xf32, #tpu.memory_space<hbm>>
    %dma_wait3A_1391 = arith.constant 0 : i32
    %dma_wait3A_1392 = tpu.memref_slice %arg6[%dma_wait3A_1384, %dma_wait3A_1385, %dma_wait3A_1391] : memref<3x16x512xf32, #tpu.memory_space<vmem>> -> memref<1x1x512xf32, #tpu.memory_space<vmem>>
    %dma_wait3A_1393 = tpu.memref_squeeze %dma_wait3A_1392 : memref<1x1x512xf32, #tpu.memory_space<vmem>> -> memref<512xf32, #tpu.memory_space<vmem>>
    tpu.wait_dma2 semaphore(%arg9 : memref<!tpu.dma_semaphore, #tpu.memory_space<semaphore_mem>>) src(%dma_wait3A_1393 : memref<512xf32, #tpu.memory_space<vmem>>) dst(%dma_wait3A_1390 : memref<512xf32, #tpu.memory_space<hbm>>)
    %dma_wait3A_1394 = arith.constant 2 : i32
    %dma_wait3A_1395 = arith.constant 14 : i32
    %dma_wait3A_1396 = arith.constant 0 : i32
    %dma_wait3A_1397 = tpu.memref_slice %arg6[%dma_wait3A_1394, %dma_wait3A_1395, %dma_wait3A_1396] : memref<3x16x512xf32, #tpu.memory_space<vmem>> -> memref<1x1x512xf32, #tpu.memory_space<vmem>>
    %dma_wait3A_1398 = tpu.memref_squeeze %dma_wait3A_1397 : memref<1x1x512xf32, #tpu.memory_space<vmem>> -> memref<512xf32, #tpu.memory_space<vmem>>
    %dma_wait3A_1399 = tpu.memref_slice %arg4[%add3A_909] : memref<786432xf32, #tpu.memory_space<hbm>> -> memref<512xf32, #tpu.memory_space<hbm>>
    %dma_wait3A_1400 = tpu.memref_slice %arg4[%add3A_909] : memref<786432xf32, #tpu.memory_space<hbm>> -> memref<512xf32, #tpu.memory_space<hbm>>
    %dma_wait3A_1401 = arith.constant 0 : i32
    %dma_wait3A_1402 = tpu.memref_slice %arg6[%dma_wait3A_1394, %dma_wait3A_1395, %dma_wait3A_1401] : memref<3x16x512xf32, #tpu.memory_space<vmem>> -> memref<1x1x512xf32, #tpu.memory_space<vmem>>
    %dma_wait3A_1403 = tpu.memref_squeeze %dma_wait3A_1402 : memref<1x1x512xf32, #tpu.memory_space<vmem>> -> memref<512xf32, #tpu.memory_space<vmem>>
    tpu.wait_dma2 semaphore(%arg9 : memref<!tpu.dma_semaphore, #tpu.memory_space<semaphore_mem>>) src(%dma_wait3A_1403 : memref<512xf32, #tpu.memory_space<vmem>>) dst(%dma_wait3A_1400 : memref<512xf32, #tpu.memory_space<hbm>>)
    %dma_wait3A_1404 = arith.constant 2 : i32
    %dma_wait3A_1405 = arith.constant 15 : i32
    %dma_wait3A_1406 = arith.constant 0 : i32
    %dma_wait3A_1407 = tpu.memref_slice %arg6[%dma_wait3A_1404, %dma_wait3A_1405, %dma_wait3A_1406] : memref<3x16x512xf32, #tpu.memory_space<vmem>> -> memref<1x1x512xf32, #tpu.memory_space<vmem>>
    %dma_wait3A_1408 = tpu.memref_squeeze %dma_wait3A_1407 : memref<1x1x512xf32, #tpu.memory_space<vmem>> -> memref<512xf32, #tpu.memory_space<vmem>>
    %dma_wait3A_1409 = tpu.memref_slice %arg4[%add3A_923] : memref<786432xf32, #tpu.memory_space<hbm>> -> memref<512xf32, #tpu.memory_space<hbm>>
    %dma_wait3A_1410 = tpu.memref_slice %arg4[%add3A_923] : memref<786432xf32, #tpu.memory_space<hbm>> -> memref<512xf32, #tpu.memory_space<hbm>>
    %dma_wait3A_1411 = arith.constant 0 : i32
    %dma_wait3A_1412 = tpu.memref_slice %arg6[%dma_wait3A_1404, %dma_wait3A_1405, %dma_wait3A_1411] : memref<3x16x512xf32, #tpu.memory_space<vmem>> -> memref<1x1x512xf32, #tpu.memory_space<vmem>>
    %dma_wait3A_1413 = tpu.memref_squeeze %dma_wait3A_1412 : memref<1x1x512xf32, #tpu.memory_space<vmem>> -> memref<512xf32, #tpu.memory_space<vmem>>
    tpu.wait_dma2 semaphore(%arg9 : memref<!tpu.dma_semaphore, #tpu.memory_space<semaphore_mem>>) src(%dma_wait3A_1413 : memref<512xf32, #tpu.memory_space<vmem>>) dst(%dma_wait3A_1410 : memref<512xf32, #tpu.memory_space<hbm>>)
    %dma_wait3A_1414 = tpu.memref_slice %arg3[%mul3A_158] : memref<524288xi32, #tpu.memory_space<hbm>> -> memref<16384xi32, #tpu.memory_space<hbm>>
    %dma_wait3A_1415 = tpu.memref_slice %arg3[%mul3A_158] : memref<524288xi32, #tpu.memory_space<hbm>> -> memref<16384xi32, #tpu.memory_space<hbm>>
    tpu.wait_dma2 semaphore(%arg8 : memref<!tpu.dma_semaphore, #tpu.memory_space<semaphore_mem>>) src(%arg5 : memref<16384xi32, #tpu.memory_space<vmem>>) dst(%dma_wait3A_1415 : memref<16384xi32, #tpu.memory_space<hbm>>)
    return
  }
}

</mosaic_0001>

<sc_bundles>
// kernel: kernel.3.cloned.1.call-start
scs
__scs_entry_jumppad:
0x0: {  	(pc) =	sbr.rel $0x88, $3  }
0x1: {  	(tag) =	ssettag $0x0;
	lr =	simm.s32 $0x1  }
0x2: {  	[smem:$0x3FA0] =	sst lr;
	_ =	strace $0xD0000000  }
0x3: {  	_ = 	snop  }
0x4: {  	_ = 	snop  }
0x5: {  	_ = 	snop  }
0x6: {  	_ = 	snop  }
0x7: {  	_ = 	snop  }
__scs_overlays_trampoline_lowered:
0x8: {  	[smem:$0x3FAF] =	sst s0  }
0x9: {  	[smem:$0x3FB0] =	sst s1  }
0xa: {  	[smem:$0x3FB1] =	sst s2  }
0xb: {  	[smem:$0x3FB2] =	sst s3  }
0xc: {  	[smem:$0x3FB3] =	sst s4  }
0xd: {  	[smem:$0x3FB4] =	sst s5  }
0xe: {  	[smem:$0x3FB5] =	sst s6  }
0xf: {  	[smem:$0x3FB6] =	sst s7  }
0x10: {  	[smem:$0x3FB7] =	sst s8  }
0x11: {  	[smem:$0x3FB8] =	sst s9;
	s0 =	simm.s32 @!p0 $0x0  }
0x12: {  	s1 =	sld [smem:$0x3F9E];
	s0 =	simm.s32 @p0 $0x1  }
0x13: {  	[smem:$0x3FB9] =	sst s0;
	s0 =	simm.s32 @!p1 $0x0  }
0x14: {  	s2 =	sld [smem:$0x3F9D];
	s0 =	simm.s32 @p1 $0x1  }
0x15: {  	[smem:$0x3FBA] =	sst s0;
	s0 =	simm.s32 @!p2 $0x0  }
0x16: {  	s3 =	sld [smem:$0x3FDB];
	s0 =	simm.s32 @p2 $0x1  }
0x17: {  	s4 =	simm.s32 $0x1BF5;
	[smem:$0x3FBC] =	sst s0  }
0x18: {  	s0 =	sld [smem:$0x3F9F];
	_ =	swait.ge [sflag:s4], $0x0  }
0x19: {  	s7 =	sld [smem:$0x3FA0]  }
0x1a: {  	s8 =	sadd.s32 $0xFFFFE003, lr  }
0x1b: {  	s9 =	sadd.s32 $0xFFFFFEF7, lr;
	s5 =	simm.s32 $0xFFFFFFFF;
	p2 =	slt.u32 s8, $0xFFFFF086  }
0x1c: {  	p1 =	slt.u32 s9, $0xF7A;
	s5 =	simm.s32 @!p2 $0x0  }
0x1d: {  	s5 =	simm.s32 @p1 $0x1;
	p0 =	seq.s32 s7, s2  }
0x1e: {  	s7 =	smul.u32 @!p0 $0xF7A, s2;
	p2 =	seq.s32 @!p0 s5, $0x0  }
0x1f: {  	s9 =	smul.u32 $0xF7A, s1;
	s8 =	simm.s32 @!p0 $0x1BF5;
	p2 =	por !p2, p0  }
0x20: {  	[sflag:s8] =	ssyncset.s32 @!p0 $0xFFFFF086;
	s6 =	sadd.s32 @!p0 s3, s7;
	s7 =	simm.s32 @!p0 $0x108  }
0x21: {  	s3 =	sadd.s32 s3, s9;
	s6 =	sadd.s32 @!p0 $0x88, s6;
	s7 =	simm.s32 @p2 $0x1082  }
0x22: {  	[simem:s7], [sflag:s8] =	dma.local @!p0 [hbm:s6], $0xF7A  }
0x23: {  	s9 =	sor.u32 $0xD0000000, s2;
	s6 =	simm.s32 $0x108;
	_ =	swait.ge @!p0 [sflag:s8], $0x0  }
0x24: {  	s3 =	sadd.s32 $0x88, s3;
	s6 =	simm.s32 @!p1 $0x1082;
	[sflag:s4] =	ssyncset.s32 $0xFFFFF086  }
0x25: {  	[simem:s6], [sflag:s4] =	dma.local [hbm:s3], $0xF7A  }
0x26: {  	[smem:$0x3FA0] =	sst s1;
	(tag) =	ssettag s2;
	_ =	strace s9  }
0x27: {  	s1 =	sld [smem:$0x3FB0]  }
0x28: {  	s2 =	sld [smem:$0x3FB1]  }
0x29: {  	s4 =	sld [smem:$0x3FB3]  }
0x2a: {  	p0 =	seq.s32 s5, $0x0;
	s5 =	sld [smem:$0x3FB4]  }
0x2b: {  	s6 =	sld [smem:$0x3FB5]  }
0x2c: {  	s7 =	sld [smem:$0x3FB6]  }
0x2d: {  	s3 =	simm.s32 $0x108;
	s8 =	sld [smem:$0x3FB7]  }
0x2e: {  	s3 =	simm.s32 @!p0 $0x1082;
	s9 =	sld [smem:$0x3FB8]  }
0x2f: {  	lr =	sadd.s32 s0, s3;
	s0 =	sld [smem:$0x3FAF]  }
0x30: {  	s3 =	sld [smem:$0x3FB2]  }
0x31: {  	[smem:$0x3FBB] =	sst s10  }
0x32: {  	s10 =	sld [smem:$0x3FB9];
	_ =	sdelay $0x3  }
0x33: {  	p0 =	seq.s32 s10, $0x1;
	s10 =	sld [smem:$0x3FBB];
	_ =	sdelay $0x3  }
0x34: {  	[smem:$0x3FBB] =	sst s10  }
0x35: {  	s10 =	sld [smem:$0x3FBA];
	_ =	sdelay $0x3  }
0x36: {  	p1 =	seq.s32 s10, $0x1;
	s10 =	sld [smem:$0x3FBB];
	_ =	sdelay $0x3  }
0x37: {  	[smem:$0x3FBB] =	sst s10  }
0x38: {  	s10 =	sld [smem:$0x3FBC]  }
0x39: {  	_ = 	snop;
	(pc) =	sbr.ind lr, $3  }
0x3a: {  	_ = 	snop  }
0x3b: {  	_ = 	snop  }
0x3c: {  	p2 =	seq.s32 s10, $0x1;
	s10 =	sld [smem:$0x3FBB]  }
0x3d: {  	_ =	shalt  }
0x3e: {  	_ =	shalt  }
0x3f: {  	_ =	shalt  }
0x40: {  	_ =	shalt  }
0x41: {  	_ =	shalt  }
0x42: {  	_ =	shalt  }
0x43: {  	_ =	shalt  }
0x44: {  	_ =	shalt  }
0x45: {  	_ =	shalt  }
0x46: {  	_ =	shalt  }
0x47: {  	_ =	shalt  }
0x48: {  	_ =	shalt  }
0x49: {  	_ =	shalt  }
0x4a: {  	_ =	shalt  }
0x4b: {  	_ =	shalt  }
0x4c: {  	_ =	shalt  }
0x4d: {  	_ =	shalt  }
0x4e: {  	_ =	shalt  }
0x4f: {  	_ =	shalt  }
0x50: {  	_ =	shalt  }
0x51: {  	_ =	shalt  }
0x52: {  	_ =	shalt  }
0x53: {  	_ =	shalt  }
0x54: {  	_ =	shalt  }
0x55: {  	_ =	shalt  }
0x56: {  	_ =	shalt  }
0x57: {  	_ =	shalt  }
0x58: {  	_ =	shalt  }
0x59: {  	_ =	shalt  }
0x5a: {  	_ =	shalt  }
0x5b: {  	_ =	shalt  }
0x5c: {  	_ =	shalt  }
0x5d: {  	_ =	shalt  }
0x5e: {  	_ =	shalt  }
0x5f: {  	_ =	shalt  }
0x60: {  	_ =	shalt  }
0x61: {  	_ =	shalt  }
0x62: {  	_ =	shalt  }
0x63: {  	_ =	shalt  }
0x64: {  	_ =	shalt  }
0x65: {  	_ =	shalt  }
0x66: {  	_ =	shalt  }
0x67: {  	_ =	shalt  }
0x68: {  	_ =	shalt  }
0x69: {  	_ =	shalt  }
0x6a: {  	_ =	shalt  }
0x6b: {  	_ =	shalt  }
0x6c: {  	_ =	shalt  }
0x6d: {  	_ =	shalt  }
0x6e: {  	_ =	shalt  }
0x6f: {  	_ =	shalt  }
0x70: {  	_ =	shalt  }
0x71: {  	_ =	shalt  }
0x72: {  	_ =	shalt  }
0x73: {  	_ =	shalt  }
0x74: {  	_ =	shalt  }
0x75: {  	_ =	shalt  }
0x76: {  	_ =	shalt  }
0x77: {  	_ =	shalt  }
0x78: {  	_ =	shalt  }
0x79: {  	_ =	shalt  }
0x7a: {  	_ =	shalt  }
0x7b: {  	_ =	shalt  }
0x7c: {  	_ =	shalt  }
0x7d: {  	_ =	shalt  }
0x7e: {  	_ =	shalt  }
0x7f: {  	_ =	shalt  }
0x80: {  	_ =	shalt  }
0x81: {  	_ =	shalt  }
0x82: {  	_ =	shalt  }
0x83: {  	_ =	shalt  }
0x84: {  	_ =	shalt  }
0x85: {  	_ =	shalt  }
0x86: {  	_ =	shalt  }
0x87: {  	_ =	shalt  }
.Lfunc_end0:
.L_simem_size_0:
called_computation_lowered:
.L_overlay_start_0:
0x88: {  	s2 =	sld [smem:$0x3FD9]  }
0x89: {  	s3 =	sld [smem:$0x3FFE];
	_ =	sdelay $0x1  }
0x8a: {  	s1 =	srdreg.scid  }
0x8b: {  	s0 =	sand.u32 $0x1, s1  }
0x8c: {  	s15 =	sshll.u32 s0, $0xA;
	s2 =	sadd.s32 s3, s2  }
0x8d: {  	s2 =	sadd.s32 s2, s15  }
0x8e: {  	[smem:$0x3FC7] =	sst s2  }
0x8f: {  	_ = 	snop  }
0x90: {  	s2 =	sld [smem:$0x3FD0];
	_ =	sdelay $0x2  }
0x91: {  	s4 =	simm.s32 $0xA;
	s5 =	simm.s32 $0x10;
	s16 =	sld [smem:$0x3FC9]  }
0x92: {  	[smem:s5], [sflag:s4] =	dma.local [hbm:s2], $0x1  }
0x93: {  	_ =	swait.eq [sflag:s4], $0x1  }
0x94: {  	[sflag:s4] =	ssyncset.done $0x0  }
0x95: {  	s17 =	sld [smem:$0x10];
	[sflag:s4] =	ssyncadd.s32 $0xFFFFFFFF  }
0x96: {  	s18 =	sld [smem:$0x11];
	(tm) =	ssettm $0x1  }
0x97: {  	s19 =	sld [smem:$0x3FFB];
	_ =	sdelay $0x3  }
0x98: {  	_ =	strace s19  }
0x99: {  	s5 =	sld [smem:$0x3FFC];
	_ =	sdelay $0x3  }
0x9a: {  	_ =	strace s5  }
0x9b: {  	s5 =	sld [smem:$0x3FFD];
	_ =	sdelay $0x3  }
0x9c: {  	_ =	strace s5  }
0x9d: {  	_ =	strace $0x8FFFFFFF  }
0x9e: {  	s20 =	sld [smem:$0x3FDB];
	_ =	sdelay $0x1  }
0x9f: {  	s6 =	simm.s32 $_scs_section_size  }
0xa0: {  	s7 =	simm.s32 $_size__tile_overlayer_lowered;
	s8 =	simm.s32 $_tile_overlayer_lowered  }
0xa1: {  	s23 =	simm.s32 $0x1BFF;
	s22 =	sshll.u32 s8, $0x1;
	s5 =	sadd.s32 s6, s20  }
0xa2: {  	s9 =	simm.s32 $0x0;
	s21 =	sshll.u32 s7, $0x1;
	s7 =	sadd.s32 s22, s5  }
0xa3: {  	[timem:s9], [sflag:s23] =	dma.local [hbm:s7], s21  }
0xa4: {  	_ =	swait.ge [sflag:s23], s21  }
0xa5: {  	s6 =	ssub.s32 $0x0, s21;
	[sflag:s23] =	ssyncset.done $0x0  }
0xa6: {  	[sflag:s23] =	ssyncadd.s32 s6;
	_ =	sdelay $0x1  }
0xa7: {  	s24 =	simm.s32 $0x1B8B  }
0xa8: {  	_ =	swait.ge [sflag:s24], $0x1  }
0xa9: {  	[sflag:s24] =	ssyncset.done $0x0  }
0xaa: {  	s25 =	simm.s32 $0x1B8E;
	[sflag:s24] =	ssyncadd.s32 $0xFFFFFFFF  }
0xab: {  	s26 =	simm.s32 $execute0_lowered;
	[smem:$0x3FD2] =	sst s25  }
0xac: {  	s6 =	sshll.u32 s26, $0x1;
	_ =	strace $0x80000046;
	[dreg:$0x1] =	wrdreg $0xFFFFFFFF  }
0xad: {  	s28 =	simm.s32 $_size_execute0_lowered;
	s5 =	sadd.s32 s5, s6;
	[dreg:$0x0] =	wrdreg $0x0  }
0xae: {  	s6 =	sshll.u32 s28, $0x1;
	[dreg:$0x2] =	wrdreg s5  }
0xaf: {  	[dreg:$0x3] =	wrdreg s6  }
0xb0: {  	[dreg:$0x4] =	wrdreg $0xC0  }
0xb1: {  	_ =	task [dreg:s9], $0x5FFFF  }
0xb2: {  	[dreg:$0x1] =	wrdreg $0xFFFFFFFF  }
0xb3: {  	[dreg:$0x0] =	wrdreg $0x60  }
0xb4: {  	[dreg:$0x2] =	wrdreg s16  }
0xb5: {  	[dreg:$0x3] =	wrdreg s17  }
0xb6: {  	[dreg:$0x4] =	wrdreg s18  }
0xb7: {  	[dreg:$0x5] =	wrdreg $0x9  }
0xb8: {  	_ =	task.clear_ibuf [dreg:s9], $0x6FFFF;
	_ =	strace $0x90000046  }
0xb9: {  	s29 =	simm.s32 $0x9;
	_ =	strace $0x80000048  }
0xba: {  	_ =	swait.ge [sflag:s29], $0x1  }
0xbb: {  	[sflag:s29] =	ssyncadd.s32 $0xFFFFFFFF  }
0xbc: {  	_ =	strace $0x90000048  }
0xbd: {  	_ =	sfence  }
0xbe: {  	s30 =	sld [smem:$0x0];
	_ =	sdelay $0x2  }
0xbf: {  	s31 =	sshll.u32 s1, $0xD;
	s1 =	sshrl.u32 s1, $0x2  }
0xc0: {  	s3 =	sand.u32 $0x4000, s31;
	s1 =	sadd.s32 s1, s30  }
0xc1: {  	s0 =	sor.u32 s3, s0;
	s1 =	sshll.u32 s1, $0x11  }
0xc2: {  	s0 =	sor.u32 s1, s0  }
0xc3: {  	s0 =	sadd.s32 $0x8F2B, s0  }
0xc4: {  	[sflag:s0] =	ssyncadd.remote.s32 $0x1  }
0xc5: {  	_ =	sfence.sel $0xFFFF  }
0xc6: {  	[dreg:$0x0] =	wrdreg $0xFFFFFFFF;
	(pc) =	sbr.abs _section_cstart, $3  }
0xc7: {  	[dreg:$0x1] =	wrdreg $0xFFFFFFFF  }
0xc8: {  	_ =	task.clear_ibuf [dreg:s9], $0x2FFFF;
	_ =	strace $0x9FFFFFFF  }
0xc9: {  	(tm) =	ssettm $0x7FFFFFFF  }
tec
execute0_lowered:
.L_overlay_start_1:
0x0: {  	(tag) =	ssettag $0x1  }
0x1: {  	s0 =	rddreg [dreg:$0x0]  }
0x2: {  	s1 =	rddreg [dreg:$0x1];
	s2 =	srdreg.scid  }
0x3: {  	s14 =	stileid.u32;
	s3 =	rddreg [dreg:$0x2]  }
0x4: {  	s4 =	sand.u32 $0x1, s2;
	s5 =	sshll.u32 s14, $0x1;
	s2 =	simm.s32 $0x0  }
0x5: {  	s5 =	sor.u32 s4, s5;
	[smem:$0x7FF] =	sst s2;
	s6 =	ssub.s32 $0x2, s4  }
0x6: {  	s7 =	sshll.u32 s5, $0xA;
	_ =	strace $0x80000047;
	s8 =	sshrl.u32 s6, $0x1  }
0x7: {  	s5 =	sshll.u32 s5, $0xB;
	s9 =	sor.u32 $0x200, s7;
	s23 =	sadd.s32 s0, s7  }
0x8: {  	s6 =	ssub.s32 s6, s8;
	s15 =	sadd.s32 s1, s5;
	[dreg:$0x4] =	wrdreg s23  }
0x9: {  	s10 =	sor.u32 $0x8000, s7;
	s24 =	sadd.s32 s0, s9;
	[dreg:$0xa] =	wrdreg s15  }
0xa: {  	s11 =	sor.u32 $0x8200, s7;
	s25 =	sadd.s32 s0, s10;
	[dreg:$0x5] =	wrdreg s24  }
0xb: {  	s12 =	sor.u32 $0x10000, s7;
	s26 =	sadd.s32 s0, s11;
	[dreg:$0x6] =	wrdreg s25  }
0xc: {  	s8 =	sadd.s32 s3, s7;
	s13 =	sadd.s32 s0, s12;
	[dreg:$0x7] =	wrdreg s26  }
0xd: {  	s16 =	sadd.s32 $0x40, s8;
	[dreg:$0x8] =	wrdreg s13  }
0xe: {  	s17 =	sadd.s32 $0x80, s8;
	[dreg:$0xb] =	wrdreg s16  }
0xf: {  	s18 =	sadd.s32 $0xC0, s8;
	[dreg:$0xc] =	wrdreg s17  }
0x10: {  	s19 =	sadd.s32 $0x100, s8;
	[dreg:$0xd] =	wrdreg s18  }
0x11: {  	s20 =	sadd.s32 $0x140, s8;
	[dreg:$0xe] =	wrdreg s19  }
0x12: {  	s21 =	sadd.s32 $0x180, s8;
	[dreg:$0xf] =	wrdreg s20  }
0x13: {  	s22 =	sadd.s32 s3, s9;
	[dreg:$0x10] =	wrdreg s21  }
0x14: {  	s23 =	sadd.s32 s3, s10;
	[dreg:$0x11] =	wrdreg s22  }
0x15: {  	s9 =	sadd.s32 $0x240, s8;
	[dreg:$0x12] =	wrdreg s23  }
0x16: {  	s10 =	smax.u32 s6, $0x1;
	[dreg:$0x18] =	wrdreg s9  }
0x17: {  	s1 =	sshll.u32 s14, $0x7;
	s14 =	sadd.s32 $0x340, s8;
	[dreg:$0x19] =	wrdreg s10  }
0x18: {  	s5 =	sshll.u32 s4, $0x6;
	s15 =	sadd.s32 $0x380, s8;
	[dreg:$0x1d] =	wrdreg s14  }
0x19: {  	s28 =	sadd.s32 $0x10300, s8;
	s24 =	sadd.s32 s3, s11;
	[dreg:$0x1e] =	wrdreg s15  }
0x1a: {  	s29 =	sadd.s32 $0x10340, s8;
	s25 =	sadd.s32 s3, s12;
	[dreg:$0x13] =	wrdreg s24  }
0x1b: {  	s13 =	sor.u32 $0x10200, s7;
	s7 =	sadd.s32 $0x1C0, s8;
	[dreg:$0x14] =	wrdreg s25  }
0x1c: {  	s30 =	sadd.s32 $0x10380, s8;
	s11 =	sadd.s32 $0x280, s8;
	[dreg:$0x16] =	wrdreg s7  }
0x1d: {  	s31 =	sadd.s32 $0x103C0, s8;
	s12 =	sadd.s32 $0x2C0, s8;
	[dreg:$0x1a] =	wrdreg s11  }
0x1e: {  	s6 =	simm.s32 $0x4000;
	s16 =	sadd.s32 $0x3C0, s8;
	[dreg:$0x1b] =	wrdreg s12  }
0x1f: {  	s17 =	sadd.s32 $0x8040, s8;
	s18 =	sadd.s32 $0x8080, s8;
	[dreg:$0x1f] =	wrdreg s16  }
0x20: {  	s19 =	sadd.s32 $0x80C0, s8;
	s20 =	sadd.s32 $0x8100, s8;
	[smem:$0x7F4] =	sst s17  }
0x21: {  	s21 =	sadd.s32 $0x8140, s8;
	s22 =	sadd.s32 $0x8180, s8;
	[smem:$0x7F5] =	sst s18  }
0x22: {  	s23 =	sadd.s32 $0x81C0, s8;
	s14 =	sadd.s32 $0x83C0, s8;
	[smem:$0x7F6] =	sst s19  }
0x23: {  	s15 =	sadd.s32 $0x10040, s8;
	s9 =	simm.s32 $0x6000;
	[smem:$0x7F7] =	sst s20  }
0x24: {  	s10 =	simm.s32 $0x8000;
	s0 =	sadd.s32 s0, s13;
	[smem:$0x7F8] =	sst s21  }
0x25: {  	s26 =	sadd.s32 s3, s13;
	s13 =	sadd.s32 $0x300, s8;
	[smem:$0x7F9] =	sst s22  }
0x26: {  	[smem:$0x7FA] =	sst s23;
	s24 =	sadd.s32 $0x8240, s8;
	s25 =	sadd.s32 $0x8280, s8  }
0x27: {  	s11 =	sadd.s32 $0x8300, s8;
	s12 =	sadd.s32 $0x8340, s8;
	s16 =	sadd.s32 $0x10080, s8  }
0x28: {  	s17 =	sadd.s32 $0x100C0, s8;
	s18 =	sadd.s32 $0x10100, s8;
	[dreg:$0x9] =	wrdreg s0  }
0x29: {  	s19 =	sadd.s32 $0x10140, s8;
	s20 =	sadd.s32 $0x10180, s8;
	[dreg:$0x15] =	wrdreg s26  }
0x2a: {  	s21 =	sadd.s32 $0x101C0, s8;
	s22 =	sadd.s32 $0x10240, s8;
	[dreg:$0x1c] =	wrdreg s13  }
0x2b: {  	s7 =	simm.s32 $0x5000;
	s3 =	simm.s32 $0x0;
	[smem:$0x7FB] =	sst s24  }
0x2c: {  	v0 =	vlaneseq.u32;
	s0 =	sor.u32 s5, s1;
	[smem:$0x7FC] =	sst s25;
	s26 =	sadd.s32 $0x82C0, s8  }
0x2d: {  	v1 =	vor.u32 $0x10, v0;
	s13 =	sadd.s32 $0x8380, s8;
	s24 =	sadd.s32 $0x10280, s8;
	s5 =	simm.s32 $0x7000  }
0x2e: {  	v2 =	vor.u32 $0x20, v0;
	v3 =	vor.u32 $0x30, v0;
	v4 =	vor.u32 $0x40, v0;
	s25 =	simm.s32 $0x9000;
	s1 =	simm.s32 $0x1;
	[dreg:$0x17] =	wrdreg s0  }
0x2f: {  	v5 =	vor.u32 $0x50, v0;
	v6 =	vor.u32 $0x60, v0;
	v7 =	vor.u32 $0x70, v0;
	[smem:$0x7FD] =	sst s26;
	s26 =	sadd.s32 $0x102C0, s8;
	s0 =	simm.s32 $0x3  }
.LBB2_1:
0x30: {  	s4 =	rddreg [dreg:$0x4]  }
0x31: {  	[tilespmem:s6], [sflag:$0x1] =	stream.linear.gather [hbm4b:s4+s2], $0x1000, $0x38;
	[tilespmem:$0xA000] =	vst v63  }
0x32: {  	s23 =	rddreg [dreg:$0x5]  }
0x33: {  	[tilespmem:s7], [sflag:$0x1] =	stream.linear.gather [hbm4b:s23+s2], $0x1000, $0x38;
	[tilespmem:$0xA000] =	vst v63  }
0x34: {  	s6 =	rddreg [dreg:$0x6]  }
0x35: {  	[tilespmem:s9], [sflag:$0x1] =	stream.linear.gather [hbm4b:s6+s2], $0x1000, $0x38;
	[tilespmem:$0xA000] =	vst v63  }
0x36: {  	s7 =	rddreg [dreg:$0x7]  }
0x37: {  	[tilespmem:s5], [sflag:$0x1] =	stream.linear.gather [hbm4b:s7+s2], $0x1000, $0x38;
	[tilespmem:$0xA000] =	vst v63  }
0x38: {  	s9 =	rddreg [dreg:$0x8]  }
0x39: {  	[tilespmem:s10], [sflag:$0x1] =	stream.linear.gather [hbm4b:s9+s2], $0x1000, $0x38;
	[tilespmem:$0xA000] =	vst v63  }
0x3a: {  	s9 =	rddreg [dreg:$0x17]  }
0x3b: {  	s4 =	simm.s32 $0x80;
	s23 =	rddreg [dreg:$0x9];
	s10 =	sshrl.u32 s9, $0x2  }
0x3c: {  	[tilespmem:s25], [sflag:$0x1] =	stream.linear.gather [hbm4b:s23+s2], $0x1000, $0x38;
	v8 =	vmov s10;
	[tilespmem:$0xA000] =	vst v63  }
0x3d: {  	[tilespmem:s4+$0xFFFFFF80] =	vst v8  }
0x3e: {  	[tilespmem:s4+$0xFFFFFF90] =	vst v8  }
0x3f: {  	[tilespmem:s4+$0xFFFFFFA0] =	vst v8  }
0x40: {  	[tilespmem:s4+$0xFFFFFFB0] =	vst v8  }
0x41: {  	[tilespmem:s4+$0xFFFFFFC0] =	vst v8  }
0x42: {  	s25 =	sand.u32 $0x180, s2;
	[tilespmem:s4+$0xFFFFFFD0] =	vst v8  }
0x43: {  	v9 =	vor.u32 s25, v7;
	[tilespmem:s4+$0xFFFFFFE0] =	vst v8  }
0x44: {  	v10 =	vor.u32 s25, v6;
	[tilespmem:s4+$0x70] =	vst v9  }
0x45: {  	v9 =	vor.u32 s25, v0;
	[tilespmem:s4+$0x60] =	vst v10  }
0x46: {  	[tilespmem:s4+$0x0] =	vst v9;
	v9 =	vor.u32 s25, v1  }
0x47: {  	[tilespmem:s4+$0x10] =	vst v9;
	v9 =	vor.u32 s25, v2  }
0x48: {  	[tilespmem:s4+$0x20] =	vst v9;
	v9 =	vor.u32 s25, v3  }
0x49: {  	s5 =	sadd.s32 $0x1, s9;
	[tilespmem:s4+$0x30] =	vst v9;
	v9 =	vor.u32 s25, v4  }
0x4a: {  	s23 =	simm.s32 $0x80;
	[tilespmem:s4+$0x40] =	vst v9;
	v9 =	vor.u32 s25, v5;
	s25 =	sshrl.u32 s5, $0x2  }
0x4b: {  	s6 =	simm.s32 $0x100;
	s7 =	sand.u32 $0x180, s23;
	[tilespmem:s4+$0x50] =	vst v9;
	v9 =	vmov s25  }
.LBB2_2:
0x4c: {  	p0 =	sne.s32 s6, $0x1F80;
	v10 =	vor.u32 s7, v0;
	v11 =	vor.u32 s7, v1;
	v12 =	vor.u32 s7, v7;
	[tilespmem:s4+$0xFFFFFFF0] =	vst v8;
	s4 =	sadd.s32 $0x100, s4;
	v8 =	vmovc v9  }
0x4d: {  	v9 =	vor.u32 s7, v2;
	v13 =	vor.u32 s7, v3;
	v14 =	vor.u32 s7, v4;
	[tilespmem:s4+$0x70] =	vst v12  }
0x4e: {  	v15 =	vor.u32 s7, v6;
	v12 =	vor.u32 s7, v5;
	[tilespmem:s4+$0xFFFFFF80] =	vst v8  }
0x4f: {  	[tilespmem:s4+$0x0] =	vst v10  }
0x50: {  	[tilespmem:s4+$0xFFFFFF90] =	vst v8  }
0x51: {  	[tilespmem:s4+$0x10] =	vst v11  }
0x52: {  	[tilespmem:s4+$0xFFFFFFA0] =	vst v8  }
0x53: {  	[tilespmem:s4+$0x20] =	vst v9  }
0x54: {  	[tilespmem:s4+$0xFFFFFFB0] =	vst v8  }
0x55: {  	[tilespmem:s4+$0x30] =	vst v13  }
0x56: {  	[tilespmem:s4+$0xFFFFFFC0] =	vst v8  }
.Ltmp0:
0x57: {  	[tilespmem:s4+$0x40] =	vst v14;
	(pc) =	sbr.rel @p0 .LBB2_2-.Ltmp0, $4  }
0x58: {  	[tilespmem:s4+$0xFFFFFFD0] =	vst v8  }
0x59: {  	s5 =	sadd.s32 $0x1, s5;
	[tilespmem:s4+$0x50] =	vst v12  }
0x5a: {  	s9 =	sshrl.u32 s5, $0x2;
	[tilespmem:s4+$0xFFFFFFE0] =	vst v8  }
0x5b: {  	s7 =	sand.u32 $0x180, s6;
	s6 =	sadd.s32 $0x80, s6;
	v9 =	vmov s9;
	[tilespmem:s4+$0x60] =	vst v15  }
0x5c: {  	v10 =	vor.u32 s7, v7;
	[tilespmem:s4+$0xFFFFFFF0] =	vst v8;
	s5 =	sadd.s32 $0x100, s4  }
0x5d: {  	[tilespmem:s5+$0x70] =	vst v10  }
0x5e: {  	v8 =	vor.u32 s7, v0;
	[tilespmem:s5+$0xFFFFFF80] =	vst v9  }
0x5f: {  	[tilespmem:s5+$0x0] =	vst v8  }
0x60: {  	[tilespmem:s5+$0xFFFFFF90] =	vst v9  }
0x61: {  	[tilespmem:s5+$0xFFFFFFA0] =	vst v9  }
0x62: {  	[tilespmem:s5+$0xFFFFFFB0] =	vst v9  }
0x63: {  	[tilespmem:s5+$0xFFFFFFC0] =	vst v9  }
0x64: {  	[tilespmem:s5+$0xFFFFFFD0] =	vst v9  }
0x65: {  	[tilespmem:s5+$0xFFFFFFE0] =	vst v9  }
0x66: {  	v8 =	vor.u32 s7, v1;
	[tilespmem:s5+$0xFFFFFFF0] =	vst v9  }
0x67: {  	[tilespmem:s5+$0x10] =	vst v8;
	v8 =	vor.u32 s7, v2  }
0x68: {  	[tilespmem:s5+$0x20] =	vst v8;
	v8 =	vor.u32 s7, v3  }
0x69: {  	[tilespmem:s5+$0x30] =	vst v8;
	v8 =	vor.u32 s7, v4  }
0x6a: {  	[tilespmem:s5+$0x40] =	vst v8;
	v8 =	vor.u32 s7, v5  }
0x6b: {  	[tilespmem:s5+$0x50] =	vst v8;
	v8 =	vor.u32 s7, v6  }
0x6c: {  	s6 =	rddreg [dreg:$0xa];
	[tilespmem:s5+$0x60] =	vst v8  }
0x6d: {  	[hbm4b:s6+s2] =	stream.linear.scatter [tilespmem:s2], [sflag:$0x2], $0x4000, $0x38;
	[tilespmem:$0xA000] =	vst v63  }
0x6e: {  	_ =	swait.ge [sflag:s1], $0x1000  }
0x6f: {  	[sflag:s1] =	ssyncset.done $0x0  }
0x70: {  	s6 =	simm.s32 $0x4000;
	[sflag:s1] =	ssyncadd.s32 $0xFFFFF000  }
0x71: {  	[hbm4b:s8+s2] =	stream.linear.scatter [tilespmem:s6], [sflag:$0x3], $0x80, $0x38;
	[tilespmem:$0xA000] =	vst v63  }
0x72: {  	s7 =	sadd.s32 $0x10, s8;
	s5 =	simm.s32 $0x4400  }
0x73: {  	[hbm4b:s7+s2] =	stream.linear.scatter [tilespmem:s5], [sflag:$0x3], $0x80, $0x38;
	[tilespmem:$0xA000] =	vst v63  }
0x74: {  	s9 =	sadd.s32 $0x20, s8;
	s10 =	simm.s32 $0x4800  }
0x75: {  	[hbm4b:s9+s2] =	stream.linear.scatter [tilespmem:s10], [sflag:$0x3], $0x80, $0x38;
	[tilespmem:$0xA000] =	vst v63  }
0x76: {  	s23 =	sadd.s32 $0x30, s8;
	s25 =	simm.s32 $0x4C00  }
0x77: {  	[hbm4b:s23+s2] =	stream.linear.scatter [tilespmem:s25], [sflag:$0x3], $0x80, $0x38;
	[tilespmem:$0xA000] =	vst v63  }
0x78: {  	s5 =	rddreg [dreg:$0xb];
	s7 =	simm.s32 $0x4080  }
0x79: {  	[hbm4b:s5+s2] =	stream.linear.scatter [tilespmem:s7], [sflag:$0x3], $0x80, $0x38;
	[tilespmem:$0xA000] =	vst v63  }
0x7a: {  	s9 =	sadd.s32 $0x10, s5;
	s10 =	simm.s32 $0x4480  }
0x7b: {  	[hbm4b:s9+s2] =	stream.linear.scatter [tilespmem:s10], [sflag:$0x3], $0x80, $0x38;
	[tilespmem:$0xA000] =	vst v63  }
0x7c: {  	s23 =	sadd.s32 $0x20, s5;
	s25 =	simm.s32 $0x4880  }
0x7d: {  	[hbm4b:s23+s2] =	stream.linear.scatter [tilespmem:s25], [sflag:$0x3], $0x80, $0x38;
	[tilespmem:$0xA000] =	vst v63  }
0x7e: {  	s7 =	sadd.s32 $0x30, s5;
	s9 =	simm.s32 $0x4C80  }
0x7f: {  	[hbm4b:s7+s2] =	stream.linear.scatter [tilespmem:s9], [sflag:$0x3], $0x80, $0x38;
	[tilespmem:$0xA000] =	vst v63  }
0x80: {  	s5 =	rddreg [dreg:$0xc];
	s10 =	simm.s32 $0x4100  }
0x81: {  	[hbm4b:s5+s2] =	stream.linear.scatter [tilespmem:s10], [sflag:$0x3], $0x80, $0x38;
	[tilespmem:$0xA000] =	vst v63  }
0x82: {  	s23 =	sadd.s32 $0x10, s5;
	s25 =	simm.s32 $0x4500  }
0x83: {  	[hbm4b:s23+s2] =	stream.linear.scatter [tilespmem:s25], [sflag:$0x3], $0x80, $0x38;
	[tilespmem:$0xA000] =	vst v63  }
0x84: {  	s9 =	sadd.s32 $0x20, s5;
	s10 =	simm.s32 $0x4900  }
0x85: {  	[hbm4b:s9+s2] =	stream.linear.scatter [tilespmem:s10], [sflag:$0x3], $0x80, $0x38;
	[tilespmem:$0xA000] =	vst v63  }
0x86: {  	s23 =	sadd.s32 $0x30, s5;
	s25 =	simm.s32 $0x4D00  }
0x87: {  	[hbm4b:s23+s2] =	stream.linear.scatter [tilespmem:s25], [sflag:$0x3], $0x80, $0x38;
	[tilespmem:$0xA000] =	vst v63  }
0x88: {  	s7 =	simm.s32 $0x4180;
	s5 =	rddreg [dreg:$0xd]  }
0x89: {  	[hbm4b:s5+s2] =	stream.linear.scatter [tilespmem:s7], [sflag:$0x3], $0x80, $0x38;
	[tilespmem:$0xA000] =	vst v63  }
0x8a: {  	s9 =	sadd.s32 $0x10, s5;
	s10 =	simm.s32 $0x4580  }
0x8b: {  	[hbm4b:s9+s2] =	stream.linear.scatter [tilespmem:s10], [sflag:$0x3], $0x80, $0x38;
	[tilespmem:$0xA000] =	vst v63  }
0x8c: {  	s23 =	sadd.s32 $0x20, s5;
	s25 =	simm.s32 $0x4980  }
0x8d: {  	[hbm4b:s23+s2] =	stream.linear.scatter [tilespmem:s25], [sflag:$0x3], $0x80, $0x38;
	[tilespmem:$0xA000] =	vst v63  }
0x8e: {  	s7 =	sadd.s32 $0x30, s5;
	s9 =	simm.s32 $0x4D80  }
0x8f: {  	[hbm4b:s7+s2] =	stream.linear.scatter [tilespmem:s9], [sflag:$0x3], $0x80, $0x38;
	[tilespmem:$0xA000] =	vst v63  }
0x90: {  	s5 =	rddreg [dreg:$0xe];
	s10 =	simm.s32 $0x4200  }
0x91: {  	[hbm4b:s5+s2] =	stream.linear.scatter [tilespmem:s10], [sflag:$0x3], $0x80, $0x38;
	[tilespmem:$0xA000] =	vst v63  }
0x92: {  	s23 =	sadd.s32 $0x10, s5;
	s25 =	simm.s32 $0x4600  }
0x93: {  	[hbm4b:s23+s2] =	stream.linear.scatter [tilespmem:s25], [sflag:$0x3], $0x80, $0x38;
	[tilespmem:$0xA000] =	vst v63  }
0x94: {  	s9 =	sadd.s32 $0x20, s5;
	s10 =	simm.s32 $0x4A00  }
0x95: {  	[hbm4b:s9+s2] =	stream.linear.scatter [tilespmem:s10], [sflag:$0x3], $0x80, $0x38;
	[tilespmem:$0xA000] =	vst v63  }
0x96: {  	s23 =	sadd.s32 $0x30, s5;
	s25 =	simm.s32 $0x4E00  }
0x97: {  	[hbm4b:s23+s2] =	stream.linear.scatter [tilespmem:s25], [sflag:$0x3], $0x80, $0x38;
	[tilespmem:$0xA000] =	vst v63  }
0x98: {  	s7 =	simm.s32 $0x4280;
	s5 =	rddreg [dreg:$0xf]  }
0x99: {  	[hbm4b:s5+s2] =	stream.linear.scatter [tilespmem:s7], [sflag:$0x3], $0x80, $0x38;
	[tilespmem:$0xA000] =	vst v63  }
0x9a: {  	s9 =	sadd.s32 $0x10, s5;
	s10 =	simm.s32 $0x4680  }
0x9b: {  	[hbm4b:s9+s2] =	stream.linear.scatter [tilespmem:s10], [sflag:$0x3], $0x80, $0x38;
	[tilespmem:$0xA000] =	vst v63  }
0x9c: {  	s23 =	sadd.s32 $0x20, s5;
	s25 =	simm.s32 $0x4A80  }
0x9d: {  	[hbm4b:s23+s2] =	stream.linear.scatter [tilespmem:s25], [sflag:$0x3], $0x80, $0x38;
	[tilespmem:$0xA000] =	vst v63  }
0x9e: {  	s7 =	sadd.s32 $0x30, s5;
	s9 =	simm.s32 $0x4E80  }
0x9f: {  	[hbm4b:s7+s2] =	stream.linear.scatter [tilespmem:s9], [sflag:$0x3], $0x80, $0x38;
	[tilespmem:$0xA000] =	vst v63  }
0xa0: {  	s5 =	rddreg [dreg:$0x10];
	s10 =	simm.s32 $0x4300  }
0xa1: {  	[hbm4b:s5+s2] =	stream.linear.scatter [tilespmem:s10], [sflag:$0x3], $0x80, $0x38;
	[tilespmem:$0xA000] =	vst v63  }
0xa2: {  	s23 =	sadd.s32 $0x10, s5;
	s25 =	simm.s32 $0x4700  }
0xa3: {  	[hbm4b:s23+s2] =	stream.linear.scatter [tilespmem:s25], [sflag:$0x3], $0x80, $0x38;
	[tilespmem:$0xA000] =	vst v63  }
0xa4: {  	s9 =	sadd.s32 $0x20, s5;
	s10 =	simm.s32 $0x4B00  }
0xa5: {  	[hbm4b:s9+s2] =	stream.linear.scatter [tilespmem:s10], [sflag:$0x3], $0x80, $0x38;
	[tilespmem:$0xA000] =	vst v63  }
0xa6: {  	s23 =	sadd.s32 $0x30, s5;
	s25 =	simm.s32 $0x4F00  }
0xa7: {  	[hbm4b:s23+s2] =	stream.linear.scatter [tilespmem:s25], [sflag:$0x3], $0x80, $0x38;
	[tilespmem:$0xA000] =	vst v63  }
0xa8: {  	s7 =	simm.s32 $0x4380;
	s5 =	rddreg [dreg:$0x16]  }
0xa9: {  	[hbm4b:s5+s2] =	stream.linear.scatter [tilespmem:s7], [sflag:$0x3], $0x80, $0x38;
	[tilespmem:$0xA000] =	vst v63  }
0xaa: {  	s9 =	sadd.s32 $0x10, s5;
	s10 =	simm.s32 $0x4780  }
0xab: {  	[hbm4b:s9+s2] =	stream.linear.scatter [tilespmem:s10], [sflag:$0x3], $0x80, $0x38;
	[tilespmem:$0xA000] =	vst v63  }
0xac: {  	s23 =	sadd.s32 $0x20, s5;
	s25 =	simm.s32 $0x4B80  }
0xad: {  	[hbm4b:s23+s2] =	stream.linear.scatter [tilespmem:s25], [sflag:$0x3], $0x80, $0x38;
	[tilespmem:$0xA000] =	vst v63  }
0xae: {  	s7 =	sadd.s32 $0x30, s5;
	s9 =	simm.s32 $0x4F80  }
0xaf: {  	[hbm4b:s7+s2] =	stream.linear.scatter [tilespmem:s9], [sflag:$0x3], $0x80, $0x38;
	[tilespmem:$0xA000] =	vst v63  }
0xb0: {  	_ =	swait.ge [sflag:s1], $0x1000  }
0xb1: {  	[sflag:s1] =	ssyncset.done $0x0  }
0xb2: {  	s7 =	simm.s32 $0x5000;
	s5 =	rddreg [dreg:$0x11];
	[sflag:s1] =	ssyncadd.s32 $0xFFFFF000  }
0xb3: {  	[hbm4b:s5+s2] =	stream.linear.scatter [tilespmem:s7], [sflag:$0x3], $0x80, $0x38;
	[tilespmem:$0xA000] =	vst v63  }
0xb4: {  	s9 =	simm.s32 $0x5400;
	s10 =	sadd.s32 $0x10, s5  }
0xb5: {  	[hbm4b:s10+s2] =	stream.linear.scatter [tilespmem:s9], [sflag:$0x3], $0x80, $0x38;
	[tilespmem:$0xA000] =	vst v63  }
0xb6: {  	s25 =	simm.s32 $0x5800;
	s23 =	sadd.s32 $0x20, s5  }
0xb7: {  	[hbm4b:s23+s2] =	stream.linear.scatter [tilespmem:s25], [sflag:$0x3], $0x80, $0x38;
	[tilespmem:$0xA000] =	vst v63  }
0xb8: {  	s10 =	sadd.s32 $0x30, s5;
	s23 =	simm.s32 $0x5C00  }
0xb9: {  	[hbm4b:s10+s2] =	stream.linear.scatter [tilespmem:s23], [sflag:$0x3], $0x80, $0x38;
	[tilespmem:$0xA000] =	vst v63  }
0xba: {  	s5 =	rddreg [dreg:$0x18];
	s25 =	simm.s32 $0x5080  }
0xbb: {  	[hbm4b:s5+s2] =	stream.linear.scatter [tilespmem:s25], [sflag:$0x3], $0x80, $0x38;
	[tilespmem:$0xA000] =	vst v63  }
0xbc: {  	s9 =	sadd.s32 $0x10, s5;
	s10 =	simm.s32 $0x5480  }
0xbd: {  	[hbm4b:s9+s2] =	stream.linear.scatter [tilespmem:s10], [sflag:$0x3], $0x80, $0x38;
	[tilespmem:$0xA000] =	vst v63  }
0xbe: {  	s23 =	sadd.s32 $0x20, s5;
	s25 =	simm.s32 $0x5880  }
0xbf: {  	[hbm4b:s23+s2] =	stream.linear.scatter [tilespmem:s25], [sflag:$0x3], $0x80, $0x38;
	[tilespmem:$0xA000] =	vst v63  }
0xc0: {  	s10 =	sadd.s32 $0x30, s5;
	s23 =	simm.s32 $0x5C80  }
0xc1: {  	[hbm4b:s10+s2] =	stream.linear.scatter [tilespmem:s23], [sflag:$0x3], $0x80, $0x38;
	[tilespmem:$0xA000] =	vst v63  }
0xc2: {  	s5 =	rddreg [dreg:$0x1a];
	s25 =	simm.s32 $0x5100  }
0xc3: {  	[hbm4b:s5+s2] =	stream.linear.scatter [tilespmem:s25], [sflag:$0x3], $0x80, $0x38;
	[tilespmem:$0xA000] =	vst v63  }
0xc4: {  	s9 =	sadd.s32 $0x10, s5;
	s10 =	simm.s32 $0x5500  }
0xc5: {  	[hbm4b:s9+s2] =	stream.linear.scatter [tilespmem:s10], [sflag:$0x3], $0x80, $0x38;
	[tilespmem:$0xA000] =	vst v63  }
0xc6: {  	s23 =	sadd.s32 $0x20, s5;
	s25 =	simm.s32 $0x5900  }
0xc7: {  	[hbm4b:s23+s2] =	stream.linear.scatter [tilespmem:s25], [sflag:$0x3], $0x80, $0x38;
	[tilespmem:$0xA000] =	vst v63  }
0xc8: {  	s10 =	sadd.s32 $0x30, s5;
	s23 =	simm.s32 $0x5D00  }
0xc9: {  	[hbm4b:s10+s2] =	stream.linear.scatter [tilespmem:s23], [sflag:$0x3], $0x80, $0x38;
	[tilespmem:$0xA000] =	vst v63  }
0xca: {  	s5 =	rddreg [dreg:$0x1b];
	s25 =	simm.s32 $0x5180  }
0xcb: {  	[hbm4b:s5+s2] =	stream.linear.scatter [tilespmem:s25], [sflag:$0x3], $0x80, $0x38;
	[tilespmem:$0xA000] =	vst v63  }
0xcc: {  	s9 =	sadd.s32 $0x10, s5;
	s10 =	simm.s32 $0x5580  }
0xcd: {  	[hbm4b:s9+s2] =	stream.linear.scatter [tilespmem:s10], [sflag:$0x3], $0x80, $0x38;
	[tilespmem:$0xA000] =	vst v63  }
0xce: {  	s23 =	sadd.s32 $0x20, s5;
	s25 =	simm.s32 $0x5980  }
0xcf: {  	[hbm4b:s23+s2] =	stream.linear.scatter [tilespmem:s25], [sflag:$0x3], $0x80, $0x38;
	[tilespmem:$0xA000] =	vst v63  }
0xd0: {  	s10 =	sadd.s32 $0x30, s5;
	s23 =	simm.s32 $0x5D80  }
0xd1: {  	[hbm4b:s10+s2] =	stream.linear.scatter [tilespmem:s23], [sflag:$0x3], $0x80, $0x38;
	[tilespmem:$0xA000] =	vst v63  }
0xd2: {  	s5 =	rddreg [dreg:$0x1c];
	s25 =	simm.s32 $0x5200  }
0xd3: {  	[hbm4b:s5+s2] =	stream.linear.scatter [tilespmem:s25], [sflag:$0x3], $0x80, $0x38;
	[tilespmem:$0xA000] =	vst v63  }
0xd4: {  	s9 =	sadd.s32 $0x10, s5;
	s10 =	simm.s32 $0x5600  }
0xd5: {  	[hbm4b:s9+s2] =	stream.linear.scatter [tilespmem:s10], [sflag:$0x3], $0x80, $0x38;
	[tilespmem:$0xA000] =	vst v63  }
0xd6: {  	s23 =	sadd.s32 $0x20, s5;
	s25 =	simm.s32 $0x5A00  }
0xd7: {  	[hbm4b:s23+s2] =	stream.linear.scatter [tilespmem:s25], [sflag:$0x3], $0x80, $0x38;
	[tilespmem:$0xA000] =	vst v63  }
0xd8: {  	s10 =	sadd.s32 $0x30, s5;
	s23 =	simm.s32 $0x5E00  }
0xd9: {  	[hbm4b:s10+s2] =	stream.linear.scatter [tilespmem:s23], [sflag:$0x3], $0x80, $0x38;
	[tilespmem:$0xA000] =	vst v63  }
0xda: {  	s5 =	rddreg [dreg:$0x1d];
	s25 =	simm.s32 $0x5280  }
0xdb: {  	[hbm4b:s5+s2] =	stream.linear.scatter [tilespmem:s25], [sflag:$0x3], $0x80, $0x38;
	[tilespmem:$0xA000] =	vst v63  }
0xdc: {  	s9 =	sadd.s32 $0x10, s5;
	s10 =	simm.s32 $0x5680  }
0xdd: {  	[hbm4b:s9+s2] =	stream.linear.scatter [tilespmem:s10], [sflag:$0x3], $0x80, $0x38;
	[tilespmem:$0xA000] =	vst v63  }
0xde: {  	s23 =	sadd.s32 $0x20, s5;
	s25 =	simm.s32 $0x5A80  }
0xdf: {  	[hbm4b:s23+s2] =	stream.linear.scatter [tilespmem:s25], [sflag:$0x3], $0x80, $0x38;
	[tilespmem:$0xA000] =	vst v63  }
0xe0: {  	s10 =	sadd.s32 $0x30, s5;
	s23 =	simm.s32 $0x5E80  }
0xe1: {  	[hbm4b:s10+s2] =	stream.linear.scatter [tilespmem:s23], [sflag:$0x3], $0x80, $0x38;
	[tilespmem:$0xA000] =	vst v63  }
0xe2: {  	s5 =	rddreg [dreg:$0x1e];
	s25 =	simm.s32 $0x5300  }
0xe3: {  	[hbm4b:s5+s2] =	stream.linear.scatter [tilespmem:s25], [sflag:$0x3], $0x80, $0x38;
	[tilespmem:$0xA000] =	vst v63  }
0xe4: {  	s9 =	sadd.s32 $0x10, s5;
	s10 =	simm.s32 $0x5700  }
0xe5: {  	[hbm4b:s9+s2] =	stream.linear.scatter [tilespmem:s10], [sflag:$0x3], $0x80, $0x38;
	[tilespmem:$0xA000] =	vst v63  }
0xe6: {  	s23 =	sadd.s32 $0x20, s5;
	s25 =	simm.s32 $0x5B00  }
0xe7: {  	[hbm4b:s23+s2] =	stream.linear.scatter [tilespmem:s25], [sflag:$0x3], $0x80, $0x38;
	[tilespmem:$0xA000] =	vst v63  }
0xe8: {  	s10 =	sadd.s32 $0x30, s5;
	s23 =	simm.s32 $0x5F00  }
0xe9: {  	[hbm4b:s10+s2] =	stream.linear.scatter [tilespmem:s23], [sflag:$0x3], $0x80, $0x38;
	[tilespmem:$0xA000] =	vst v63  }
0xea: {  	s5 =	rddreg [dreg:$0x1f];
	s25 =	simm.s32 $0x5380  }
0xeb: {  	[hbm4b:s5+s2] =	stream.linear.scatter [tilespmem:s25], [sflag:$0x3], $0x80, $0x38;
	[tilespmem:$0xA000] =	vst v63  }
0xec: {  	s9 =	sadd.s32 $0x10, s5;
	s10 =	simm.s32 $0x5780  }
0xed: {  	[hbm4b:s9+s2] =	stream.linear.scatter [tilespmem:s10], [sflag:$0x3], $0x80, $0x38;
	[tilespmem:$0xA000] =	vst v63  }
0xee: {  	s23 =	sadd.s32 $0x20, s5;
	s25 =	simm.s32 $0x5B80  }
0xef: {  	[hbm4b:s23+s2] =	stream.linear.scatter [tilespmem:s25], [sflag:$0x3], $0x80, $0x38;
	[tilespmem:$0xA000] =	vst v63  }
0xf0: {  	s10 =	sadd.s32 $0x30, s5;
	s23 =	simm.s32 $0x5F80  }
0xf1: {  	[hbm4b:s10+s2] =	stream.linear.scatter [tilespmem:s23], [sflag:$0x3], $0x80, $0x38;
	[tilespmem:$0xA000] =	vst v63  }
0xf2: {  	_ =	swait.ge [sflag:s1], $0x1000  }
0xf3: {  	[sflag:s1] =	ssyncset.done $0x0  }
0xf4: {  	s9 =	simm.s32 $0x6000;
	s5 =	rddreg [dreg:$0x12];
	[sflag:s1] =	ssyncadd.s32 $0xFFFFF000  }
0xf5: {  	[hbm4b:s5+s2] =	stream.linear.scatter [tilespmem:s9], [sflag:$0x3], $0x80, $0x38;
	[tilespmem:$0xA000] =	vst v63  }
0xf6: {  	s10 =	simm.s32 $0x6400;
	s25 =	sadd.s32 $0x10, s5  }
0xf7: {  	[hbm4b:s25+s2] =	stream.linear.scatter [tilespmem:s10], [sflag:$0x3], $0x80, $0x38;
	[tilespmem:$0xA000] =	vst v63  }
0xf8: {  	s23 =	sadd.s32 $0x20, s5;
	s25 =	simm.s32 $0x6800  }
0xf9: {  	[hbm4b:s23+s2] =	stream.linear.scatter [tilespmem:s25], [sflag:$0x3], $0x80, $0x38;
	[tilespmem:$0xA000] =	vst v63  }
0xfa: {  	s23 =	sadd.s32 $0x30, s5;
	s25 =	simm.s32 $0x6C00;
	s5 =	sld [smem:$0x7F4]  }
0xfb: {  	[hbm4b:s23+s2] =	stream.linear.scatter [tilespmem:s25], [sflag:$0x3], $0x80, $0x38;
	[tilespmem:$0xA000] =	vst v63  }
0xfc: {  	s10 =	simm.s32 $0x6080  }
0xfd: {  	[hbm4b:s5+s2] =	stream.linear.scatter [tilespmem:s10], [sflag:$0x3], $0x80, $0x38;
	[tilespmem:$0xA000] =	vst v63  }
0xfe: {  	s25 =	simm.s32 $0x6480;
	s23 =	sadd.s32 $0x10, s5  }
0xff: {  	[hbm4b:s23+s2] =	stream.linear.scatter [tilespmem:s25], [sflag:$0x3], $0x80, $0x38;
	[tilespmem:$0xA000] =	vst v63  }
0x100: {  	s23 =	sadd.s32 $0x20, s5;
	s25 =	simm.s32 $0x6880  }
0x101: {  	[hbm4b:s23+s2] =	stream.linear.scatter [tilespmem:s25], [sflag:$0x3], $0x80, $0x38;
	[tilespmem:$0xA000] =	vst v63  }
0x102: {  	s23 =	sadd.s32 $0x30, s5;
	s25 =	simm.s32 $0x6C80;
	s5 =	sld [smem:$0x7F5]  }
0x103: {  	[hbm4b:s23+s2] =	stream.linear.scatter [tilespmem:s25], [sflag:$0x3], $0x80, $0x38;
	[tilespmem:$0xA000] =	vst v63  }
0x104: {  	s10 =	simm.s32 $0x6100  }
0x105: {  	[hbm4b:s5+s2] =	stream.linear.scatter [tilespmem:s10], [sflag:$0x3], $0x80, $0x38;
	[tilespmem:$0xA000] =	vst v63  }
0x106: {  	s25 =	simm.s32 $0x6500;
	s23 =	sadd.s32 $0x10, s5  }
0x107: {  	[hbm4b:s23+s2] =	stream.linear.scatter [tilespmem:s25], [sflag:$0x3], $0x80, $0x38;
	[tilespmem:$0xA000] =	vst v63  }
0x108: {  	s23 =	sadd.s32 $0x20, s5;
	s25 =	simm.s32 $0x6900  }
0x109: {  	[hbm4b:s23+s2] =	stream.linear.scatter [tilespmem:s25], [sflag:$0x3], $0x80, $0x38;
	[tilespmem:$0xA000] =	vst v63  }
0x10a: {  	s23 =	sadd.s32 $0x30, s5;
	s25 =	simm.s32 $0x6D00;
	s5 =	sld [smem:$0x7F6]  }
0x10b: {  	[hbm4b:s23+s2] =	stream.linear.scatter [tilespmem:s25], [sflag:$0x3], $0x80, $0x38;
	[tilespmem:$0xA000] =	vst v63  }
0x10c: {  	s10 =	simm.s32 $0x6180  }
0x10d: {  	[hbm4b:s5+s2] =	stream.linear.scatter [tilespmem:s10], [sflag:$0x3], $0x80, $0x38;
	[tilespmem:$0xA000] =	vst v63  }
0x10e: {  	s25 =	simm.s32 $0x6580;
	s23 =	sadd.s32 $0x10, s5  }
0x10f: {  	[hbm4b:s23+s2] =	stream.linear.scatter [tilespmem:s25], [sflag:$0x3], $0x80, $0x38;
	[tilespmem:$0xA000] =	vst v63  }
0x110: {  	s23 =	sadd.s32 $0x20, s5;
	s25 =	simm.s32 $0x6980  }
0x111: {  	[hbm4b:s23+s2] =	stream.linear.scatter [tilespmem:s25], [sflag:$0x3], $0x80, $0x38;
	[tilespmem:$0xA000] =	vst v63  }
0x112: {  	s23 =	sadd.s32 $0x30, s5;
	s25 =	simm.s32 $0x6D80;
	s5 =	sld [smem:$0x7F7]  }
0x113: {  	[hbm4b:s23+s2] =	stream.linear.scatter [tilespmem:s25], [sflag:$0x3], $0x80, $0x38;
	[tilespmem:$0xA000] =	vst v63  }
0x114: {  	s10 =	simm.s32 $0x6200  }
0x115: {  	[hbm4b:s5+s2] =	stream.linear.scatter [tilespmem:s10], [sflag:$0x3], $0x80, $0x38;
	[tilespmem:$0xA000] =	vst v63  }
0x116: {  	s25 =	simm.s32 $0x6600;
	s23 =	sadd.s32 $0x10, s5  }
0x117: {  	[hbm4b:s23+s2] =	stream.linear.scatter [tilespmem:s25], [sflag:$0x3], $0x80, $0x38;
	[tilespmem:$0xA000] =	vst v63  }
0x118: {  	s23 =	sadd.s32 $0x20, s5;
	s25 =	simm.s32 $0x6A00  }
0x119: {  	[hbm4b:s23+s2] =	stream.linear.scatter [tilespmem:s25], [sflag:$0x3], $0x80, $0x38;
	[tilespmem:$0xA000] =	vst v63  }
0x11a: {  	s23 =	sadd.s32 $0x30, s5;
	s25 =	simm.s32 $0x6E00;
	s5 =	sld [smem:$0x7F8]  }
0x11b: {  	[hbm4b:s23+s2] =	stream.linear.scatter [tilespmem:s25], [sflag:$0x3], $0x80, $0x38;
	[tilespmem:$0xA000] =	vst v63  }
0x11c: {  	s10 =	simm.s32 $0x6280  }
0x11d: {  	[hbm4b:s5+s2] =	stream.linear.scatter [tilespmem:s10], [sflag:$0x3], $0x80, $0x38;
	[tilespmem:$0xA000] =	vst v63  }
0x11e: {  	s25 =	simm.s32 $0x6680;
	s23 =	sadd.s32 $0x10, s5  }
0x11f: {  	[hbm4b:s23+s2] =	stream.linear.scatter [tilespmem:s25], [sflag:$0x3], $0x80, $0x38;
	[tilespmem:$0xA000] =	vst v63  }
0x120: {  	s23 =	sadd.s32 $0x20, s5;
	s25 =	simm.s32 $0x6A80  }
0x121: {  	[hbm4b:s23+s2] =	stream.linear.scatter [tilespmem:s25], [sflag:$0x3], $0x80, $0x38;
	[tilespmem:$0xA000] =	vst v63  }
0x122: {  	s23 =	sadd.s32 $0x30, s5;
	s25 =	simm.s32 $0x6E80;
	s5 =	sld [smem:$0x7F9]  }
0x123: {  	[hbm4b:s23+s2] =	stream.linear.scatter [tilespmem:s25], [sflag:$0x3], $0x80, $0x38;
	[tilespmem:$0xA000] =	vst v63  }
0x124: {  	s10 =	simm.s32 $0x6300  }
0x125: {  	[hbm4b:s5+s2] =	stream.linear.scatter [tilespmem:s10], [sflag:$0x3], $0x80, $0x38;
	[tilespmem:$0xA000] =	vst v63  }
0x126: {  	s25 =	simm.s32 $0x6700;
	s23 =	sadd.s32 $0x10, s5  }
0x127: {  	[hbm4b:s23+s2] =	stream.linear.scatter [tilespmem:s25], [sflag:$0x3], $0x80, $0x38;
	[tilespmem:$0xA000] =	vst v63  }
0x128: {  	s23 =	sadd.s32 $0x20, s5;
	s25 =	simm.s32 $0x6B00  }
0x129: {  	[hbm4b:s23+s2] =	stream.linear.scatter [tilespmem:s25], [sflag:$0x3], $0x80, $0x38;
	[tilespmem:$0xA000] =	vst v63  }
0x12a: {  	s23 =	sadd.s32 $0x30, s5;
	s25 =	simm.s32 $0x6F00;
	s5 =	sld [smem:$0x7FA]  }
0x12b: {  	[hbm4b:s23+s2] =	stream.linear.scatter [tilespmem:s25], [sflag:$0x3], $0x80, $0x38;
	[tilespmem:$0xA000] =	vst v63  }
0x12c: {  	s10 =	simm.s32 $0x6380  }
0x12d: {  	[hbm4b:s5+s2] =	stream.linear.scatter [tilespmem:s10], [sflag:$0x3], $0x80, $0x38;
	[tilespmem:$0xA000] =	vst v63  }
0x12e: {  	s25 =	simm.s32 $0x6780;
	s23 =	sadd.s32 $0x10, s5  }
0x12f: {  	[hbm4b:s23+s2] =	stream.linear.scatter [tilespmem:s25], [sflag:$0x3], $0x80, $0x38;
	[tilespmem:$0xA000] =	vst v63  }
0x130: {  	s23 =	sadd.s32 $0x20, s5;
	s25 =	simm.s32 $0x6B80  }
0x131: {  	[hbm4b:s23+s2] =	stream.linear.scatter [tilespmem:s25], [sflag:$0x3], $0x80, $0x38;
	[tilespmem:$0xA000] =	vst v63  }
0x132: {  	s23 =	sadd.s32 $0x30, s5;
	s25 =	simm.s32 $0x6F80  }
0x133: {  	[hbm4b:s23+s2] =	stream.linear.scatter [tilespmem:s25], [sflag:$0x3], $0x80, $0x38;
	[tilespmem:$0xA000] =	vst v63  }
0x134: {  	_ =	swait.ge [sflag:s1], $0x1000  }
0x135: {  	[sflag:s1] =	ssyncset.done $0x0  }
0x136: {  	s10 =	simm.s32 $0x7000;
	s5 =	rddreg [dreg:$0x13];
	[sflag:s1] =	ssyncadd.s32 $0xFFFFF000  }
0x137: {  	[hbm4b:s5+s2] =	stream.linear.scatter [tilespmem:s10], [sflag:$0x3], $0x80, $0x38;
	[tilespmem:$0xA000] =	vst v63  }
0x138: {  	s25 =	simm.s32 $0x7400;
	s23 =	sadd.s32 $0x10, s5  }
0x139: {  	[hbm4b:s23+s2] =	stream.linear.scatter [tilespmem:s25], [sflag:$0x3], $0x80, $0x38;
	[tilespmem:$0xA000] =	vst v63  }
0x13a: {  	s23 =	sadd.s32 $0x20, s5;
	s25 =	simm.s32 $0x7800  }
0x13b: {  	[hbm4b:s23+s2] =	stream.linear.scatter [tilespmem:s25], [sflag:$0x3], $0x80, $0x38;
	[tilespmem:$0xA000] =	vst v63  }
0x13c: {  	s23 =	sadd.s32 $0x30, s5;
	s25 =	simm.s32 $0x7C00;
	s5 =	sld [smem:$0x7FB]  }
0x13d: {  	[hbm4b:s23+s2] =	stream.linear.scatter [tilespmem:s25], [sflag:$0x3], $0x80, $0x38;
	[tilespmem:$0xA000] =	vst v63  }
0x13e: {  	s10 =	simm.s32 $0x7080  }
0x13f: {  	[hbm4b:s5+s2] =	stream.linear.scatter [tilespmem:s10], [sflag:$0x3], $0x80, $0x38;
	[tilespmem:$0xA000] =	vst v63  }
0x140: {  	s25 =	simm.s32 $0x7480;
	s23 =	sadd.s32 $0x10, s5  }
0x141: {  	[hbm4b:s23+s2] =	stream.linear.scatter [tilespmem:s25], [sflag:$0x3], $0x80, $0x38;
	[tilespmem:$0xA000] =	vst v63  }
0x142: {  	s23 =	sadd.s32 $0x20, s5;
	s25 =	simm.s32 $0x7880  }
0x143: {  	[hbm4b:s23+s2] =	stream.linear.scatter [tilespmem:s25], [sflag:$0x3], $0x80, $0x38;
	[tilespmem:$0xA000] =	vst v63  }
0x144: {  	s23 =	sadd.s32 $0x30, s5;
	s25 =	simm.s32 $0x7C80;
	s5 =	sld [smem:$0x7FC]  }
0x145: {  	[hbm4b:s23+s2] =	stream.linear.scatter [tilespmem:s25], [sflag:$0x3], $0x80, $0x38;
	[tilespmem:$0xA000] =	vst v63  }
0x146: {  	s10 =	simm.s32 $0x7100  }
0x147: {  	[hbm4b:s5+s2] =	stream.linear.scatter [tilespmem:s10], [sflag:$0x3], $0x80, $0x38;
	[tilespmem:$0xA000] =	vst v63  }
0x148: {  	s25 =	simm.s32 $0x7500;
	s23 =	sadd.s32 $0x10, s5  }
0x149: {  	[hbm4b:s23+s2] =	stream.linear.scatter [tilespmem:s25], [sflag:$0x3], $0x80, $0x38;
	[tilespmem:$0xA000] =	vst v63  }
0x14a: {  	s23 =	sadd.s32 $0x20, s5;
	s25 =	simm.s32 $0x7900  }
0x14b: {  	[hbm4b:s23+s2] =	stream.linear.scatter [tilespmem:s25], [sflag:$0x3], $0x80, $0x38;
	[tilespmem:$0xA000] =	vst v63  }
0x14c: {  	s10 =	sld [smem:$0x7FD];
	s23 =	sadd.s32 $0x30, s5;
	s25 =	simm.s32 $0x7D00  }
0x14d: {  	[hbm4b:s23+s2] =	stream.linear.scatter [tilespmem:s25], [sflag:$0x3], $0x80, $0x38;
	[tilespmem:$0xA000] =	vst v63  }
0x14e: {  	s5 =	simm.s32 $0x7180  }
0x14f: {  	[hbm4b:s10+s2] =	stream.linear.scatter [tilespmem:s5], [sflag:$0x3], $0x80, $0x38;
	[tilespmem:$0xA000] =	vst v63  }
0x150: {  	s23 =	sadd.s32 $0x10, s10;
	s25 =	simm.s32 $0x7580  }
0x151: {  	[hbm4b:s23+s2] =	stream.linear.scatter [tilespmem:s25], [sflag:$0x3], $0x80, $0x38;
	[tilespmem:$0xA000] =	vst v63  }
0x152: {  	s23 =	sadd.s32 $0x20, s10;
	s25 =	simm.s32 $0x7980  }
0x153: {  	[hbm4b:s23+s2] =	stream.linear.scatter [tilespmem:s25], [sflag:$0x3], $0x80, $0x38;
	[tilespmem:$0xA000] =	vst v63  }
0x154: {  	s10 =	sadd.s32 $0x30, s10;
	s23 =	simm.s32 $0x7D80  }
0x155: {  	[hbm4b:s10+s2] =	stream.linear.scatter [tilespmem:s23], [sflag:$0x3], $0x80, $0x38;
	[tilespmem:$0xA000] =	vst v63  }
0x156: {  	s25 =	simm.s32 $0x7200  }
0x157: {  	[hbm4b:s11+s2] =	stream.linear.scatter [tilespmem:s25], [sflag:$0x3], $0x80, $0x38;
	[tilespmem:$0xA000] =	vst v63  }
0x158: {  	s5 =	sadd.s32 $0x10, s11;
	s10 =	simm.s32 $0x7600  }
0x159: {  	[hbm4b:s5+s2] =	stream.linear.scatter [tilespmem:s10], [sflag:$0x3], $0x80, $0x38;
	[tilespmem:$0xA000] =	vst v63  }
0x15a: {  	s23 =	sadd.s32 $0x20, s11;
	s25 =	simm.s32 $0x7A00  }
0x15b: {  	[hbm4b:s23+s2] =	stream.linear.scatter [tilespmem:s25], [sflag:$0x3], $0x80, $0x38;
	[tilespmem:$0xA000] =	vst v63  }
0x15c: {  	s10 =	sadd.s32 $0x30, s11;
	s23 =	simm.s32 $0x7E00  }
0x15d: {  	[hbm4b:s10+s2] =	stream.linear.scatter [tilespmem:s23], [sflag:$0x3], $0x80, $0x38;
	[tilespmem:$0xA000] =	vst v63  }
0x15e: {  	s25 =	simm.s32 $0x7280  }
0x15f: {  	[hbm4b:s12+s2] =	stream.linear.scatter [tilespmem:s25], [sflag:$0x3], $0x80, $0x38;
	[tilespmem:$0xA000] =	vst v63  }
0x160: {  	s5 =	sadd.s32 $0x10, s12;
	s10 =	simm.s32 $0x7680  }
0x161: {  	[hbm4b:s5+s2] =	stream.linear.scatter [tilespmem:s10], [sflag:$0x3], $0x80, $0x38;
	[tilespmem:$0xA000] =	vst v63  }
0x162: {  	s23 =	sadd.s32 $0x20, s12;
	s25 =	simm.s32 $0x7A80  }
0x163: {  	[hbm4b:s23+s2] =	stream.linear.scatter [tilespmem:s25], [sflag:$0x3], $0x80, $0x38;
	[tilespmem:$0xA000] =	vst v63  }
0x164: {  	s10 =	sadd.s32 $0x30, s12;
	s23 =	simm.s32 $0x7E80  }
0x165: {  	[hbm4b:s10+s2] =	stream.linear.scatter [tilespmem:s23], [sflag:$0x3], $0x80, $0x38;
	[tilespmem:$0xA000] =	vst v63  }
0x166: {  	s25 =	simm.s32 $0x7300  }
0x167: {  	[hbm4b:s13+s2] =	stream.linear.scatter [tilespmem:s25], [sflag:$0x3], $0x80, $0x38;
	[tilespmem:$0xA000] =	vst v63  }
0x168: {  	s5 =	sadd.s32 $0x10, s13;
	s10 =	simm.s32 $0x7700  }
0x169: {  	[hbm4b:s5+s2] =	stream.linear.scatter [tilespmem:s10], [sflag:$0x3], $0x80, $0x38;
	[tilespmem:$0xA000] =	vst v63  }
0x16a: {  	s23 =	sadd.s32 $0x20, s13;
	s25 =	simm.s32 $0x7B00  }
0x16b: {  	[hbm4b:s23+s2] =	stream.linear.scatter [tilespmem:s25], [sflag:$0x3], $0x80, $0x38;
	[tilespmem:$0xA000] =	vst v63  }
0x16c: {  	s10 =	sadd.s32 $0x30, s13;
	s23 =	simm.s32 $0x7F00  }
0x16d: {  	[hbm4b:s10+s2] =	stream.linear.scatter [tilespmem:s23], [sflag:$0x3], $0x80, $0x38;
	[tilespmem:$0xA000] =	vst v63  }
0x16e: {  	s25 =	simm.s32 $0x7380  }
0x16f: {  	[hbm4b:s14+s2] =	stream.linear.scatter [tilespmem:s25], [sflag:$0x3], $0x80, $0x38;
	[tilespmem:$0xA000] =	vst v63  }
0x170: {  	s5 =	sadd.s32 $0x10, s14;
	s10 =	simm.s32 $0x7780  }
0x171: {  	[hbm4b:s5+s2] =	stream.linear.scatter [tilespmem:s10], [sflag:$0x3], $0x80, $0x38;
	[tilespmem:$0xA000] =	vst v63  }
0x172: {  	s23 =	sadd.s32 $0x20, s14;
	s25 =	simm.s32 $0x7B80  }
0x173: {  	[hbm4b:s23+s2] =	stream.linear.scatter [tilespmem:s25], [sflag:$0x3], $0x80, $0x38;
	[tilespmem:$0xA000] =	vst v63  }
0x174: {  	s5 =	sadd.s32 $0x30, s14;
	s10 =	simm.s32 $0x7F80  }
0x175: {  	[hbm4b:s5+s2] =	stream.linear.scatter [tilespmem:s10], [sflag:$0x3], $0x80, $0x38;
	[tilespmem:$0xA000] =	vst v63  }
0x176: {  	_ =	swait.ge [sflag:s1], $0x1000  }
0x177: {  	[sflag:s1] =	ssyncset.done $0x0  }
0x178: {  	s10 =	simm.s32 $0x8000;
	s5 =	rddreg [dreg:$0x14];
	[sflag:s1] =	ssyncadd.s32 $0xFFFFF000  }
0x179: {  	[hbm4b:s5+s2] =	stream.linear.scatter [tilespmem:s10], [sflag:$0x3], $0x80, $0x38;
	[tilespmem:$0xA000] =	vst v63  }
0x17a: {  	s25 =	simm.s32 $0x8400;
	s23 =	sadd.s32 $0x10, s5  }
0x17b: {  	[hbm4b:s23+s2] =	stream.linear.scatter [tilespmem:s25], [sflag:$0x3], $0x80, $0x38;
	[tilespmem:$0xA000] =	vst v63  }
0x17c: {  	s25 =	sadd.s32 $0x20, s5;
	s23 =	simm.s32 $0x8800  }
0x17d: {  	[hbm4b:s25+s2] =	stream.linear.scatter [tilespmem:s23], [sflag:$0x3], $0x80, $0x38;
	[tilespmem:$0xA000] =	vst v63  }
0x17e: {  	s23 =	sadd.s32 $0x30, s5;
	s25 =	simm.s32 $0x8C00  }
0x17f: {  	[hbm4b:s23+s2] =	stream.linear.scatter [tilespmem:s25], [sflag:$0x3], $0x80, $0x38;
	[tilespmem:$0xA000] =	vst v63  }
0x180: {  	s5 =	simm.s32 $0x8080  }
0x181: {  	[hbm4b:s15+s2] =	stream.linear.scatter [tilespmem:s5], [sflag:$0x3], $0x80, $0x38;
	[tilespmem:$0xA000] =	vst v63  }
0x182: {  	s23 =	sadd.s32 $0x10, s15;
	s25 =	simm.s32 $0x8480  }
0x183: {  	[hbm4b:s23+s2] =	stream.linear.scatter [tilespmem:s25], [sflag:$0x3], $0x80, $0x38;
	[tilespmem:$0xA000] =	vst v63  }
0x184: {  	s23 =	sadd.s32 $0x20, s15;
	s25 =	simm.s32 $0x8880  }
0x185: {  	[hbm4b:s23+s2] =	stream.linear.scatter [tilespmem:s25], [sflag:$0x3], $0x80, $0x38;
	[tilespmem:$0xA000] =	vst v63  }
0x186: {  	s23 =	sadd.s32 $0x30, s15;
	s25 =	simm.s32 $0x8C80  }
0x187: {  	[hbm4b:s23+s2] =	stream.linear.scatter [tilespmem:s25], [sflag:$0x3], $0x80, $0x38;
	[tilespmem:$0xA000] =	vst v63  }
0x188: {  	s5 =	simm.s32 $0x8100  }
0x189: {  	[hbm4b:s16+s2] =	stream.linear.scatter [tilespmem:s5], [sflag:$0x3], $0x80, $0x38;
	[tilespmem:$0xA000] =	vst v63  }
0x18a: {  	s23 =	sadd.s32 $0x10, s16;
	s25 =	simm.s32 $0x8500  }
0x18b: {  	[hbm4b:s23+s2] =	stream.linear.scatter [tilespmem:s25], [sflag:$0x3], $0x80, $0x38;
	[tilespmem:$0xA000] =	vst v63  }
0x18c: {  	s23 =	sadd.s32 $0x20, s16;
	s25 =	simm.s32 $0x8900  }
0x18d: {  	[hbm4b:s23+s2] =	stream.linear.scatter [tilespmem:s25], [sflag:$0x3], $0x80, $0x38;
	[tilespmem:$0xA000] =	vst v63  }
0x18e: {  	s23 =	sadd.s32 $0x30, s16;
	s25 =	simm.s32 $0x8D00  }
0x18f: {  	[hbm4b:s23+s2] =	stream.linear.scatter [tilespmem:s25], [sflag:$0x3], $0x80, $0x38;
	[tilespmem:$0xA000] =	vst v63  }
0x190: {  	s5 =	simm.s32 $0x8180  }
0x191: {  	[hbm4b:s17+s2] =	stream.linear.scatter [tilespmem:s5], [sflag:$0x3], $0x80, $0x38;
	[tilespmem:$0xA000] =	vst v63  }
0x192: {  	s23 =	sadd.s32 $0x10, s17;
	s25 =	simm.s32 $0x8580  }
0x193: {  	[hbm4b:s23+s2] =	stream.linear.scatter [tilespmem:s25], [sflag:$0x3], $0x80, $0x38;
	[tilespmem:$0xA000] =	vst v63  }
0x194: {  	s23 =	sadd.s32 $0x20, s17;
	s25 =	simm.s32 $0x8980  }
0x195: {  	[hbm4b:s23+s2] =	stream.linear.scatter [tilespmem:s25], [sflag:$0x3], $0x80, $0x38;
	[tilespmem:$0xA000] =	vst v63  }
0x196: {  	s23 =	sadd.s32 $0x30, s17;
	s25 =	simm.s32 $0x8D80  }
0x197: {  	[hbm4b:s23+s2] =	stream.linear.scatter [tilespmem:s25], [sflag:$0x3], $0x80, $0x38;
	[tilespmem:$0xA000] =	vst v63  }
0x198: {  	s5 =	simm.s32 $0x8200  }
0x199: {  	[hbm4b:s18+s2] =	stream.linear.scatter [tilespmem:s5], [sflag:$0x3], $0x80, $0x38;
	[tilespmem:$0xA000] =	vst v63  }
0x19a: {  	s23 =	sadd.s32 $0x10, s18;
	s25 =	simm.s32 $0x8600  }
0x19b: {  	[hbm4b:s23+s2] =	stream.linear.scatter [tilespmem:s25], [sflag:$0x3], $0x80, $0x38;
	[tilespmem:$0xA000] =	vst v63  }
0x19c: {  	s23 =	sadd.s32 $0x20, s18;
	s25 =	simm.s32 $0x8A00  }
0x19d: {  	[hbm4b:s23+s2] =	stream.linear.scatter [tilespmem:s25], [sflag:$0x3], $0x80, $0x38;
	[tilespmem:$0xA000] =	vst v63  }
0x19e: {  	s23 =	sadd.s32 $0x30, s18;
	s25 =	simm.s32 $0x8E00  }
0x19f: {  	[hbm4b:s23+s2] =	stream.linear.scatter [tilespmem:s25], [sflag:$0x3], $0x80, $0x38;
	[tilespmem:$0xA000] =	vst v63  }
0x1a0: {  	s5 =	simm.s32 $0x8280  }
0x1a1: {  	[hbm4b:s19+s2] =	stream.linear.scatter [tilespmem:s5], [sflag:$0x3], $0x80, $0x38;
	[tilespmem:$0xA000] =	vst v63  }
0x1a2: {  	s23 =	sadd.s32 $0x10, s19;
	s25 =	simm.s32 $0x8680  }
0x1a3: {  	[hbm4b:s23+s2] =	stream.linear.scatter [tilespmem:s25], [sflag:$0x3], $0x80, $0x38;
	[tilespmem:$0xA000] =	vst v63  }
0x1a4: {  	s23 =	sadd.s32 $0x20, s19;
	s25 =	simm.s32 $0x8A80  }
0x1a5: {  	[hbm4b:s23+s2] =	stream.linear.scatter [tilespmem:s25], [sflag:$0x3], $0x80, $0x38;
	[tilespmem:$0xA000] =	vst v63  }
0x1a6: {  	s23 =	sadd.s32 $0x30, s19;
	s25 =	simm.s32 $0x8E80  }
0x1a7: {  	[hbm4b:s23+s2] =	stream.linear.scatter [tilespmem:s25], [sflag:$0x3], $0x80, $0x38;
	[tilespmem:$0xA000] =	vst v63  }
0x1a8: {  	s5 =	simm.s32 $0x8300  }
0x1a9: {  	[hbm4b:s20+s2] =	stream.linear.scatter [tilespmem:s5], [sflag:$0x3], $0x80, $0x38;
	[tilespmem:$0xA000] =	vst v63  }
0x1aa: {  	s23 =	sadd.s32 $0x10, s20;
	s25 =	simm.s32 $0x8700  }
0x1ab: {  	[hbm4b:s23+s2] =	stream.linear.scatter [tilespmem:s25], [sflag:$0x3], $0x80, $0x38;
	[tilespmem:$0xA000] =	vst v63  }
0x1ac: {  	s23 =	sadd.s32 $0x20, s20;
	s25 =	simm.s32 $0x8B00  }
0x1ad: {  	[hbm4b:s23+s2] =	stream.linear.scatter [tilespmem:s25], [sflag:$0x3], $0x80, $0x38;
	[tilespmem:$0xA000] =	vst v63  }
0x1ae: {  	s23 =	sadd.s32 $0x30, s20;
	s25 =	simm.s32 $0x8F00  }
0x1af: {  	[hbm4b:s23+s2] =	stream.linear.scatter [tilespmem:s25], [sflag:$0x3], $0x80, $0x38;
	[tilespmem:$0xA000] =	vst v63  }
0x1b0: {  	s5 =	simm.s32 $0x8380  }
0x1b1: {  	[hbm4b:s21+s2] =	stream.linear.scatter [tilespmem:s5], [sflag:$0x3], $0x80, $0x38;
	[tilespmem:$0xA000] =	vst v63  }
0x1b2: {  	s23 =	sadd.s32 $0x10, s21;
	s25 =	simm.s32 $0x8780  }
0x1b3: {  	[hbm4b:s23+s2] =	stream.linear.scatter [tilespmem:s25], [sflag:$0x3], $0x80, $0x38;
	[tilespmem:$0xA000] =	vst v63  }
0x1b4: {  	s23 =	sadd.s32 $0x20, s21;
	s25 =	simm.s32 $0x8B80  }
0x1b5: {  	[hbm4b:s23+s2] =	stream.linear.scatter [tilespmem:s25], [sflag:$0x3], $0x80, $0x38;
	[tilespmem:$0xA000] =	vst v63  }
0x1b6: {  	s23 =	sadd.s32 $0x30, s21;
	s25 =	simm.s32 $0x8F80  }
0x1b7: {  	[hbm4b:s23+s2] =	stream.linear.scatter [tilespmem:s25], [sflag:$0x3], $0x80, $0x38;
	[tilespmem:$0xA000] =	vst v63  }
0x1b8: {  	_ =	swait.ge [sflag:s1], $0x1000  }
0x1b9: {  	[sflag:s1] =	ssyncset.done $0x0  }
0x1ba: {  	s25 =	simm.s32 $0x9000;
	s5 =	rddreg [dreg:$0x15];
	[sflag:s1] =	ssyncadd.s32 $0xFFFFF000  }
0x1bb: {  	[hbm4b:s5+s2] =	stream.linear.scatter [tilespmem:s25], [sflag:$0x3], $0x80, $0x38;
	[tilespmem:$0xA000] =	vst v63  }
0x1bc: {  	s23 =	simm.s32 $0x9400;
	s4 =	sadd.s32 $0x10, s5  }
0x1bd: {  	[hbm4b:s4+s2] =	stream.linear.scatter [tilespmem:s23], [sflag:$0x3], $0x80, $0x38;
	[tilespmem:$0xA000] =	vst v63  }
0x1be: {  	s4 =	sadd.s32 $0x20, s5;
	s23 =	simm.s32 $0x9800  }
0x1bf: {  	[hbm4b:s4+s2] =	stream.linear.scatter [tilespmem:s23], [sflag:$0x3], $0x80, $0x38;
	[tilespmem:$0xA000] =	vst v63  }
0x1c0: {  	s4 =	sadd.s32 $0x30, s5;
	s23 =	simm.s32 $0x9C00  }
0x1c1: {  	[hbm4b:s4+s2] =	stream.linear.scatter [tilespmem:s23], [sflag:$0x3], $0x80, $0x38;
	[tilespmem:$0xA000] =	vst v63  }
0x1c2: {  	s23 =	simm.s32 $0x9080  }
0x1c3: {  	[hbm4b:s22+s2] =	stream.linear.scatter [tilespmem:s23], [sflag:$0x3], $0x80, $0x38;
	[tilespmem:$0xA000] =	vst v63  }
0x1c4: {  	s4 =	sadd.s32 $0x10, s22;
	s23 =	simm.s32 $0x9480  }
0x1c5: {  	[hbm4b:s4+s2] =	stream.linear.scatter [tilespmem:s23], [sflag:$0x3], $0x80, $0x38;
	[tilespmem:$0xA000] =	vst v63  }
0x1c6: {  	s4 =	sadd.s32 $0x20, s22;
	s23 =	simm.s32 $0x9880  }
0x1c7: {  	[hbm4b:s4+s2] =	stream.linear.scatter [tilespmem:s23], [sflag:$0x3], $0x80, $0x38;
	[tilespmem:$0xA000] =	vst v63  }
0x1c8: {  	s4 =	sadd.s32 $0x30, s22;
	s23 =	simm.s32 $0x9C80  }
0x1c9: {  	[hbm4b:s4+s2] =	stream.linear.scatter [tilespmem:s23], [sflag:$0x3], $0x80, $0x38;
	[tilespmem:$0xA000] =	vst v63  }
0x1ca: {  	s23 =	simm.s32 $0x9100  }
0x1cb: {  	[hbm4b:s24+s2] =	stream.linear.scatter [tilespmem:s23], [sflag:$0x3], $0x80, $0x38;
	[tilespmem:$0xA000] =	vst v63  }
0x1cc: {  	s4 =	sadd.s32 $0x10, s24;
	s23 =	simm.s32 $0x9500  }
0x1cd: {  	[hbm4b:s4+s2] =	stream.linear.scatter [tilespmem:s23], [sflag:$0x3], $0x80, $0x38;
	[tilespmem:$0xA000] =	vst v63  }
0x1ce: {  	s4 =	sadd.s32 $0x20, s24;
	s23 =	simm.s32 $0x9900  }
0x1cf: {  	[hbm4b:s4+s2] =	stream.linear.scatter [tilespmem:s23], [sflag:$0x3], $0x80, $0x38;
	[tilespmem:$0xA000] =	vst v63  }
0x1d0: {  	s4 =	sadd.s32 $0x30, s24;
	s23 =	simm.s32 $0x9D00  }
0x1d1: {  	[hbm4b:s4+s2] =	stream.linear.scatter [tilespmem:s23], [sflag:$0x3], $0x80, $0x38;
	[tilespmem:$0xA000] =	vst v63  }
0x1d2: {  	s23 =	simm.s32 $0x9180  }
0x1d3: {  	[hbm4b:s26+s2] =	stream.linear.scatter [tilespmem:s23], [sflag:$0x3], $0x80, $0x38;
	[tilespmem:$0xA000] =	vst v63  }
0x1d4: {  	s4 =	sadd.s32 $0x10, s26;
	s23 =	simm.s32 $0x9580  }
0x1d5: {  	[hbm4b:s4+s2] =	stream.linear.scatter [tilespmem:s23], [sflag:$0x3], $0x80, $0x38;
	[tilespmem:$0xA000] =	vst v63  }
0x1d6: {  	s4 =	sadd.s32 $0x20, s26;
	s23 =	simm.s32 $0x9980  }
0x1d7: {  	[hbm4b:s4+s2] =	stream.linear.scatter [tilespmem:s23], [sflag:$0x3], $0x80, $0x38;
	[tilespmem:$0xA000] =	vst v63  }
0x1d8: {  	s4 =	sadd.s32 $0x30, s26;
	s23 =	simm.s32 $0x9D80  }
0x1d9: {  	[hbm4b:s4+s2] =	stream.linear.scatter [tilespmem:s23], [sflag:$0x3], $0x80, $0x38;
	[tilespmem:$0xA000] =	vst v63  }
0x1da: {  	s23 =	simm.s32 $0x9200  }
0x1db: {  	[hbm4b:s28+s2] =	stream.linear.scatter [tilespmem:s23], [sflag:$0x3], $0x80, $0x38;
	[tilespmem:$0xA000] =	vst v63  }
0x1dc: {  	s4 =	sadd.s32 $0x10, s28;
	s23 =	simm.s32 $0x9600  }
0x1dd: {  	[hbm4b:s4+s2] =	stream.linear.scatter [tilespmem:s23], [sflag:$0x3], $0x80, $0x38;
	[tilespmem:$0xA000] =	vst v63  }
0x1de: {  	s4 =	sadd.s32 $0x20, s28;
	s23 =	simm.s32 $0x9A00  }
0x1df: {  	[hbm4b:s4+s2] =	stream.linear.scatter [tilespmem:s23], [sflag:$0x3], $0x80, $0x38;
	[tilespmem:$0xA000] =	vst v63  }
0x1e0: {  	s4 =	sadd.s32 $0x30, s28;
	s23 =	simm.s32 $0x9E00  }
0x1e1: {  	[hbm4b:s4+s2] =	stream.linear.scatter [tilespmem:s23], [sflag:$0x3], $0x80, $0x38;
	[tilespmem:$0xA000] =	vst v63  }
0x1e2: {  	s23 =	simm.s32 $0x9280  }
0x1e3: {  	[hbm4b:s29+s2] =	stream.linear.scatter [tilespmem:s23], [sflag:$0x3], $0x80, $0x38;
	[tilespmem:$0xA000] =	vst v63  }
0x1e4: {  	s4 =	sadd.s32 $0x10, s29;
	s23 =	simm.s32 $0x9680  }
0x1e5: {  	[hbm4b:s4+s2] =	stream.linear.scatter [tilespmem:s23], [sflag:$0x3], $0x80, $0x38;
	[tilespmem:$0xA000] =	vst v63  }
0x1e6: {  	s4 =	sadd.s32 $0x20, s29;
	s23 =	simm.s32 $0x9A80  }
0x1e7: {  	[hbm4b:s4+s2] =	stream.linear.scatter [tilespmem:s23], [sflag:$0x3], $0x80, $0x38;
	[tilespmem:$0xA000] =	vst v63  }
0x1e8: {  	s4 =	sadd.s32 $0x30, s29;
	s23 =	simm.s32 $0x9E80  }
0x1e9: {  	[hbm4b:s4+s2] =	stream.linear.scatter [tilespmem:s23], [sflag:$0x3], $0x80, $0x38;
	[tilespmem:$0xA000] =	vst v63  }
0x1ea: {  	s23 =	simm.s32 $0x9300  }
0x1eb: {  	[hbm4b:s30+s2] =	stream.linear.scatter [tilespmem:s23], [sflag:$0x3], $0x80, $0x38;
	[tilespmem:$0xA000] =	vst v63  }
0x1ec: {  	s4 =	sadd.s32 $0x10, s30;
	s23 =	simm.s32 $0x9700  }
0x1ed: {  	[hbm4b:s4+s2] =	stream.linear.scatter [tilespmem:s23], [sflag:$0x3], $0x80, $0x38;
	[tilespmem:$0xA000] =	vst v63  }
0x1ee: {  	s4 =	sadd.s32 $0x20, s30;
	s23 =	simm.s32 $0x9B00  }
0x1ef: {  	[hbm4b:s4+s2] =	stream.linear.scatter [tilespmem:s23], [sflag:$0x3], $0x80, $0x38;
	[tilespmem:$0xA000] =	vst v63  }
0x1f0: {  	s4 =	sadd.s32 $0x30, s30;
	s23 =	simm.s32 $0x9F00  }
0x1f1: {  	[hbm4b:s4+s2] =	stream.linear.scatter [tilespmem:s23], [sflag:$0x3], $0x80, $0x38;
	[tilespmem:$0xA000] =	vst v63  }
0x1f2: {  	s23 =	simm.s32 $0x9380  }
0x1f3: {  	[hbm4b:s31+s2] =	stream.linear.scatter [tilespmem:s23], [sflag:$0x3], $0x80, $0x38;
	[tilespmem:$0xA000] =	vst v63  }
0x1f4: {  	s4 =	sadd.s32 $0x10, s31;
	s23 =	simm.s32 $0x9780  }
0x1f5: {  	[hbm4b:s4+s2] =	stream.linear.scatter [tilespmem:s23], [sflag:$0x3], $0x80, $0x38;
	[tilespmem:$0xA000] =	vst v63  }
0x1f6: {  	s4 =	sadd.s32 $0x20, s31;
	s23 =	simm.s32 $0x9B80  }
0x1f7: {  	[hbm4b:s4+s2] =	stream.linear.scatter [tilespmem:s23], [sflag:$0x3], $0x80, $0x38;
	[tilespmem:$0xA000] =	vst v63  }
0x1f8: {  	s4 =	sadd.s32 $0x30, s31;
	s23 =	simm.s32 $0x9F80  }
0x1f9: {  	[hbm4b:s4+s2] =	stream.linear.scatter [tilespmem:s23], [sflag:$0x3], $0x80, $0x38;
	[tilespmem:$0xA000] =	vst v63  }
0x1fa: {  	_ =	swait.ge [sflag:s0], $0x200  }
0x1fb: {  	[sflag:s0] =	ssyncset.done $0x0  }
0x1fc: {  	[sflag:s0] =	ssyncadd.s32 $0xFFFFFE00  }
0x1fd: {  	_ =	swait.ge [sflag:s0], $0x200  }
0x1fe: {  	[sflag:s0] =	ssyncset.done $0x0  }
0x1ff: {  	[sflag:s0] =	ssyncadd.s32 $0xFFFFFE00  }
0x200: {  	_ =	swait.ge [sflag:s0], $0x200  }
0x201: {  	[sflag:s0] =	ssyncset.done $0x0  }
0x202: {  	[sflag:s0] =	ssyncadd.s32 $0xFFFFFE00  }
0x203: {  	_ =	swait.ge [sflag:s0], $0x200  }
0x204: {  	[sflag:s0] =	ssyncset.done $0x0  }
0x205: {  	[sflag:s0] =	ssyncadd.s32 $0xFFFFFE00  }
0x206: {  	_ =	swait.ge [sflag:s0], $0x200  }
0x207: {  	[sflag:s0] =	ssyncset.done $0x0  }
0x208: {  	[sflag:s0] =	ssyncadd.s32 $0xFFFFFE00  }
0x209: {  	_ =	swait.ge [sflag:s0], $0x200  }
0x20a: {  	[sflag:s0] =	ssyncset.done $0x0  }
0x20b: {  	[sflag:s0] =	ssyncadd.s32 $0xFFFFFE00  }
0x20c: {  	_ =	swait.ge [sflag:s0], $0x200  }
0x20d: {  	[sflag:s0] =	ssyncset.done $0x0  }
0x20e: {  	[sflag:s0] =	ssyncadd.s32 $0xFFFFFE00  }
0x20f: {  	_ =	swait.ge [sflag:s0], $0x200  }
0x210: {  	[sflag:s0] =	ssyncset.done $0x0  }
0x211: {  	[sflag:s0] =	ssyncadd.s32 $0xFFFFFE00  }
0x212: {  	_ =	swait.ge [sflag:s0], $0x200  }
0x213: {  	[sflag:s0] =	ssyncset.done $0x0  }
0x214: {  	[sflag:s0] =	ssyncadd.s32 $0xFFFFFE00  }
0x215: {  	_ =	swait.ge [sflag:s0], $0x200  }
0x216: {  	[sflag:s0] =	ssyncset.done $0x0  }
0x217: {  	[sflag:s0] =	ssyncadd.s32 $0xFFFFFE00  }
0x218: {  	_ =	swait.ge [sflag:s0], $0x200  }
0x219: {  	[sflag:s0] =	ssyncset.done $0x0  }
0x21a: {  	[sflag:s0] =	ssyncadd.s32 $0xFFFFFE00  }
0x21b: {  	_ =	swait.ge [sflag:s0], $0x200  }
0x21c: {  	[sflag:s0] =	ssyncset.done $0x0  }
0x21d: {  	[sflag:s0] =	ssyncadd.s32 $0xFFFFFE00  }
0x21e: {  	_ =	swait.ge [sflag:s0], $0x200  }
0x21f: {  	[sflag:s0] =	ssyncset.done $0x0  }
0x220: {  	[sflag:s0] =	ssyncadd.s32 $0xFFFFFE00  }
0x221: {  	_ =	swait.ge [sflag:s0], $0x200  }
0x222: {  	[sflag:s0] =	ssyncset.done $0x0  }
0x223: {  	[sflag:s0] =	ssyncadd.s32 $0xFFFFFE00  }
0x224: {  	_ =	swait.ge [sflag:s0], $0x200  }
0x225: {  	[sflag:s0] =	ssyncset.done $0x0  }
0x226: {  	[sflag:s0] =	ssyncadd.s32 $0xFFFFFE00  }
0x227: {  	_ =	swait.ge [sflag:s0], $0x200  }
0x228: {  	[sflag:s0] =	ssyncset.done $0x0  }
0x229: {  	[sflag:s0] =	ssyncadd.s32 $0xFFFFFE00  }
0x22a: {  	_ =	swait.ge [sflag:s0], $0x200  }
0x22b: {  	[sflag:s0] =	ssyncset.done $0x0  }
0x22c: {  	[sflag:s0] =	ssyncadd.s32 $0xFFFFFE00  }
0x22d: {  	_ =	swait.ge [sflag:s0], $0x200  }
0x22e: {  	[sflag:s0] =	ssyncset.done $0x0  }
0x22f: {  	[sflag:s0] =	ssyncadd.s32 $0xFFFFFE00  }
0x230: {  	_ =	swait.ge [sflag:s0], $0x200  }
0x231: {  	[sflag:s0] =	ssyncset.done $0x0  }
0x232: {  	[sflag:s0] =	ssyncadd.s32 $0xFFFFFE00  }
0x233: {  	_ =	swait.ge [sflag:s0], $0x200  }
0x234: {  	[sflag:s0] =	ssyncset.done $0x0  }
0x235: {  	[sflag:s0] =	ssyncadd.s32 $0xFFFFFE00  }
0x236: {  	_ =	swait.ge [sflag:s0], $0x200  }
0x237: {  	[sflag:s0] =	ssyncset.done $0x0  }
0x238: {  	[sflag:s0] =	ssyncadd.s32 $0xFFFFFE00  }
0x239: {  	_ =	swait.ge [sflag:s0], $0x200  }
0x23a: {  	[sflag:s0] =	ssyncset.done $0x0  }
0x23b: {  	[sflag:s0] =	ssyncadd.s32 $0xFFFFFE00  }
0x23c: {  	_ =	swait.ge [sflag:s0], $0x200  }
0x23d: {  	[sflag:s0] =	ssyncset.done $0x0  }
0x23e: {  	[sflag:s0] =	ssyncadd.s32 $0xFFFFFE00  }
0x23f: {  	_ =	swait.ge [sflag:s0], $0x200  }
0x240: {  	[sflag:s0] =	ssyncset.done $0x0  }
0x241: {  	[sflag:s0] =	ssyncadd.s32 $0xFFFFFE00  }
0x242: {  	_ =	swait.ge [sflag:s0], $0x200  }
0x243: {  	[sflag:s0] =	ssyncset.done $0x0  }
0x244: {  	[sflag:s0] =	ssyncadd.s32 $0xFFFFFE00  }
0x245: {  	_ =	swait.ge [sflag:s0], $0x200  }
0x246: {  	[sflag:s0] =	ssyncset.done $0x0  }
0x247: {  	[sflag:s0] =	ssyncadd.s32 $0xFFFFFE00  }
0x248: {  	_ =	swait.ge [sflag:s0], $0x200  }
0x249: {  	[sflag:s0] =	ssyncset.done $0x0  }
0x24a: {  	[sflag:s0] =	ssyncadd.s32 $0xFFFFFE00  }
0x24b: {  	_ =	swait.ge [sflag:s0], $0x200  }
0x24c: {  	[sflag:s0] =	ssyncset.done $0x0  }
0x24d: {  	[sflag:s0] =	ssyncadd.s32 $0xFFFFFE00  }
0x24e: {  	_ =	swait.ge [sflag:s0], $0x200  }
0x24f: {  	[sflag:s0] =	ssyncset.done $0x0  }
0x250: {  	[sflag:s0] =	ssyncadd.s32 $0xFFFFFE00  }
0x251: {  	_ =	swait.ge [sflag:s0], $0x200  }
0x252: {  	[sflag:s0] =	ssyncset.done $0x0  }
0x253: {  	[sflag:s0] =	ssyncadd.s32 $0xFFFFFE00  }
0x254: {  	_ =	swait.ge [sflag:s0], $0x200  }
0x255: {  	[sflag:s0] =	ssyncset.done $0x0  }
0x256: {  	[sflag:s0] =	ssyncadd.s32 $0xFFFFFE00  }
0x257: {  	_ =	swait.ge [sflag:s0], $0x200  }
0x258: {  	[sflag:s0] =	ssyncset.done $0x0  }
0x259: {  	[sflag:s0] =	ssyncadd.s32 $0xFFFFFE00  }
0x25a: {  	_ =	swait.ge [sflag:s0], $0x200  }
0x25b: {  	[sflag:s0] =	ssyncset.done $0x0  }
0x25c: {  	[sflag:s0] =	ssyncadd.s32 $0xFFFFFE00  }
0x25d: {  	_ =	swait.ge [sflag:s0], $0x200  }
0x25e: {  	[sflag:s0] =	ssyncset.done $0x0  }
0x25f: {  	[sflag:s0] =	ssyncadd.s32 $0xFFFFFE00  }
0x260: {  	_ =	swait.ge [sflag:s0], $0x200  }
0x261: {  	[sflag:s0] =	ssyncset.done $0x0  }
0x262: {  	[sflag:s0] =	ssyncadd.s32 $0xFFFFFE00  }
0x263: {  	_ =	swait.ge [sflag:s0], $0x200  }
0x264: {  	[sflag:s0] =	ssyncset.done $0x0  }
0x265: {  	[sflag:s0] =	ssyncadd.s32 $0xFFFFFE00  }
0x266: {  	_ =	swait.ge [sflag:s0], $0x200  }
0x267: {  	[sflag:s0] =	ssyncset.done $0x0  }
0x268: {  	[sflag:s0] =	ssyncadd.s32 $0xFFFFFE00  }
0x269: {  	_ =	swait.ge [sflag:s0], $0x200  }
0x26a: {  	[sflag:s0] =	ssyncset.done $0x0  }
0x26b: {  	[sflag:s0] =	ssyncadd.s32 $0xFFFFFE00  }
0x26c: {  	_ =	swait.ge [sflag:s0], $0x200  }
0x26d: {  	[sflag:s0] =	ssyncset.done $0x0  }
0x26e: {  	[sflag:s0] =	ssyncadd.s32 $0xFFFFFE00  }
0x26f: {  	_ =	swait.ge [sflag:s0], $0x200  }
0x270: {  	[sflag:s0] =	ssyncset.done $0x0  }
0x271: {  	[sflag:s0] =	ssyncadd.s32 $0xFFFFFE00  }
0x272: {  	_ =	swait.ge [sflag:s0], $0x200  }
0x273: {  	[sflag:s0] =	ssyncset.done $0x0  }
0x274: {  	[sflag:s0] =	ssyncadd.s32 $0xFFFFFE00  }
0x275: {  	_ =	swait.ge [sflag:s0], $0x200  }
0x276: {  	[sflag:s0] =	ssyncset.done $0x0  }
0x277: {  	[sflag:s0] =	ssyncadd.s32 $0xFFFFFE00  }
0x278: {  	_ =	swait.ge [sflag:s0], $0x200  }
0x279: {  	[sflag:s0] =	ssyncset.done $0x0  }
0x27a: {  	[sflag:s0] =	ssyncadd.s32 $0xFFFFFE00  }
0x27b: {  	_ =	swait.ge [sflag:s0], $0x200  }
0x27c: {  	[sflag:s0] =	ssyncset.done $0x0  }
0x27d: {  	[sflag:s0] =	ssyncadd.s32 $0xFFFFFE00  }
0x27e: {  	_ =	swait.ge [sflag:s0], $0x200  }
0x27f: {  	[sflag:s0] =	ssyncset.done $0x0  }
0x280: {  	[sflag:s0] =	ssyncadd.s32 $0xFFFFFE00  }
0x281: {  	_ =	swait.ge [sflag:s0], $0x200  }
0x282: {  	[sflag:s0] =	ssyncset.done $0x0  }
0x283: {  	[sflag:s0] =	ssyncadd.s32 $0xFFFFFE00  }
0x284: {  	_ =	swait.ge [sflag:s0], $0x200  }
0x285: {  	[sflag:s0] =	ssyncset.done $0x0  }
0x286: {  	[sflag:s0] =	ssyncadd.s32 $0xFFFFFE00  }
0x287: {  	_ =	swait.ge [sflag:s0], $0x200  }
0x288: {  	[sflag:s0] =	ssyncset.done $0x0  }
0x289: {  	s23 =	simm.s32 $0x2;
	[sflag:s0] =	ssyncadd.s32 $0xFFFFFE00  }
0x28a: {  	_ =	swait.ge [sflag:s23], $0x4000  }
0x28b: {  	s3 =	sadd.s32 $0x1, s3;
	s4 =	rddreg [dreg:$0x19]  }
0x28c: {  	p0 =	sne.s32 s3, s4  }
.Ltmp1:
0x28d: {  	_ = 	snop;
	(pc) =	sbr.rel @p0 .LBB2_1-.Ltmp1, $3  }
0x28e: {  	_ =	sdelay $0x1  }
0x28f: {  	[sflag:s23] =	ssyncset.done $0x0  }
0x290: {  	s5 =	simm.s32 $0x7000;
	[sflag:s23] =	ssyncadd.s32 $0xFFFFC000  }
0x291: {  	_ =	sfence.sel $0x180000  }
0x292: {  	[bflag:$0x0] =	sbarrier.arrive $0xFFFF  }
0x293: {  	_ =	strace $0x90000047  }
0x294: {  	s0 =	stileid.u32;
	[bflag:$0x2] =	sbarrier.arrive $0xFFFF  }
0x295: {  	p0 =	sne.s32 s0, $0x0;
	s0 =	rddreg [dreg:$0x3]  }
0x296: {  	s0 =	sadd.s32 @!p0 $0x100000, s0  }
0x297: {  	[sflag:s0] =	ssyncadd.tile.s32 @!p0 $0x1;
	_ =	shalt  }
.Lfunc_end2:
_tile_overlayer_lowered:
.L_overlay_start_2:
0x298: {  	(tag) =	ssettag $0x2  }
0x299: {  	s0 =	rddreg [dreg:$0x0];
	s2 =	stileid.u32  }
0x29a: {  	s1 =	rddreg [dreg:$0x1];
	p0 =	sne.s32 s2, $0x0  }
0x29b: {  	s3 =	rddreg [dreg:$0x2];
	[bflag:$0x3] =	sbarrier.arrive $0xFFFF;
	s2 =	simm.s32 @!p0 $0x1C04  }
0x29c: {  	[timem:s3], [sflag:s2] =	dma.local @!p0 [hbm:s0], s1  }
0x29d: {  	s0 =	simm.s32 @!p0 $0x4  }
0x29e: {  	_ =	swait.ge @!p0 [sflag:s0], s1  }
0x29f: {  	s1 =	ssub.s32 @!p0 $0x0, s1;
	[sflag:s0] =	ssyncset.done @!p0 $0x0  }
0x2a0: {  	[sflag:s0] =	ssyncadd.s32 @!p0 s1  }
0x2a1: {  	[bflag:$0x3] =	sbarrier.arrive $0xFFFF  }
0x2a2: {  	_ =	shalt  }

</sc_bundles>
